<compile_context>
chip_gen: v7x
topology: tpu7x:2x2x1
jax: 0.10.2.dev20260603
libtpu: 0.0.44.dev20260713+nightly
codegen_flags: <defaults>
</compile_context>

<pallas_src>
import functools
import jax
import jax.numpy as jnp
from jax import lax
from jax.experimental import pallas as pl
from jax.experimental.pallas import tpu as pltpu
from jax.experimental.pallas import tpu_sc as plsc

P = 97
OP_ADD = P
OP_SUB = P + 1
OP_MUL = P + 2
PAD = P + 6
N = 32768
NT = 16
C = N // NT
L = 16
NV = C // L
HB2 = C + 48
FPAD = 24
TPAD = 40
OPAD = 2080

_i32 = jnp.int32
_f32 = jnp.float32


def _sc_body(tok_hbm, val_hbm, cu_hbm, out_tok, out_val, ncu_hbm,
             tbuf, vbuf, sfl, redf, ktok, kval, npb, obt, obv,
             padb, zfb, cuv, cuix, ncub, fragt, fragv, fragix, smem,
             sem_in, sem_fill, sem_sc):
    w = lax.axis_index("s")
    base = pl.multiple_of(w * C, C)
    ii = lax.iota(_i32, L)
    zz = jnp.zeros((L,), _i32)

    def _zsm(i, _):
        smem[i] = 0
        return 0
    lax.fori_loop(0, 18, _zsm, 0)

    oin = pl.multiple_of(jnp.clip(w * C - 16, 0, N - HB2), 8)
    dd = (w * C - 16) - oin
    h_t = pltpu.async_copy(tok_hbm.at[pl.ds(oin, HB2)], tbuf, sem_in)
    h_v = pltpu.async_copy(val_hbm.at[pl.ds(oin, HB2)], vbuf, sem_in)
    pltpu.sync_copy(cu_hbm, cuv)

    @plsc.parallel_loop(0, C, L)
    def _prep(k):
        padb[pl.ds(k, L)] = jnp.full((L,), PAD, _i32)
        zfb[pl.ds(k, L)] = jnp.zeros((L,), _f32)
        sfl[pl.ds(k, L)] = zz
    @plsc.parallel_loop(C, HB2, L)
    def _prep2(k):
        sfl[pl.ds(k, L)] = zz

    h_t.wait()
    h_v.wait()

    f_t = pltpu.async_copy(padb, out_tok.at[pl.ds(base, C)], sem_fill)
    f_v = pltpu.async_copy(zfb, out_val.at[pl.ds(base, C)], sem_fill)

    cuvec = cuv[...]
    kidx = cuvec - base + 16
    own_b = (kidx >= 0) & (kidx < HB2)
    kcl = jnp.clip(kidx, 0, HB2 - 1)
    plsc.store_scatter(sfl, [kcl], jnp.ones((L,), _i32), mask=own_b)

    @plsc.parallel_loop(0, C + L, L)
    def _red(k):
        q = ii + (k + L) + dd
        pv = ii + k + base
        ct = tbuf[pl.ds(jnp.minimum(k + L + dd, HB2 - L), L)]
        cf = sfl[pl.ds(k + L, L)]
        t1 = plsc.load_gather(tbuf, [jnp.clip(q - 1, 0, HB2 - 1)])
        t2 = plsc.load_gather(tbuf, [jnp.clip(q - 2, 0, HB2 - 1)])
        f1 = plsc.load_gather(sfl, [q - dd - 1])
        red = ((ct >= P) & (ct <= OP_MUL) & (t1 < P) & (t2 < P)
               & (cf == 0) & (f1 == 0) & (pv >= 2) & (pv < N))
        redf[pl.ds(k, L)] = red.astype(_i32)

    pf_ = jnp.float32(P)
    rcp = jnp.float32(1.0 / P)

    def _pass2(k, off):
        rq = ii + k
        q = rq + L
        r0 = redf[pl.ds(k, L)]
        t = tbuf[pl.ds(k + L + dd, L)]
        vf = vbuf[pl.ds(k + L + dd, L)]
        r1 = plsc.load_gather(redf, [rq + 1])
        r2 = plsc.load_gather(redf, [rq + 2])
        qd1 = jnp.clip(q + 1 + dd, 0, HB2 - 1)
        qd2 = jnp.clip(q + 2 + dd, 0, HB2 - 1)
        tn1 = plsc.load_gather(tbuf, [qd1])
        opc = plsc.load_gather(tbuf, [qd2])
        vn1 = plsc.load_gather(vbuf, [qd1])
        keep = (r0 == 0) & (r1 == 0)
        repl = r2 != 0
        radd = lax.rem(t + tn1, P)
        rsub = lax.rem(t - tn1 + P, P)
        rmul = lax.rem(t * tn1, P)
        res = jnp.where(opc == OP_ADD, radd,
                        jnp.where(opc == OP_SUB, rsub, rmul))
        tok_new = jnp.where(repl, res, t)
        fa = vf + vn1
        fa = fa - jnp.where(fa >= pf_, pf_, 0.0)
        fs = vf - vn1
        fs = fs + jnp.where(fs < 0.0, pf_, 0.0)
        fm0 = vf * vn1
        q = (fm0 * rcp).astype(_i32).astype(_f32)
        fm = fm0 - q * pf_
        fm = fm + jnp.where(fm < 0.0, pf_, 0.0)
        fm = fm - jnp.where(fm >= pf_, pf_, 0.0)
        resf = jnp.where(opc == OP_ADD, fa,
                         jnp.where(opc == OP_SUB, fs, fm))
        val_new = jnp.where(repl, resf, vf)
        k32 = keep.astype(_i32)
        incl = plsc.cumsum(k32)
        npexc = off + incl - k32
        npb[pl.ds(k, L)] = npexc
        plsc.store_scatter(ktok, [npexc], tok_new, mask=keep)
        plsc.store_scatter(kval, [npexc], val_new, mask=keep)
        return off + incl[15]
    cnt = plsc.parallel_loop(0, C, L, carry=jnp.int32(0))(_pass2)


    lidx = cuvec - base
    own = ((lidx >= 0) & (lidx < C)) | ((w == NT - 1) & (lidx == C))
    lcl = jnp.clip(lidx, 0, C - 1)
    gat = plsc.load_gather(npb, [lcl], mask=own)
    vwvec = jnp.where(lidx == C, cnt, jnp.where(own, gat, 0))

    f_t.wait()
    f_v.wait()

    plsc.subcore_barrier()
    plsc.fetch_and_add(smem.at[2 + w], cnt, subcore_id=0)
    plsc.subcore_barrier()

    @pl.when(w == 0)
    def _():
        counts = jnp.zeros((L,), _i32)
        for t in range(NT):
            counts = jnp.where(ii == t, smem[2 + t], counts)
        gbv0 = plsc.cumsum(counts) - counts
        for t in range(NT):
            gbt = jnp.sum(jnp.where(ii == t, gbv0, 0))
            plsc.fetch_and_add(smem.at[0], gbt, subcore_id=t)

    plsc.subcore_barrier()
    gb = smem[0]

    ncub[...] = jnp.where(own, vwvec + gb, 0)
    cuix[0, pl.ds(0, L)] = jnp.where(own, ii + 1, 0)
    handles = [pltpu.async_copy(ncub, ncu_hbm.at[cuix.at[0]], sem_sc)]

    a = lax.rem(8 - lax.rem(gb, 8), 8)
    gbu = pl.multiple_of(gb + a, 8)
    len8 = ((cnt - a) // 8) * 8
    rem = cnt - a - len8

    rank = jnp.where(ii < 8, ii, a + len8 + ii - 8)
    rankc = jnp.clip(rank, 0, C + 15)
    fragt[...] = plsc.load_gather(ktok, [rankc])
    fragv[...] = plsc.load_gather(kval, [rankc])
    validh = ii < jnp.minimum(a, 8)
    validt = (ii >= 8) & (ii - 8 < rem)
    fragix[0, pl.ds(0, L)] = jnp.where(
        validh, gb + ii, jnp.where(validt, gbu + len8 + ii - 8, N))
    handles.append(pltpu.async_copy(fragt, out_tok.at[fragix.at[0]], sem_sc))
    handles.append(pltpu.async_copy(fragv, out_val.at[fragix.at[0]], sem_sc))

    @plsc.parallel_loop(0, C, L)
    def _pass3(k):
        idxv = ii + k + a
        obt[pl.ds(k, L)] = plsc.load_gather(ktok, [idxv])
        obv[pl.ds(k, L)] = plsc.load_gather(kval, [idxv])

    s = jnp.int32(0)
    for b in (2048, 1024, 512, 256, 128, 64, 32, 16, 8):
        cond = (len8 & b) != 0
        dst = pl.multiple_of(jnp.where(cond, gbu + s, N + 16), 8)
        src = pl.multiple_of(jnp.where(cond, s, 0), 8)
        handles.append(pltpu.async_copy(
            obt.at[pl.ds(src, b)], out_tok.at[pl.ds(dst, b)], sem_sc))
        handles.append(pltpu.async_copy(
            obv.at[pl.ds(src, b)], out_val.at[pl.ds(dst, b)], sem_sc))
        s = s + (len8 & b)

    for h in handles:
        h.wait()


@jax.jit
def _rpn_sc(toks_p, vals_p, cu16):
    mesh = plsc.VectorSubcoreMesh(core_axis_name="c", subcore_axis_name="s",
                                  num_cores=1)
    fn = pl.kernel(
        _sc_body,
        mesh=mesh,
        compiler_params=pltpu.CompilerParams(needs_layout_passes=False),
        out_type=[
            jax.ShapeDtypeStruct((N + OPAD,), _i32),
            jax.ShapeDtypeStruct((N + OPAD,), _f32),
            jax.ShapeDtypeStruct((17,), _i32),
        ],
        scratch_types=[
            pltpu.VMEM((HB2,), _i32),
            pltpu.VMEM((HB2,), _f32),
            pltpu.VMEM((HB2,), _i32),
            pltpu.VMEM((C + 16,), _i32),
            pltpu.VMEM((C + 16,), _i32),
            pltpu.VMEM((C + 16,), _f32),
            pltpu.VMEM((C,), _i32),
            pltpu.VMEM((C + 16,), _i32),
            pltpu.VMEM((C + 16,), _f32),
            pltpu.VMEM((C,), _i32),
            pltpu.VMEM((C,), _f32),
            pltpu.VMEM((L,), _i32),
            pltpu.VMEM((1, L), _i32),
            pltpu.VMEM((L,), _i32),
            pltpu.VMEM((L,), _i32),
            pltpu.VMEM((L,), _f32),
            pltpu.VMEM((1, L), _i32),
            pltpu.SMEM((24,), _i32),
            pltpu.SemaphoreType.DMA,
            pltpu.SemaphoreType.DMA,
            pltpu.SemaphoreType.DMA,
        ],
    )
    return fn(toks_p, vals_p, cu16)


def kernel(tokens, cu_seqlens, values_f):
    cu16 = cu_seqlens[1:17]
    out_tok_p, out_val_p, new_cu = _rpn_sc(tokens, values_f, cu16)
    return out_tok_p[:N], out_val_p[:N], new_cu

# --- scband reference (transcript-rebuilt; emitter-appended) ---
"""Pipeline reference for scband-rpnarithmetic-process-17626545782886 (READ-ONLY COPY).

The authoritative reference and input builder live on the scoring server;
editing this copy changes nothing except your own understanding.
"""

import jax, jax.numpy as jnp
import numpy as np

P = 97
NUM_OPS = 3
OP_ADD = P
OP_SUB = P + 1
OP_MUL = P + 2
PAD = P + NUM_OPS + 3
TOTAL = 32768
B = 16


def setup_inputs(seed: int = 0) -> dict:
    key = jax.random.key(seed)
    k1, k2 = jax.random.split(key)
    tokens = jax.random.randint(k1, (TOTAL,), 0, P + NUM_OPS).astype(jnp.int32)
    interior = jnp.sort(jax.random.randint(k2, (B - 1,), 0, TOTAL)).astype(jnp.int32)
    cu_seqlens = jnp.concatenate([jnp.zeros((1,), jnp.int32), interior, jnp.full((1,), TOTAL, jnp.int32)])
    values_f = tokens.astype(jnp.float32)
    return {"tokens": tokens, "cu_seqlens": cu_seqlens, "values_f": values_f}


def reference(tokens, cu_seqlens, values_f):
    # One evaluation step of batched ragged RPN sequences (child_sub_equation,
    # vectorized over a flat token stream with cu_seqlens segment boundaries).
    # Every reducible triple [operand, operand, operator] is evaluated mod P
    # (reducible triples never overlap in RPN), consumed positions are removed,
    # and each segment is compacted in place. PAD fills the tail.
    n = tokens.shape[0]
    b = cu_seqlens.shape[0] - 1
    pos = jnp.arange(n)
    seg = jnp.searchsorted(cu_seqlens[1:], pos, side='right')
    is_opnd = tokens < P
    is_opr = (tokens >= P) & (tokens < P + NUM_OPS)
    o1 = jnp.roll(is_opnd, 1)
    o2 = jnp.roll(is_opnd, 2)
    s1 = jnp.roll(seg, 1)
    s2 = jnp.roll(seg, 2)
    reducible = is_opr & o1 & o2 & (s1 == seg) & (s2 == seg) & (pos >= 2)
    ai = jnp.roll(tokens, 2)
    bi = jnp.roll(tokens, 1)
    res_i = jnp.where(tokens == OP_ADD, jnp.mod(ai + bi, P),
                      jnp.where(tokens == OP_SUB, jnp.mod(ai - bi, P), jnp.mod(ai * bi, P)))
    af = jnp.roll(values_f, 2)
    bf = jnp.roll(values_f, 1)
    res_f = jnp.where(tokens == OP_ADD, jnp.mod(af + bf, P),
                      jnp.where(tokens == OP_SUB, jnp.mod(af - bf, P), jnp.mod(af * bf, P)))
    # op at i consumes positions i-1 and i; result overwrites position i-2
    consumed = reducible | jnp.roll(reducible, -1)
    keep = ~consumed
    repl = jnp.roll(reducible, -2)
    tok_new = jnp.where(repl, jnp.roll(res_i, -2), tokens)
    val_new = jnp.where(repl, jnp.roll(res_f, -2), values_f)
    new_pos = jnp.cumsum(keep) - 1
    scatter_idx = jnp.where(keep, new_pos, n)
    out_tok = jnp.full((n,), PAD, tokens.dtype).at[scatter_idx].set(tok_new, mode='drop')
    out_val = jnp.zeros((n,), values_f.dtype).at[scatter_idx].set(val_new, mode='drop')
    new_len = jax.ops.segment_sum(keep.astype(jnp.int32), seg, num_segments=b)
    new_cu = jnp.concatenate([jnp.zeros((1,), jnp.int32), jnp.cumsum(new_len).astype(jnp.int32)])
    return out_tok, out_val, new_cu

if __name__ == "__main__":
    import jax
    _d = setup_inputs()
    print(jax.jit(kernel)(*tuple(_d.values())))

</pallas_src>

<mosaic_0001>
#map = affine_map<(d0, d1) -> (0)>
module attributes {stable_mosaic.version = 14 : i64} {
  func.func @_sc_body(%arg0: i32, %arg1: i32, %arg2: memref<32768xi32, #tpu.memory_space<hbm>>, %arg3: memref<32768xf32, #tpu.memory_space<hbm>>, %arg4: memref<16xi32, #tpu.memory_space<hbm>>, %arg5: memref<34848xi32, #tpu.memory_space<hbm>>, %arg6: memref<34848xf32, #tpu.memory_space<hbm>>, %arg7: memref<17xi32, #tpu.memory_space<hbm>>, %arg8: memref<2096xi32, #tpu.memory_space<vmem>>, %arg9: memref<2096xf32, #tpu.memory_space<vmem>>, %arg10: memref<2096xi32, #tpu.memory_space<vmem>>, %arg11: memref<2064xi32, #tpu.memory_space<vmem>>, %arg12: memref<2064xi32, #tpu.memory_space<vmem>>, %arg13: memref<2064xf32, #tpu.memory_space<vmem>>, %arg14: memref<2048xi32, #tpu.memory_space<vmem>>, %arg15: memref<2064xi32, #tpu.memory_space<vmem>>, %arg16: memref<2064xf32, #tpu.memory_space<vmem>>, %arg17: memref<2048xi32, #tpu.memory_space<vmem>>, %arg18: memref<2048xf32, #tpu.memory_space<vmem>>, %arg19: memref<16xi32, #tpu.memory_space<vmem>>, %arg20: memref<1x16xi32, #tpu.memory_space<vmem>>, %arg21: memref<16xi32, #tpu.memory_space<vmem>>, %arg22: memref<16xi32, #tpu.memory_space<vmem>>, %arg23: memref<16xf32, #tpu.memory_space<vmem>>, %arg24: memref<1x16xi32, #tpu.memory_space<vmem>>, %arg25: memref<24xi32, #tpu.memory_space<smem>>, %arg26: memref<!tpu.dma_semaphore, #tpu.memory_space<semaphore_mem>>, %arg27: memref<!tpu.dma_semaphore, #tpu.memory_space<semaphore_mem>>, %arg28: memref<!tpu.dma_semaphore, #tpu.memory_space<semaphore_mem>>) attributes {dimension_semantics = [#tpu.dimension_semantics<core_parallel>, #tpu.dimension_semantics<subcore_parallel>], iteration_bounds = array<i64: 1, 16>, scalar_prefetch = 0 : i64, scratch_operands = 21 : i64, tpu.core_type = #tpu.core_type<sc_vector_subcore>, window_params = [{transform_indices = #map}, {transform_indices = #map}, {transform_indices = #map}, {transform_indices = #map}, {transform_indices = #map}, {transform_indices = #map}]} {
    %mul3A = arith.constant 2048 : i32
    %mul3A_0 = arith.muli %arg1, %mul3A : i32
    %multiple_of3A = tpu.assume_multiple %mul3A_0, 2048 : i32
    %iota3A = tpu.iota {dimensions = array<i32: 0>} : vector<16xi32>
    %broadcast_in_dim3A = arith.constant 0 : i32
    %broadcast_in_dim3A_1 = vector.broadcast %broadcast_in_dim3A : i32 to vector<16xi32>
    %scan3A = arith.constant 0 : i32
    %scan3A_2 = arith.constant 0 : i32
    %scan3A_3 = arith.constant 18 : i32
    %scan3A_4 = arith.addi %scan3A_2, %scan3A_3 : i32
    %scan3A_5 = arith.constant 1 : i32
    %scan3A_6 = scf.for %scan3A_515 = %scan3A_2 to %scan3A_4 step %scan3A_5 iter_args(%scan3A_516 = %scan3A) -> (i32)  : i32 {
      %swap3A_517 = arith.constant 0 : i32
      %swap3A_518 = arith.index_cast %scan3A_515 : i32 to index
      %swap3A_519 = memref.load %arg25[%swap3A_518] : memref<24xi32, #tpu.memory_space<smem>>
      memref.store %swap3A_517, %arg25[%swap3A_518] : memref<24xi32, #tpu.memory_space<smem>>
      %scan3A_520 = arith.constant 0 : i32
      scf.yield %scan3A_520 : i32
    }
    %scan3A_7 = arith.constant 18 : i32
    %mul3A_8 = arith.constant 2048 : i32
    %mul3A_9 = arith.muli %arg1, %mul3A_8 : i32
    %sub3A = arith.constant 16 : i32
    %sub3A_10 = arith.subi %mul3A_9, %sub3A : i32
    %jit3A = arith.constant 0 : i32
    %jit3A_11 = arith.constant 30672 : i32
    %max3A = arith.maxsi %jit3A, %sub3A_10 : i32
    %min3A = arith.minsi %jit3A_11, %max3A : i32
    %multiple_of3A_12 = tpu.assume_multiple %min3A, 8 : i32
    %mul3A_13 = arith.constant 2048 : i32
    %mul3A_14 = arith.muli %arg1, %mul3A_13 : i32
    %sub3A_15 = arith.constant 16 : i32
    %sub3A_16 = arith.subi %mul3A_14, %sub3A_15 : i32
    %sub3A_17 = arith.subi %sub3A_16, %multiple_of3A_12 : i32
    %dma_start3A = tpu.memref_slice %arg2[%multiple_of3A_12] : memref<32768xi32, #tpu.memory_space<hbm>> -> memref<2096xi32, #tpu.memory_space<hbm>>
    %dma_start3A_18 = tpu.memref_slice %arg2[%multiple_of3A_12] : memref<32768xi32, #tpu.memory_space<hbm>> -> memref<2096xi32, #tpu.memory_space<hbm>>
    tpu.enqueue_dma source(%dma_start3A_18 : memref<2096xi32, #tpu.memory_space<hbm>>) target(%arg8 : memref<2096xi32, #tpu.memory_space<vmem>>) target_semaphore(%arg26 : memref<!tpu.dma_semaphore, #tpu.memory_space<semaphore_mem>>)
    %dma_start3A_19 = tpu.memref_slice %arg3[%multiple_of3A_12] : memref<32768xf32, #tpu.memory_space<hbm>> -> memref<2096xf32, #tpu.memory_space<hbm>>
    %dma_start3A_20 = tpu.memref_slice %arg3[%multiple_of3A_12] : memref<32768xf32, #tpu.memory_space<hbm>> -> memref<2096xf32, #tpu.memory_space<hbm>>
    tpu.enqueue_dma source(%dma_start3A_20 : memref<2096xf32, #tpu.memory_space<hbm>>) target(%arg9 : memref<2096xf32, #tpu.memory_space<vmem>>) target_semaphore(%arg26 : memref<!tpu.dma_semaphore, #tpu.memory_space<semaphore_mem>>)
    "tpu.region"() ({
      %run_scoped3A = tpu.sem_alloc : memref<!tpu.dma_semaphore, #tpu.memory_space<semaphore_mem>>
      tpu.enqueue_dma source(%arg4 : memref<16xi32, #tpu.memory_space<hbm>>) target(%arg19 : memref<16xi32, #tpu.memory_space<vmem>>) target_semaphore(%run_scoped3A : memref<!tpu.dma_semaphore, #tpu.memory_space<semaphore_mem>>)
      tpu.wait_dma2 semaphore(%run_scoped3A : memref<!tpu.dma_semaphore, #tpu.memory_space<semaphore_mem>>) src(%arg4 : memref<16xi32, #tpu.memory_space<hbm>>) dst(%arg19 : memref<16xi32, #tpu.memory_space<vmem>>)
      tpu.yield
    }) : () -> ()
    %parallel_loop3A = arith.constant 0 : i32
    %parallel_loop3A_21 = arith.constant 2048 : i32
    %parallel_loop3A_22 = arith.constant 16 : i32
    scf.for %parallel_loop3A_515 = %parallel_loop3A to %parallel_loop3A_21 step %parallel_loop3A_22  : i32 {
      %parallel_loop3A_516 = arith.constant 103 : i32
      %parallel_loop3A_517 = vector.broadcast %parallel_loop3A_516 : i32 to vector<16xi32>
      %parallel_loop3A_518 = arith.index_cast %parallel_loop3A_515 : i32 to index
      %parallel_loop3A_519 = tpu.vector_load %arg17[%parallel_loop3A_518] {strides = array<i32>} : memref<2048xi32, #tpu.memory_space<vmem>>, vector<16xi32>,
      tpu.vector_store %arg17[%parallel_loop3A_518], %parallel_loop3A_517 {strides = array<i32>} : memref<2048xi32, #tpu.memory_space<vmem>>, vector<16xi32>,
      %parallel_loop3A_520 = arith.constant 0.000000e+00 : f32
      %parallel_loop3A_521 = vector.broadcast %parallel_loop3A_520 : f32 to vector<16xf32>
      %parallel_loop3A_522 = arith.index_cast %parallel_loop3A_515 : i32 to index
      %parallel_loop3A_523 = tpu.vector_load %arg18[%parallel_loop3A_522] {strides = array<i32>} : memref<2048xf32, #tpu.memory_space<vmem>>, vector<16xf32>,
      tpu.vector_store %arg18[%parallel_loop3A_522], %parallel_loop3A_521 {strides = array<i32>} : memref<2048xf32, #tpu.memory_space<vmem>>, vector<16xf32>,
      %parallel_loop3A_524 = arith.index_cast %parallel_loop3A_515 : i32 to index
      %parallel_loop3A_525 = tpu.vector_load %arg10[%parallel_loop3A_524] {strides = array<i32>} : memref<2096xi32, #tpu.memory_space<vmem>>, vector<16xi32>,
      tpu.vector_store %arg10[%parallel_loop3A_524], %broadcast_in_dim3A_1 {strides = array<i32>} : memref<2096xi32, #tpu.memory_space<vmem>>, vector<16xi32>,
    } {sc.loop_unroll_factor = 1 : i64, sc.parallel_access}
    %parallel_loop3A_23 = arith.constant 2048 : i32
    %parallel_loop3A_24 = arith.constant 2096 : i32
    %parallel_loop3A_25 = arith.constant 16 : i32
    scf.for %parallel_loop3A_515 = %parallel_loop3A_23 to %parallel_loop3A_24 step %parallel_loop3A_25  : i32 {
      %parallel_loop3A_516 = arith.index_cast %parallel_loop3A_515 : i32 to index
      %parallel_loop3A_517 = tpu.vector_load %arg10[%parallel_loop3A_516] {strides = array<i32>} : memref<2096xi32, #tpu.memory_space<vmem>>, vector<16xi32>,
      tpu.vector_store %arg10[%parallel_loop3A_516], %broadcast_in_dim3A_1 {strides = array<i32>} : memref<2096xi32, #tpu.memory_space<vmem>>, vector<16xi32>,
    } {sc.loop_unroll_factor = 1 : i64, sc.parallel_access}
    %dma_wait3A = tpu.memref_slice %arg2[%multiple_of3A_12] : memref<32768xi32, #tpu.memory_space<hbm>> -> memref<2096xi32, #tpu.memory_space<hbm>>
    %dma_wait3A_26 = tpu.memref_slice %arg2[%multiple_of3A_12] : memref<32768xi32, #tpu.memory_space<hbm>> -> memref<2096xi32, #tpu.memory_space<hbm>>
    tpu.wait_dma2 semaphore(%arg26 : memref<!tpu.dma_semaphore, #tpu.memory_space<semaphore_mem>>) src(%dma_wait3A_26 : memref<2096xi32, #tpu.memory_space<hbm>>) dst(%arg8 : memref<2096xi32, #tpu.memory_space<vmem>>)
    %dma_wait3A_27 = tpu.memref_slice %arg3[%multiple_of3A_12] : memref<32768xf32, #tpu.memory_space<hbm>> -> memref<2096xf32, #tpu.memory_space<hbm>>
    %dma_wait3A_28 = tpu.memref_slice %arg3[%multiple_of3A_12] : memref<32768xf32, #tpu.memory_space<hbm>> -> memref<2096xf32, #tpu.memory_space<hbm>>
    tpu.wait_dma2 semaphore(%arg26 : memref<!tpu.dma_semaphore, #tpu.memory_space<semaphore_mem>>) src(%dma_wait3A_28 : memref<2096xf32, #tpu.memory_space<hbm>>) dst(%arg9 : memref<2096xf32, #tpu.memory_space<vmem>>)
    %dma_start3A_29 = tpu.memref_slice %arg5[%multiple_of3A] : memref<34848xi32, #tpu.memory_space<hbm>> -> memref<2048xi32, #tpu.memory_space<hbm>>
    %dma_start3A_30 = tpu.memref_slice %arg5[%multiple_of3A] : memref<34848xi32, #tpu.memory_space<hbm>> -> memref<2048xi32, #tpu.memory_space<hbm>>
    tpu.enqueue_dma source(%arg17 : memref<2048xi32, #tpu.memory_space<vmem>>) target(%dma_start3A_30 : memref<2048xi32, #tpu.memory_space<hbm>>) target_semaphore(%arg27 : memref<!tpu.dma_semaphore, #tpu.memory_space<semaphore_mem>>)
    %dma_start3A_31 = tpu.memref_slice %arg6[%multiple_of3A] : memref<34848xf32, #tpu.memory_space<hbm>> -> memref<2048xf32, #tpu.memory_space<hbm>>
    %dma_start3A_32 = tpu.memref_slice %arg6[%multiple_of3A] : memref<34848xf32, #tpu.memory_space<hbm>> -> memref<2048xf32, #tpu.memory_space<hbm>>
    tpu.enqueue_dma source(%arg18 : memref<2048xf32, #tpu.memory_space<vmem>>) target(%dma_start3A_32 : memref<2048xf32, #tpu.memory_space<hbm>>) target_semaphore(%arg27 : memref<!tpu.dma_semaphore, #tpu.memory_space<semaphore_mem>>)
    %get3A = arith.constant 0 : index
    %get3A_33 = tpu.vector_load %arg19[%get3A] {strides = array<i32>} : memref<16xi32, #tpu.memory_space<vmem>>, vector<16xi32>,
    %sub3A_34 = vector.broadcast %multiple_of3A : i32 to vector<16xi32>
    %sub3A_35 = arith.subi %get3A_33, %sub3A_34 : vector<16xi32>
    %add3A = arith.constant 16 : i32
    %add3A_36 = vector.broadcast %add3A : i32 to vector<16xi32>
    %add3A_37 = arith.addi %sub3A_35, %add3A_36 : vector<16xi32>
    %ge3A = arith.constant 0 : i32
    %ge3A_38 = vector.broadcast %ge3A : i32 to vector<16xi32>
    %ge3A_39 = arith.cmpi sge, %add3A_37, %ge3A_38 : vector<16xi32>
    %lt3A = arith.constant 2096 : i32
    %lt3A_40 = vector.broadcast %lt3A : i32 to vector<16xi32>
    %lt3A_41 = arith.cmpi slt, %add3A_37, %lt3A_40 : vector<16xi32>
    %and3A = arith.andi %ge3A_39, %lt3A_41 : vector<16xi1>
    %jit3A_42 = arith.constant 0 : i32
    %jit3A_43 = arith.constant 2095 : i32
    %max3A_44 = vector.broadcast %jit3A_42 : i32 to vector<16xi32>
    %max3A_45 = arith.maxsi %max3A_44, %add3A_37 : vector<16xi32>
    %min3A_46 = vector.broadcast %jit3A_43 : i32 to vector<16xi32>
    %min3A_47 = arith.minsi %min3A_46, %max3A_45 : vector<16xi32>
    %broadcast_in_dim3A_48 = arith.constant 1 : i32
    %broadcast_in_dim3A_49 = vector.broadcast %broadcast_in_dim3A_48 : i32 to vector<16xi32>
    tpu.vector_store_idx %arg10[%min3A_47], %broadcast_in_dim3A_49 masked %and3A : memref<2096xi32, #tpu.memory_space<vmem>>[vector<16xi32>], vector<16xi32>, vector<16xi1>
    %parallel_loop3A_50 = arith.constant 0 : i32
    %parallel_loop3A_51 = arith.constant 2064 : i32
    %parallel_loop3A_52 = arith.constant 16 : i32
    scf.for %parallel_loop3A_515 = %parallel_loop3A_50 to %parallel_loop3A_51 step %parallel_loop3A_52  : i32 {
      %parallel_loop3A_516 = arith.constant 16 : i32
      %parallel_loop3A_517 = arith.addi %parallel_loop3A_515, %parallel_loop3A_516 : i32
      %parallel_loop3A_518 = vector.broadcast %parallel_loop3A_517 : i32 to vector<16xi32>
      %parallel_loop3A_519 = arith.addi %iota3A, %parallel_loop3A_518 : vector<16xi32>
      %parallel_loop3A_520 = vector.broadcast %sub3A_17 : i32 to vector<16xi32>
      %parallel_loop3A_521 = arith.addi %parallel_loop3A_519, %parallel_loop3A_520 : vector<16xi32>
      %parallel_loop3A_522 = vector.broadcast %parallel_loop3A_515 : i32 to vector<16xi32>
      %parallel_loop3A_523 = arith.addi %iota3A, %parallel_loop3A_522 : vector<16xi32>
      %parallel_loop3A_524 = vector.broadcast %multiple_of3A : i32 to vector<16xi32>
      %parallel_loop3A_525 = arith.addi %parallel_loop3A_523, %parallel_loop3A_524 : vector<16xi32>
      %parallel_loop3A_526 = arith.constant 16 : i32
      %parallel_loop3A_527 = arith.addi %parallel_loop3A_515, %parallel_loop3A_526 : i32
      %parallel_loop3A_528 = arith.addi %parallel_loop3A_527, %sub3A_17 : i32
      %parallel_loop3A_529 = arith.constant 2080 : i32
      %parallel_loop3A_530 = arith.minsi %parallel_loop3A_528, %parallel_loop3A_529 : i32
      %parallel_loop3A_531 = arith.index_cast %parallel_loop3A_530 : i32 to index
      %parallel_loop3A_532 = tpu.vector_load %arg8[%parallel_loop3A_531] {strides = array<i32>} : memref<2096xi32, #tpu.memory_space<vmem>>, vector<16xi32>,
      %parallel_loop3A_533 = arith.constant 16 : i32
      %parallel_loop3A_534 = arith.addi %parallel_loop3A_515, %parallel_loop3A_533 : i32
      %parallel_loop3A_535 = arith.index_cast %parallel_loop3A_534 : i32 to index
      %parallel_loop3A_536 = tpu.vector_load %arg10[%parallel_loop3A_535] {strides = array<i32>} : memref<2096xi32, #tpu.memory_space<vmem>>, vector<16xi32>,
      %parallel_loop3A_537 = arith.constant 1 : i32
      %parallel_loop3A_538 = vector.broadcast %parallel_loop3A_537 : i32 to vector<16xi32>
      %parallel_loop3A_539 = arith.subi %parallel_loop3A_521, %parallel_loop3A_538 : vector<16xi32>
      %parallel_loop3A_540 = arith.constant 0 : i32
      %parallel_loop3A_541 = arith.constant 2095 : i32
      %parallel_loop3A_542 = vector.broadcast %parallel_loop3A_540 : i32 to vector<16xi32>
      %parallel_loop3A_543 = arith.maxsi %parallel_loop3A_542, %parallel_loop3A_539 : vector<16xi32>
      %parallel_loop3A_544 = vector.broadcast %parallel_loop3A_541 : i32 to vector<16xi32>
      %parallel_loop3A_545 = arith.minsi %parallel_loop3A_544, %parallel_loop3A_543 : vector<16xi32>
      %parallel_loop3A_546 = tpu.vector_load_idx %arg8[%parallel_loop3A_545] : memref<2096xi32, #tpu.memory_space<vmem>>[vector<16xi32>], vector<16xi32>,
      %parallel_loop3A_547 = arith.constant 2 : i32
      %parallel_loop3A_548 = vector.broadcast %parallel_loop3A_547 : i32 to vector<16xi32>
      %parallel_loop3A_549 = arith.subi %parallel_loop3A_521, %parallel_loop3A_548 : vector<16xi32>
      %parallel_loop3A_550 = arith.constant 0 : i32
      %parallel_loop3A_551 = arith.constant 2095 : i32
      %parallel_loop3A_552 = vector.broadcast %parallel_loop3A_550 : i32 to vector<16xi32>
      %parallel_loop3A_553 = arith.maxsi %parallel_loop3A_552, %parallel_loop3A_549 : vector<16xi32>
      %parallel_loop3A_554 = vector.broadcast %parallel_loop3A_551 : i32 to vector<16xi32>
      %parallel_loop3A_555 = arith.minsi %parallel_loop3A_554, %parallel_loop3A_553 : vector<16xi32>
      %parallel_loop3A_556 = tpu.vector_load_idx %arg8[%parallel_loop3A_555] : memref<2096xi32, #tpu.memory_space<vmem>>[vector<16xi32>], vector<16xi32>,
      %parallel_loop3A_557 = vector.broadcast %sub3A_17 : i32 to vector<16xi32>
      %parallel_loop3A_558 = arith.subi %parallel_loop3A_521, %parallel_loop3A_557 : vector<16xi32>
      %parallel_loop3A_559 = arith.constant 1 : i32
      %parallel_loop3A_560 = vector.broadcast %parallel_loop3A_559 : i32 to vector<16xi32>
      %parallel_loop3A_561 = arith.subi %parallel_loop3A_558, %parallel_loop3A_560 : vector<16xi32>
      %parallel_loop3A_562 = tpu.vector_load_idx %arg10[%parallel_loop3A_561] : memref<2096xi32, #tpu.memory_space<vmem>>[vector<16xi32>], vector<16xi32>,
      %parallel_loop3A_563 = arith.constant 97 : i32
      %parallel_loop3A_564 = vector.broadcast %parallel_loop3A_563 : i32 to vector<16xi32>
      %parallel_loop3A_565 = arith.cmpi sge, %parallel_loop3A_532, %parallel_loop3A_564 : vector<16xi32>
      %parallel_loop3A_566 = arith.constant 99 : i32
      %parallel_loop3A_567 = vector.broadcast %parallel_loop3A_566 : i32 to vector<16xi32>
      %parallel_loop3A_568 = arith.cmpi sle, %parallel_loop3A_532, %parallel_loop3A_567 : vector<16xi32>
      %parallel_loop3A_569 = arith.andi %parallel_loop3A_565, %parallel_loop3A_568 : vector<16xi1>
      %parallel_loop3A_570 = arith.constant 97 : i32
      %parallel_loop3A_571 = vector.broadcast %parallel_loop3A_570 : i32 to vector<16xi32>
      %parallel_loop3A_572 = arith.cmpi slt, %parallel_loop3A_546, %parallel_loop3A_571 : vector<16xi32>
      %parallel_loop3A_573 = arith.andi %parallel_loop3A_569, %parallel_loop3A_572 : vector<16xi1>
      %parallel_loop3A_574 = arith.constant 97 : i32
      %parallel_loop3A_575 = vector.broadcast %parallel_loop3A_574 : i32 to vector<16xi32>
      %parallel_loop3A_576 = arith.cmpi slt, %parallel_loop3A_556, %parallel_loop3A_575 : vector<16xi32>
      %parallel_loop3A_577 = arith.andi %parallel_loop3A_573, %parallel_loop3A_576 : vector<16xi1>
      %parallel_loop3A_578 = arith.constant 0 : i32
      %parallel_loop3A_579 = vector.broadcast %parallel_loop3A_578 : i32 to vector<16xi32>
      %parallel_loop3A_580 = arith.cmpi eq, %parallel_loop3A_536, %parallel_loop3A_579 : vector<16xi32>
      %parallel_loop3A_581 = arith.andi %parallel_loop3A_577, %parallel_loop3A_580 : vector<16xi1>
      %parallel_loop3A_582 = arith.constant 0 : i32
      %parallel_loop3A_583 = vector.broadcast %parallel_loop3A_582 : i32 to vector<16xi32>
      %parallel_loop3A_584 = arith.cmpi eq, %parallel_loop3A_562, %parallel_loop3A_583 : vector<16xi32>
      %parallel_loop3A_585 = arith.andi %parallel_loop3A_581, %parallel_loop3A_584 : vector<16xi1>
      %parallel_loop3A_586 = arith.constant 2 : i32
      %parallel_loop3A_587 = vector.broadcast %parallel_loop3A_586 : i32 to vector<16xi32>
      %parallel_loop3A_588 = arith.cmpi sge, %parallel_loop3A_525, %parallel_loop3A_587 : vector<16xi32>
      %parallel_loop3A_589 = arith.andi %parallel_loop3A_585, %parallel_loop3A_588 : vector<16xi1>
      %parallel_loop3A_590 = arith.constant 32768 : i32
      %parallel_loop3A_591 = vector.broadcast %parallel_loop3A_590 : i32 to vector<16xi32>
      %parallel_loop3A_592 = arith.cmpi slt, %parallel_loop3A_525, %parallel_loop3A_591 : vector<16xi32>
      %parallel_loop3A_593 = arith.andi %parallel_loop3A_589, %parallel_loop3A_592 : vector<16xi1>
      %parallel_loop3A_594 = arith.extui %parallel_loop3A_593 : vector<16xi1> to vector<16xi32>
      %parallel_loop3A_595 = arith.index_cast %parallel_loop3A_515 : i32 to index
      %parallel_loop3A_596 = tpu.vector_load %arg11[%parallel_loop3A_595] {strides = array<i32>} : memref<2064xi32, #tpu.memory_space<vmem>>, vector<16xi32>,
      tpu.vector_store %arg11[%parallel_loop3A_595], %parallel_loop3A_594 {strides = array<i32>} : memref<2064xi32, #tpu.memory_space<vmem>>, vector<16xi32>,
    } {sc.loop_unroll_factor = 1 : i64, sc.parallel_access}
    %parallel_loop3A_53 = arith.constant 0 : i32
    %parallel_loop3A_54 = arith.constant 2048 : i32
    %parallel_loop3A_55 = arith.constant 16 : i32
    %parallel_loop3A_56 = arith.constant 9.700000e+01 : f32
    %parallel_loop3A_57 = arith.constant 0.010309278 : f32
    %parallel_loop3A_58 = arith.constant 0 : i32
    %parallel_loop3A_59 = scf.for %parallel_loop3A_515 = %parallel_loop3A_53 to %parallel_loop3A_54 step %parallel_loop3A_55 iter_args(%parallel_loop3A_516 = %parallel_loop3A_58) -> (i32)  : i32 {
      %parallel_loop3A_517 = vector.broadcast %parallel_loop3A_515 : i32 to vector<16xi32>
      %parallel_loop3A_518 = arith.addi %iota3A, %parallel_loop3A_517 : vector<16xi32>
      %parallel_loop3A_519 = arith.constant 16 : i32
      %parallel_loop3A_520 = vector.broadcast %parallel_loop3A_519 : i32 to vector<16xi32>
      %parallel_loop3A_521 = arith.addi %parallel_loop3A_518, %parallel_loop3A_520 : vector<16xi32>
      %parallel_loop3A_522 = arith.index_cast %parallel_loop3A_515 : i32 to index
      %parallel_loop3A_523 = tpu.vector_load %arg11[%parallel_loop3A_522] {strides = array<i32>} : memref<2064xi32, #tpu.memory_space<vmem>>, vector<16xi32>,
      %parallel_loop3A_524 = arith.constant 16 : i32
      %parallel_loop3A_525 = arith.addi %parallel_loop3A_515, %parallel_loop3A_524 : i32
      %parallel_loop3A_526 = arith.addi %parallel_loop3A_525, %sub3A_17 : i32
      %parallel_loop3A_527 = arith.index_cast %parallel_loop3A_526 : i32 to index
      %parallel_loop3A_528 = tpu.vector_load %arg8[%parallel_loop3A_527] {strides = array<i32>} : memref<2096xi32, #tpu.memory_space<vmem>>, vector<16xi32>,
      %parallel_loop3A_529 = arith.constant 16 : i32
      %parallel_loop3A_530 = arith.addi %parallel_loop3A_515, %parallel_loop3A_529 : i32
      %parallel_loop3A_531 = arith.addi %parallel_loop3A_530, %sub3A_17 : i32
      %parallel_loop3A_532 = arith.index_cast %parallel_loop3A_531 : i32 to index
      %parallel_loop3A_533 = tpu.vector_load %arg9[%parallel_loop3A_532] {strides = array<i32>} : memref<2096xf32, #tpu.memory_space<vmem>>, vector<16xf32>,
      %parallel_loop3A_534 = arith.constant 1 : i32
      %parallel_loop3A_535 = vector.broadcast %parallel_loop3A_534 : i32 to vector<16xi32>
      %parallel_loop3A_536 = arith.addi %parallel_loop3A_518, %parallel_loop3A_535 : vector<16xi32>
      %parallel_loop3A_537 = tpu.vector_load_idx %arg11[%parallel_loop3A_536] : memref<2064xi32, #tpu.memory_space<vmem>>[vector<16xi32>], vector<16xi32>,
      %parallel_loop3A_538 = arith.constant 2 : i32
      %parallel_loop3A_539 = vector.broadcast %parallel_loop3A_538 : i32 to vector<16xi32>
      %parallel_loop3A_540 = arith.addi %parallel_loop3A_518, %parallel_loop3A_539 : vector<16xi32>
      %parallel_loop3A_541 = tpu.vector_load_idx %arg11[%parallel_loop3A_540] : memref<2064xi32, #tpu.memory_space<vmem>>[vector<16xi32>], vector<16xi32>,
      %parallel_loop3A_542 = arith.constant 1 : i32
      %parallel_loop3A_543 = vector.broadcast %parallel_loop3A_542 : i32 to vector<16xi32>
      %parallel_loop3A_544 = arith.addi %parallel_loop3A_521, %parallel_loop3A_543 : vector<16xi32>
      %parallel_loop3A_545 = vector.broadcast %sub3A_17 : i32 to vector<16xi32>
      %parallel_loop3A_546 = arith.addi %parallel_loop3A_544, %parallel_loop3A_545 : vector<16xi32>
      %parallel_loop3A_547 = arith.constant 0 : i32
      %parallel_loop3A_548 = arith.constant 2095 : i32
      %parallel_loop3A_549 = vector.broadcast %parallel_loop3A_547 : i32 to vector<16xi32>
      %parallel_loop3A_550 = arith.maxsi %parallel_loop3A_549, %parallel_loop3A_546 : vector<16xi32>
      %parallel_loop3A_551 = vector.broadcast %parallel_loop3A_548 : i32 to vector<16xi32>
      %parallel_loop3A_552 = arith.minsi %parallel_loop3A_551, %parallel_loop3A_550 : vector<16xi32>
      %parallel_loop3A_553 = arith.constant 2 : i32
      %parallel_loop3A_554 = vector.broadcast %parallel_loop3A_553 : i32 to vector<16xi32>
      %parallel_loop3A_555 = arith.addi %parallel_loop3A_521, %parallel_loop3A_554 : vector<16xi32>
      %parallel_loop3A_556 = vector.broadcast %sub3A_17 : i32 to vector<16xi32>
      %parallel_loop3A_557 = arith.addi %parallel_loop3A_555, %parallel_loop3A_556 : vector<16xi32>
      %parallel_loop3A_558 = arith.constant 0 : i32
      %parallel_loop3A_559 = arith.constant 2095 : i32
      %parallel_loop3A_560 = vector.broadcast %parallel_loop3A_558 : i32 to vector<16xi32>
      %parallel_loop3A_561 = arith.maxsi %parallel_loop3A_560, %parallel_loop3A_557 : vector<16xi32>
      %parallel_loop3A_562 = vector.broadcast %parallel_loop3A_559 : i32 to vector<16xi32>
      %parallel_loop3A_563 = arith.minsi %parallel_loop3A_562, %parallel_loop3A_561 : vector<16xi32>
      %parallel_loop3A_564 = tpu.vector_load_idx %arg8[%parallel_loop3A_552] : memref<2096xi32, #tpu.memory_space<vmem>>[vector<16xi32>], vector<16xi32>,
      %parallel_loop3A_565 = tpu.vector_load_idx %arg8[%parallel_loop3A_563] : memref<2096xi32, #tpu.memory_space<vmem>>[vector<16xi32>], vector<16xi32>,
      %parallel_loop3A_566 = tpu.vector_load_idx %arg9[%parallel_loop3A_552] : memref<2096xf32, #tpu.memory_space<vmem>>[vector<16xi32>], vector<16xf32>,
      %parallel_loop3A_567 = arith.constant 0 : i32
      %parallel_loop3A_568 = vector.broadcast %parallel_loop3A_567 : i32 to vector<16xi32>
      %parallel_loop3A_569 = arith.cmpi eq, %parallel_loop3A_523, %parallel_loop3A_568 : vector<16xi32>
      %parallel_loop3A_570 = arith.constant 0 : i32
      %parallel_loop3A_571 = vector.broadcast %parallel_loop3A_570 : i32 to vector<16xi32>
      %parallel_loop3A_572 = arith.cmpi eq, %parallel_loop3A_537, %parallel_loop3A_571 : vector<16xi32>
      %parallel_loop3A_573 = arith.andi %parallel_loop3A_569, %parallel_loop3A_572 : vector<16xi1>
      %parallel_loop3A_574 = arith.constant 0 : i32
      %parallel_loop3A_575 = vector.broadcast %parallel_loop3A_574 : i32 to vector<16xi32>
      %parallel_loop3A_576 = arith.cmpi ne, %parallel_loop3A_541, %parallel_loop3A_575 : vector<16xi32>
      %parallel_loop3A_577 = arith.addi %parallel_loop3A_528, %parallel_loop3A_564 : vector<16xi32>
      %parallel_loop3A_578 = arith.constant 97 : i32
      %parallel_loop3A_579 = vector.broadcast %parallel_loop3A_578 : i32 to vector<16xi32>
      %parallel_loop3A_580 = arith.remsi %parallel_loop3A_577, %parallel_loop3A_579 : vector<16xi32>
      %parallel_loop3A_581 = arith.subi %parallel_loop3A_528, %parallel_loop3A_564 : vector<16xi32>
      %parallel_loop3A_582 = arith.constant 97 : i32
      %parallel_loop3A_583 = vector.broadcast %parallel_loop3A_582 : i32 to vector<16xi32>
      %parallel_loop3A_584 = arith.addi %parallel_loop3A_581, %parallel_loop3A_583 : vector<16xi32>
      %parallel_loop3A_585 = arith.constant 97 : i32
      %parallel_loop3A_586 = vector.broadcast %parallel_loop3A_585 : i32 to vector<16xi32>
      %parallel_loop3A_587 = arith.remsi %parallel_loop3A_584, %parallel_loop3A_586 : vector<16xi32>
      %parallel_loop3A_588 = arith.muli %parallel_loop3A_528, %parallel_loop3A_564 : vector<16xi32>
      %parallel_loop3A_589 = arith.constant 97 : i32
      %parallel_loop3A_590 = vector.broadcast %parallel_loop3A_589 : i32 to vector<16xi32>
      %parallel_loop3A_591 = arith.remsi %parallel_loop3A_588, %parallel_loop3A_590 : vector<16xi32>
      %parallel_loop3A_592 = arith.constant 97 : i32
      %parallel_loop3A_593 = vector.broadcast %parallel_loop3A_592 : i32 to vector<16xi32>
      %parallel_loop3A_594 = arith.cmpi eq, %parallel_loop3A_565, %parallel_loop3A_593 : vector<16xi32>
      %parallel_loop3A_595 = arith.constant 98 : i32
      %parallel_loop3A_596 = vector.broadcast %parallel_loop3A_595 : i32 to vector<16xi32>
      %parallel_loop3A_597 = arith.cmpi eq, %parallel_loop3A_565, %parallel_loop3A_596 : vector<16xi32>
      %parallel_loop3A_598 = arith.select %parallel_loop3A_597, %parallel_loop3A_587, %parallel_loop3A_591 : vector<16xi1>, vector<16xi32>
      %parallel_loop3A_599 = arith.select %parallel_loop3A_594, %parallel_loop3A_580, %parallel_loop3A_598 : vector<16xi1>, vector<16xi32>
      %parallel_loop3A_600 = arith.select %parallel_loop3A_576, %parallel_loop3A_599, %parallel_loop3A_528 : vector<16xi1>, vector<16xi32>
      %parallel_loop3A_601 = arith.addf %parallel_loop3A_533, %parallel_loop3A_566 : vector<16xf32>
      %parallel_loop3A_602 = vector.broadcast %parallel_loop3A_56 : f32 to vector<16xf32>
      %parallel_loop3A_603 = arith.cmpf oge, %parallel_loop3A_601, %parallel_loop3A_602 : vector<16xf32>
      %parallel_loop3A_604 = arith.constant 0.000000e+00 : f32
      %parallel_loop3A_605 = vector.broadcast %parallel_loop3A_56 : f32 to vector<16xf32>
      %parallel_loop3A_606 = vector.broadcast %parallel_loop3A_604 : f32 to vector<16xf32>
      %parallel_loop3A_607 = arith.select %parallel_loop3A_603, %parallel_loop3A_605, %parallel_loop3A_606 : vector<16xi1>, vector<16xf32>
      %parallel_loop3A_608 = arith.subf %parallel_loop3A_601, %parallel_loop3A_607 : vector<16xf32>
      %parallel_loop3A_609 = arith.subf %parallel_loop3A_533, %parallel_loop3A_566 : vector<16xf32>
      %parallel_loop3A_610 = arith.constant 0.000000e+00 : f32
      %parallel_loop3A_611 = vector.broadcast %parallel_loop3A_610 : f32 to vector<16xf32>
      %parallel_loop3A_612 = arith.cmpf olt, %parallel_loop3A_609, %parallel_loop3A_611 : vector<16xf32>
      %parallel_loop3A_613 = arith.constant 0.000000e+00 : f32
      %parallel_loop3A_614 = vector.broadcast %parallel_loop3A_56 : f32 to vector<16xf32>
      %parallel_loop3A_615 = vector.broadcast %parallel_loop3A_613 : f32 to vector<16xf32>
      %parallel_loop3A_616 = arith.select %parallel_loop3A_612, %parallel_loop3A_614, %parallel_loop3A_615 : vector<16xi1>, vector<16xf32>
      %parallel_loop3A_617 = arith.addf %parallel_loop3A_609, %parallel_loop3A_616 : vector<16xf32>
      %parallel_loop3A_618 = arith.mulf %parallel_loop3A_533, %parallel_loop3A_566 : vector<16xf32>
      %parallel_loop3A_619 = vector.broadcast %parallel_loop3A_57 : f32 to vector<16xf32>
      %parallel_loop3A_620 = arith.mulf %parallel_loop3A_618, %parallel_loop3A_619 : vector<16xf32>
      %parallel_loop3A_621 = arith.fptosi %parallel_loop3A_620 : vector<16xf32> to vector<16xi32>
      %parallel_loop3A_622 = arith.sitofp %parallel_loop3A_621 : vector<16xi32> to vector<16xf32>
      %parallel_loop3A_623 = vector.broadcast %parallel_loop3A_56 : f32 to vector<16xf32>
      %parallel_loop3A_624 = arith.mulf %parallel_loop3A_622, %parallel_loop3A_623 : vector<16xf32>
      %parallel_loop3A_625 = arith.subf %parallel_loop3A_618, %parallel_loop3A_624 : vector<16xf32>
      %parallel_loop3A_626 = arith.constant 0.000000e+00 : f32
      %parallel_loop3A_627 = vector.broadcast %parallel_loop3A_626 : f32 to vector<16xf32>
      %parallel_loop3A_628 = arith.cmpf olt, %parallel_loop3A_625, %parallel_loop3A_627 : vector<16xf32>
      %parallel_loop3A_629 = arith.constant 0.000000e+00 : f32
      %parallel_loop3A_630 = vector.broadcast %parallel_loop3A_56 : f32 to vector<16xf32>
      %parallel_loop3A_631 = vector.broadcast %parallel_loop3A_629 : f32 to vector<16xf32>
      %parallel_loop3A_632 = arith.select %parallel_loop3A_628, %parallel_loop3A_630, %parallel_loop3A_631 : vector<16xi1>, vector<16xf32>
      %parallel_loop3A_633 = arith.addf %parallel_loop3A_625, %parallel_loop3A_632 : vector<16xf32>
      %parallel_loop3A_634 = vector.broadcast %parallel_loop3A_56 : f32 to vector<16xf32>
      %parallel_loop3A_635 = arith.cmpf oge, %parallel_loop3A_633, %parallel_loop3A_634 : vector<16xf32>
      %parallel_loop3A_636 = arith.constant 0.000000e+00 : f32
      %parallel_loop3A_637 = vector.broadcast %parallel_loop3A_56 : f32 to vector<16xf32>
      %parallel_loop3A_638 = vector.broadcast %parallel_loop3A_636 : f32 to vector<16xf32>
      %parallel_loop3A_639 = arith.select %parallel_loop3A_635, %parallel_loop3A_637, %parallel_loop3A_638 : vector<16xi1>, vector<16xf32>
      %parallel_loop3A_640 = arith.subf %parallel_loop3A_633, %parallel_loop3A_639 : vector<16xf32>
      %parallel_loop3A_641 = arith.constant 97 : i32
      %parallel_loop3A_642 = vector.broadcast %parallel_loop3A_641 : i32 to vector<16xi32>
      %parallel_loop3A_643 = arith.cmpi eq, %parallel_loop3A_565, %parallel_loop3A_642 : vector<16xi32>
      %parallel_loop3A_644 = arith.constant 98 : i32
      %parallel_loop3A_645 = vector.broadcast %parallel_loop3A_644 : i32 to vector<16xi32>
      %parallel_loop3A_646 = arith.cmpi eq, %parallel_loop3A_565, %parallel_loop3A_645 : vector<16xi32>
      %parallel_loop3A_647 = arith.select %parallel_loop3A_646, %parallel_loop3A_617, %parallel_loop3A_640 : vector<16xi1>, vector<16xf32>
      %parallel_loop3A_648 = arith.select %parallel_loop3A_643, %parallel_loop3A_608, %parallel_loop3A_647 : vector<16xi1>, vector<16xf32>
      %parallel_loop3A_649 = arith.select %parallel_loop3A_576, %parallel_loop3A_648, %parallel_loop3A_533 : vector<16xi1>, vector<16xf32>
      %parallel_loop3A_650 = arith.extui %parallel_loop3A_573 : vector<16xi1> to vector<16xi32>
      %parallel_loop3A_651 = arith.constant true
      %parallel_loop3A_652 = vector.broadcast %parallel_loop3A_651 : i1 to vector<16xi1>
      %parallel_loop3A_653 = tpu.scan <sum>, %parallel_loop3A_650 masked %parallel_loop3A_652 : vector<16xi32>, vector<16xi1> -> vector<16xi32>
      %parallel_loop3A_654 = vector.broadcast %parallel_loop3A_516 : i32 to vector<16xi32>
      %parallel_loop3A_655 = arith.addi %parallel_loop3A_654, %parallel_loop3A_653 : vector<16xi32>
      %parallel_loop3A_656 = arith.subi %parallel_loop3A_655, %parallel_loop3A_650 : vector<16xi32>
      %parallel_loop3A_657 = arith.index_cast %parallel_loop3A_515 : i32 to index
      %parallel_loop3A_658 = tpu.vector_load %arg14[%parallel_loop3A_657] {strides = array<i32>} : memref<2048xi32, #tpu.memory_space<vmem>>, vector<16xi32>,
      tpu.vector_store %arg14[%parallel_loop3A_657], %parallel_loop3A_656 {strides = array<i32>} : memref<2048xi32, #tpu.memory_space<vmem>>, vector<16xi32>,
      tpu.vector_store_idx %arg12[%parallel_loop3A_656], %parallel_loop3A_600 masked %parallel_loop3A_573 : memref<2064xi32, #tpu.memory_space<vmem>>[vector<16xi32>], vector<16xi32>, vector<16xi1>
      tpu.vector_store_idx %arg13[%parallel_loop3A_656], %parallel_loop3A_649 masked %parallel_loop3A_573 : memref<2064xf32, #tpu.memory_space<vmem>>[vector<16xi32>], vector<16xf32>, vector<16xi1>
      %parallel_loop3A_659 = vector.extract_strided_slice %parallel_loop3A_653 {offsets = [15], sizes = [1], strides = [1]} : vector<16xi32> to vector<1xi32>
      %parallel_loop3A_660 = vector.extract %parallel_loop3A_659[0] : i32 from vector<1xi32>
      %parallel_loop3A_661 = arith.addi %parallel_loop3A_516, %parallel_loop3A_660 : i32
      scf.yield %parallel_loop3A_661 : i32
    } {sc.loop_unroll_factor = 1 : i64, sc.parallel_access}
    %sub3A_60 = vector.broadcast %multiple_of3A : i32 to vector<16xi32>
    %sub3A_61 = arith.subi %get3A_33, %sub3A_60 : vector<16xi32>
    %ge3A_62 = arith.constant 0 : i32
    %ge3A_63 = vector.broadcast %ge3A_62 : i32 to vector<16xi32>
    %ge3A_64 = arith.cmpi sge, %sub3A_61, %ge3A_63 : vector<16xi32>
    %lt3A_65 = arith.constant 2048 : i32
    %lt3A_66 = vector.broadcast %lt3A_65 : i32 to vector<16xi32>
    %lt3A_67 = arith.cmpi slt, %sub3A_61, %lt3A_66 : vector<16xi32>
    %and3A_68 = arith.andi %ge3A_64, %lt3A_67 : vector<16xi1>
    %eq3A = arith.constant 15 : i32
    %eq3A_69 = arith.cmpi eq, %arg1, %eq3A : i32
    %eq3A_70 = arith.constant 2048 : i32
    %eq3A_71 = vector.broadcast %eq3A_70 : i32 to vector<16xi32>
    %eq3A_72 = arith.cmpi eq, %sub3A_61, %eq3A_71 : vector<16xi32>
    %and3A_73 = vector.broadcast %eq3A_69 : i1 to vector<16xi1>
    %and3A_74 = arith.andi %and3A_73, %eq3A_72 : vector<16xi1>
    %or3A = arith.ori %and3A_68, %and3A_74 : vector<16xi1>
    %jit3A_75 = arith.constant 0 : i32
    %jit3A_76 = arith.constant 2047 : i32
    %max3A_77 = vector.broadcast %jit3A_75 : i32 to vector<16xi32>
    %max3A_78 = arith.maxsi %max3A_77, %sub3A_61 : vector<16xi32>
    %min3A_79 = vector.broadcast %jit3A_76 : i32 to vector<16xi32>
    %min3A_80 = arith.minsi %min3A_79, %max3A_78 : vector<16xi32>
    %gather3A = tpu.vector_load_idx %arg14[%min3A_80] masked %or3A : memref<2048xi32, #tpu.memory_space<vmem>>[vector<16xi32>], vector<16xi32>, vector<16xi1>
    %eq3A_81 = arith.constant 2048 : i32
    %eq3A_82 = vector.broadcast %eq3A_81 : i32 to vector<16xi32>
    %eq3A_83 = arith.cmpi eq, %sub3A_61, %eq3A_82 : vector<16xi32>
    %jit3A_84 = arith.constant 0 : i32
    %broadcast_in_dim3A_85 = vector.broadcast %jit3A_84 : i32 to vector<16xi32>
    %select_n3A = arith.select %or3A, %gather3A, %broadcast_in_dim3A_85 : vector<16xi1>, vector<16xi32>
    %broadcast_in_dim3A_86 = vector.broadcast %parallel_loop3A_59 : i32 to vector<16xi32>
    %select_n3A_87 = arith.select %eq3A_83, %broadcast_in_dim3A_86, %select_n3A : vector<16xi1>, vector<16xi32>
    %dma_wait3A_88 = tpu.memref_slice %arg5[%multiple_of3A] : memref<34848xi32, #tpu.memory_space<hbm>> -> memref<2048xi32, #tpu.memory_space<hbm>>
    %dma_wait3A_89 = tpu.memref_slice %arg5[%multiple_of3A] : memref<34848xi32, #tpu.memory_space<hbm>> -> memref<2048xi32, #tpu.memory_space<hbm>>
    tpu.wait_dma2 semaphore(%arg27 : memref<!tpu.dma_semaphore, #tpu.memory_space<semaphore_mem>>) src(%arg17 : memref<2048xi32, #tpu.memory_space<vmem>>) dst(%dma_wait3A_89 : memref<2048xi32, #tpu.memory_space<hbm>>)
    %dma_wait3A_90 = tpu.memref_slice %arg6[%multiple_of3A] : memref<34848xf32, #tpu.memory_space<hbm>> -> memref<2048xf32, #tpu.memory_space<hbm>>
    %dma_wait3A_91 = tpu.memref_slice %arg6[%multiple_of3A] : memref<34848xf32, #tpu.memory_space<hbm>> -> memref<2048xf32, #tpu.memory_space<hbm>>
    tpu.wait_dma2 semaphore(%arg27 : memref<!tpu.dma_semaphore, #tpu.memory_space<semaphore_mem>>) src(%arg18 : memref<2048xf32, #tpu.memory_space<vmem>>) dst(%dma_wait3A_91 : memref<2048xf32, #tpu.memory_space<hbm>>)
    %barrier3A = arith.constant 0 : index
    tpu.barrier barrier_id(%barrier3A)
    %add3A_92 = arith.constant 2 : i32
    %add3A_93 = arith.addi %add3A_92, %arg1 : i32
    %sc_fetch_and_add3A = arith.constant 0 : i32
    %sc_fetch_and_add3A_94 = tpu.fetch_and_add_sync %arg25[%add3A_93], %parallel_loop3A_59, %sc_fetch_and_add3A : memref<24xi32, #tpu.memory_space<smem>>, i32 -> i32
    %barrier3A_95 = arith.constant 0 : index
    tpu.barrier barrier_id(%barrier3A_95)
    %eq3A_96 = arith.constant 0 : i32
    %eq3A_97 = arith.cmpi eq, %arg1, %eq3A_96 : i32
    %convert_element_type3A = arith.extui %eq3A_97 : i1 to i32
    %cond3A = arith.constant 0 : i32
    %cond3A_98 = arith.cmpi ne, %convert_element_type3A, %cond3A : i32
    scf.if %cond3A_98 {
      %broadcast_in_dim3A_515 = arith.constant 0 : i32
      %broadcast_in_dim3A_516 = vector.broadcast %broadcast_in_dim3A_515 : i32 to vector<16xi32>
      %eq3A_517 = arith.constant 0 : i32
      %eq3A_518 = vector.broadcast %eq3A_517 : i32 to vector<16xi32>
      %eq3A_519 = arith.cmpi eq, %iota3A, %eq3A_518 : vector<16xi32>
      %get3A_520 = arith.constant 2 : i32
      %get3A_521 = arith.index_cast %get3A_520 : i32 to index
      %get3A_522 = memref.load %arg25[%get3A_521] : memref<24xi32, #tpu.memory_space<smem>>
      %broadcast_in_dim3A_523 = vector.broadcast %get3A_522 : i32 to vector<16xi32>
      %select_n3A_524 = arith.select %eq3A_519, %broadcast_in_dim3A_523, %broadcast_in_dim3A_516 : vector<16xi1>, vector<16xi32>
      %eq3A_525 = arith.constant 1 : i32
      %eq3A_526 = vector.broadcast %eq3A_525 : i32 to vector<16xi32>
      %eq3A_527 = arith.cmpi eq, %iota3A, %eq3A_526 : vector<16xi32>
      %get3A_528 = arith.constant 3 : i32
      %get3A_529 = arith.index_cast %get3A_528 : i32 to index
      %get3A_530 = memref.load %arg25[%get3A_529] : memref<24xi32, #tpu.memory_space<smem>>
      %broadcast_in_dim3A_531 = vector.broadcast %get3A_530 : i32 to vector<16xi32>
      %select_n3A_532 = arith.select %eq3A_527, %broadcast_in_dim3A_531, %select_n3A_524 : vector<16xi1>, vector<16xi32>
      %eq3A_533 = arith.constant 2 : i32
      %eq3A_534 = vector.broadcast %eq3A_533 : i32 to vector<16xi32>
      %eq3A_535 = arith.cmpi eq, %iota3A, %eq3A_534 : vector<16xi32>
      %get3A_536 = arith.constant 4 : i32
      %get3A_537 = arith.index_cast %get3A_536 : i32 to index
      %get3A_538 = memref.load %arg25[%get3A_537] : memref<24xi32, #tpu.memory_space<smem>>
      %broadcast_in_dim3A_539 = vector.broadcast %get3A_538 : i32 to vector<16xi32>
      %select_n3A_540 = arith.select %eq3A_535, %broadcast_in_dim3A_539, %select_n3A_532 : vector<16xi1>, vector<16xi32>
      %eq3A_541 = arith.constant 3 : i32
      %eq3A_542 = vector.broadcast %eq3A_541 : i32 to vector<16xi32>
      %eq3A_543 = arith.cmpi eq, %iota3A, %eq3A_542 : vector<16xi32>
      %get3A_544 = arith.constant 5 : i32
      %get3A_545 = arith.index_cast %get3A_544 : i32 to index
      %get3A_546 = memref.load %arg25[%get3A_545] : memref<24xi32, #tpu.memory_space<smem>>
      %broadcast_in_dim3A_547 = vector.broadcast %get3A_546 : i32 to vector<16xi32>
      %select_n3A_548 = arith.select %eq3A_543, %broadcast_in_dim3A_547, %select_n3A_540 : vector<16xi1>, vector<16xi32>
      %eq3A_549 = arith.constant 4 : i32
      %eq3A_550 = vector.broadcast %eq3A_549 : i32 to vector<16xi32>
      %eq3A_551 = arith.cmpi eq, %iota3A, %eq3A_550 : vector<16xi32>
      %get3A_552 = arith.constant 6 : i32
      %get3A_553 = arith.index_cast %get3A_552 : i32 to index
      %get3A_554 = memref.load %arg25[%get3A_553] : memref<24xi32, #tpu.memory_space<smem>>
      %broadcast_in_dim3A_555 = vector.broadcast %get3A_554 : i32 to vector<16xi32>
      %select_n3A_556 = arith.select %eq3A_551, %broadcast_in_dim3A_555, %select_n3A_548 : vector<16xi1>, vector<16xi32>
      %eq3A_557 = arith.constant 5 : i32
      %eq3A_558 = vector.broadcast %eq3A_557 : i32 to vector<16xi32>
      %eq3A_559 = arith.cmpi eq, %iota3A, %eq3A_558 : vector<16xi32>
      %get3A_560 = arith.constant 7 : i32
      %get3A_561 = arith.index_cast %get3A_560 : i32 to index
      %get3A_562 = memref.load %arg25[%get3A_561] : memref<24xi32, #tpu.memory_space<smem>>
      %broadcast_in_dim3A_563 = vector.broadcast %get3A_562 : i32 to vector<16xi32>
      %select_n3A_564 = arith.select %eq3A_559, %broadcast_in_dim3A_563, %select_n3A_556 : vector<16xi1>, vector<16xi32>
      %eq3A_565 = arith.constant 6 : i32
      %eq3A_566 = vector.broadcast %eq3A_565 : i32 to vector<16xi32>
      %eq3A_567 = arith.cmpi eq, %iota3A, %eq3A_566 : vector<16xi32>
      %get3A_568 = arith.constant 8 : i32
      %get3A_569 = arith.index_cast %get3A_568 : i32 to index
      %get3A_570 = memref.load %arg25[%get3A_569] : memref<24xi32, #tpu.memory_space<smem>>
      %broadcast_in_dim3A_571 = vector.broadcast %get3A_570 : i32 to vector<16xi32>
      %select_n3A_572 = arith.select %eq3A_567, %broadcast_in_dim3A_571, %select_n3A_564 : vector<16xi1>, vector<16xi32>
      %eq3A_573 = arith.constant 7 : i32
      %eq3A_574 = vector.broadcast %eq3A_573 : i32 to vector<16xi32>
      %eq3A_575 = arith.cmpi eq, %iota3A, %eq3A_574 : vector<16xi32>
      %get3A_576 = arith.constant 9 : i32
      %get3A_577 = arith.index_cast %get3A_576 : i32 to index
      %get3A_578 = memref.load %arg25[%get3A_577] : memref<24xi32, #tpu.memory_space<smem>>
      %broadcast_in_dim3A_579 = vector.broadcast %get3A_578 : i32 to vector<16xi32>
      %select_n3A_580 = arith.select %eq3A_575, %broadcast_in_dim3A_579, %select_n3A_572 : vector<16xi1>, vector<16xi32>
      %eq3A_581 = arith.constant 8 : i32
      %eq3A_582 = vector.broadcast %eq3A_581 : i32 to vector<16xi32>
      %eq3A_583 = arith.cmpi eq, %iota3A, %eq3A_582 : vector<16xi32>
      %get3A_584 = arith.constant 10 : i32
      %get3A_585 = arith.index_cast %get3A_584 : i32 to index
      %get3A_586 = memref.load %arg25[%get3A_585] : memref<24xi32, #tpu.memory_space<smem>>
      %broadcast_in_dim3A_587 = vector.broadcast %get3A_586 : i32 to vector<16xi32>
      %select_n3A_588 = arith.select %eq3A_583, %broadcast_in_dim3A_587, %select_n3A_580 : vector<16xi1>, vector<16xi32>
      %eq3A_589 = arith.constant 9 : i32
      %eq3A_590 = vector.broadcast %eq3A_589 : i32 to vector<16xi32>
      %eq3A_591 = arith.cmpi eq, %iota3A, %eq3A_590 : vector<16xi32>
      %get3A_592 = arith.constant 11 : i32
      %get3A_593 = arith.index_cast %get3A_592 : i32 to index
      %get3A_594 = memref.load %arg25[%get3A_593] : memref<24xi32, #tpu.memory_space<smem>>
      %broadcast_in_dim3A_595 = vector.broadcast %get3A_594 : i32 to vector<16xi32>
      %select_n3A_596 = arith.select %eq3A_591, %broadcast_in_dim3A_595, %select_n3A_588 : vector<16xi1>, vector<16xi32>
      %eq3A_597 = arith.constant 10 : i32
      %eq3A_598 = vector.broadcast %eq3A_597 : i32 to vector<16xi32>
      %eq3A_599 = arith.cmpi eq, %iota3A, %eq3A_598 : vector<16xi32>
      %get3A_600 = arith.constant 12 : i32
      %get3A_601 = arith.index_cast %get3A_600 : i32 to index
      %get3A_602 = memref.load %arg25[%get3A_601] : memref<24xi32, #tpu.memory_space<smem>>
      %broadcast_in_dim3A_603 = vector.broadcast %get3A_602 : i32 to vector<16xi32>
      %select_n3A_604 = arith.select %eq3A_599, %broadcast_in_dim3A_603, %select_n3A_596 : vector<16xi1>, vector<16xi32>
      %eq3A_605 = arith.constant 11 : i32
      %eq3A_606 = vector.broadcast %eq3A_605 : i32 to vector<16xi32>
      %eq3A_607 = arith.cmpi eq, %iota3A, %eq3A_606 : vector<16xi32>
      %get3A_608 = arith.constant 13 : i32
      %get3A_609 = arith.index_cast %get3A_608 : i32 to index
      %get3A_610 = memref.load %arg25[%get3A_609] : memref<24xi32, #tpu.memory_space<smem>>
      %broadcast_in_dim3A_611 = vector.broadcast %get3A_610 : i32 to vector<16xi32>
      %select_n3A_612 = arith.select %eq3A_607, %broadcast_in_dim3A_611, %select_n3A_604 : vector<16xi1>, vector<16xi32>
      %eq3A_613 = arith.constant 12 : i32
      %eq3A_614 = vector.broadcast %eq3A_613 : i32 to vector<16xi32>
      %eq3A_615 = arith.cmpi eq, %iota3A, %eq3A_614 : vector<16xi32>
      %get3A_616 = arith.constant 14 : i32
      %get3A_617 = arith.index_cast %get3A_616 : i32 to index
      %get3A_618 = memref.load %arg25[%get3A_617] : memref<24xi32, #tpu.memory_space<smem>>
      %broadcast_in_dim3A_619 = vector.broadcast %get3A_618 : i32 to vector<16xi32>
      %select_n3A_620 = arith.select %eq3A_615, %broadcast_in_dim3A_619, %select_n3A_612 : vector<16xi1>, vector<16xi32>
      %eq3A_621 = arith.constant 13 : i32
      %eq3A_622 = vector.broadcast %eq3A_621 : i32 to vector<16xi32>
      %eq3A_623 = arith.cmpi eq, %iota3A, %eq3A_622 : vector<16xi32>
      %get3A_624 = arith.constant 15 : i32
      %get3A_625 = arith.index_cast %get3A_624 : i32 to index
      %get3A_626 = memref.load %arg25[%get3A_625] : memref<24xi32, #tpu.memory_space<smem>>
      %broadcast_in_dim3A_627 = vector.broadcast %get3A_626 : i32 to vector<16xi32>
      %select_n3A_628 = arith.select %eq3A_623, %broadcast_in_dim3A_627, %select_n3A_620 : vector<16xi1>, vector<16xi32>
      %eq3A_629 = arith.constant 14 : i32
      %eq3A_630 = vector.broadcast %eq3A_629 : i32 to vector<16xi32>
      %eq3A_631 = arith.cmpi eq, %iota3A, %eq3A_630 : vector<16xi32>
      %get3A_632 = arith.constant 16 : i32
      %get3A_633 = arith.index_cast %get3A_632 : i32 to index
      %get3A_634 = memref.load %arg25[%get3A_633] : memref<24xi32, #tpu.memory_space<smem>>
      %broadcast_in_dim3A_635 = vector.broadcast %get3A_634 : i32 to vector<16xi32>
      %select_n3A_636 = arith.select %eq3A_631, %broadcast_in_dim3A_635, %select_n3A_628 : vector<16xi1>, vector<16xi32>
      %eq3A_637 = arith.constant 15 : i32
      %eq3A_638 = vector.broadcast %eq3A_637 : i32 to vector<16xi32>
      %eq3A_639 = arith.cmpi eq, %iota3A, %eq3A_638 : vector<16xi32>
      %get3A_640 = arith.constant 17 : i32
      %get3A_641 = arith.index_cast %get3A_640 : i32 to index
      %get3A_642 = memref.load %arg25[%get3A_641] : memref<24xi32, #tpu.memory_space<smem>>
      %broadcast_in_dim3A_643 = vector.broadcast %get3A_642 : i32 to vector<16xi32>
      %select_n3A_644 = arith.select %eq3A_639, %broadcast_in_dim3A_643, %select_n3A_636 : vector<16xi1>, vector<16xi32>
      %broadcast_in_dim3A_645 = arith.constant true
      %broadcast_in_dim3A_646 = vector.broadcast %broadcast_in_dim3A_645 : i1 to vector<16xi1>
      %masked_cumsum3A = tpu.scan <sum>, %select_n3A_644 masked %broadcast_in_dim3A_646 : vector<16xi32>, vector<16xi1> -> vector<16xi32>
      %sub3A_647 = arith.subi %masked_cumsum3A, %select_n3A_644 : vector<16xi32>
      %eq3A_648 = arith.constant 0 : i32
      %eq3A_649 = vector.broadcast %eq3A_648 : i32 to vector<16xi32>
      %eq3A_650 = arith.cmpi eq, %iota3A, %eq3A_649 : vector<16xi32>
      %jit3A_651 = arith.constant 0 : i32
      %broadcast_in_dim3A_652 = vector.broadcast %jit3A_651 : i32 to vector<16xi32>
      %select_n3A_653 = arith.select %eq3A_650, %sub3A_647, %broadcast_in_dim3A_652 : vector<16xi1>, vector<16xi32>
      %reduce_sum3A = arith.constant true
      %reduce_sum3A_654 = vector.broadcast %reduce_sum3A : i1 to vector<16xi1>
      %reduce_sum3A_655 = tpu.scan <sum>, %select_n3A_653 masked %reduce_sum3A_654 : vector<16xi32>, vector<16xi1> -> vector<16xi32>
      %reduce_sum3A_656 = vector.extract %reduce_sum3A_655[15] : i32 from vector<16xi32>
      %sc_fetch_and_add3A_657 = arith.constant 0 : i32
      %sc_fetch_and_add3A_658 = arith.constant 0 : i32
      %sc_fetch_and_add3A_659 = tpu.fetch_and_add_sync %arg25[%sc_fetch_and_add3A_657], %reduce_sum3A_656, %sc_fetch_and_add3A_658 : memref<24xi32, #tpu.memory_space<smem>>, i32 -> i32
      %eq3A_660 = arith.constant 1 : i32
      %eq3A_661 = vector.broadcast %eq3A_660 : i32 to vector<16xi32>
      %eq3A_662 = arith.cmpi eq, %iota3A, %eq3A_661 : vector<16xi32>
      %jit3A_663 = arith.constant 0 : i32
      %broadcast_in_dim3A_664 = vector.broadcast %jit3A_663 : i32 to vector<16xi32>
      %select_n3A_665 = arith.select %eq3A_662, %sub3A_647, %broadcast_in_dim3A_664 : vector<16xi1>, vector<16xi32>
      %reduce_sum3A_666 = arith.constant true
      %reduce_sum3A_667 = vector.broadcast %reduce_sum3A_666 : i1 to vector<16xi1>
      %reduce_sum3A_668 = tpu.scan <sum>, %select_n3A_665 masked %reduce_sum3A_667 : vector<16xi32>, vector<16xi1> -> vector<16xi32>
      %reduce_sum3A_669 = vector.extract %reduce_sum3A_668[15] : i32 from vector<16xi32>
      %sc_fetch_and_add3A_670 = arith.constant 0 : i32
      %sc_fetch_and_add3A_671 = arith.constant 1 : i32
      %sc_fetch_and_add3A_672 = tpu.fetch_and_add_sync %arg25[%sc_fetch_and_add3A_670], %reduce_sum3A_669, %sc_fetch_and_add3A_671 : memref<24xi32, #tpu.memory_space<smem>>, i32 -> i32
      %eq3A_673 = arith.constant 2 : i32
      %eq3A_674 = vector.broadcast %eq3A_673 : i32 to vector<16xi32>
      %eq3A_675 = arith.cmpi eq, %iota3A, %eq3A_674 : vector<16xi32>
      %jit3A_676 = arith.constant 0 : i32
      %broadcast_in_dim3A_677 = vector.broadcast %jit3A_676 : i32 to vector<16xi32>
      %select_n3A_678 = arith.select %eq3A_675, %sub3A_647, %broadcast_in_dim3A_677 : vector<16xi1>, vector<16xi32>
      %reduce_sum3A_679 = arith.constant true
      %reduce_sum3A_680 = vector.broadcast %reduce_sum3A_679 : i1 to vector<16xi1>
      %reduce_sum3A_681 = tpu.scan <sum>, %select_n3A_678 masked %reduce_sum3A_680 : vector<16xi32>, vector<16xi1> -> vector<16xi32>
      %reduce_sum3A_682 = vector.extract %reduce_sum3A_681[15] : i32 from vector<16xi32>
      %sc_fetch_and_add3A_683 = arith.constant 0 : i32
      %sc_fetch_and_add3A_684 = arith.constant 2 : i32
      %sc_fetch_and_add3A_685 = tpu.fetch_and_add_sync %arg25[%sc_fetch_and_add3A_683], %reduce_sum3A_682, %sc_fetch_and_add3A_684 : memref<24xi32, #tpu.memory_space<smem>>, i32 -> i32
      %eq3A_686 = arith.constant 3 : i32
      %eq3A_687 = vector.broadcast %eq3A_686 : i32 to vector<16xi32>
      %eq3A_688 = arith.cmpi eq, %iota3A, %eq3A_687 : vector<16xi32>
      %jit3A_689 = arith.constant 0 : i32
      %broadcast_in_dim3A_690 = vector.broadcast %jit3A_689 : i32 to vector<16xi32>
      %select_n3A_691 = arith.select %eq3A_688, %sub3A_647, %broadcast_in_dim3A_690 : vector<16xi1>, vector<16xi32>
      %reduce_sum3A_692 = arith.constant true
      %reduce_sum3A_693 = vector.broadcast %reduce_sum3A_692 : i1 to vector<16xi1>
      %reduce_sum3A_694 = tpu.scan <sum>, %select_n3A_691 masked %reduce_sum3A_693 : vector<16xi32>, vector<16xi1> -> vector<16xi32>
      %reduce_sum3A_695 = vector.extract %reduce_sum3A_694[15] : i32 from vector<16xi32>
      %sc_fetch_and_add3A_696 = arith.constant 0 : i32
      %sc_fetch_and_add3A_697 = arith.constant 3 : i32
      %sc_fetch_and_add3A_698 = tpu.fetch_and_add_sync %arg25[%sc_fetch_and_add3A_696], %reduce_sum3A_695, %sc_fetch_and_add3A_697 : memref<24xi32, #tpu.memory_space<smem>>, i32 -> i32
      %eq3A_699 = arith.constant 4 : i32
      %eq3A_700 = vector.broadcast %eq3A_699 : i32 to vector<16xi32>
      %eq3A_701 = arith.cmpi eq, %iota3A, %eq3A_700 : vector<16xi32>
      %jit3A_702 = arith.constant 0 : i32
      %broadcast_in_dim3A_703 = vector.broadcast %jit3A_702 : i32 to vector<16xi32>
      %select_n3A_704 = arith.select %eq3A_701, %sub3A_647, %broadcast_in_dim3A_703 : vector<16xi1>, vector<16xi32>
      %reduce_sum3A_705 = arith.constant true
      %reduce_sum3A_706 = vector.broadcast %reduce_sum3A_705 : i1 to vector<16xi1>
      %reduce_sum3A_707 = tpu.scan <sum>, %select_n3A_704 masked %reduce_sum3A_706 : vector<16xi32>, vector<16xi1> -> vector<16xi32>
      %reduce_sum3A_708 = vector.extract %reduce_sum3A_707[15] : i32 from vector<16xi32>
      %sc_fetch_and_add3A_709 = arith.constant 0 : i32
      %sc_fetch_and_add3A_710 = arith.constant 4 : i32
      %sc_fetch_and_add3A_711 = tpu.fetch_and_add_sync %arg25[%sc_fetch_and_add3A_709], %reduce_sum3A_708, %sc_fetch_and_add3A_710 : memref<24xi32, #tpu.memory_space<smem>>, i32 -> i32
      %eq3A_712 = arith.constant 5 : i32
      %eq3A_713 = vector.broadcast %eq3A_712 : i32 to vector<16xi32>
      %eq3A_714 = arith.cmpi eq, %iota3A, %eq3A_713 : vector<16xi32>
      %jit3A_715 = arith.constant 0 : i32
      %broadcast_in_dim3A_716 = vector.broadcast %jit3A_715 : i32 to vector<16xi32>
      %select_n3A_717 = arith.select %eq3A_714, %sub3A_647, %broadcast_in_dim3A_716 : vector<16xi1>, vector<16xi32>
      %reduce_sum3A_718 = arith.constant true
      %reduce_sum3A_719 = vector.broadcast %reduce_sum3A_718 : i1 to vector<16xi1>
      %reduce_sum3A_720 = tpu.scan <sum>, %select_n3A_717 masked %reduce_sum3A_719 : vector<16xi32>, vector<16xi1> -> vector<16xi32>
      %reduce_sum3A_721 = vector.extract %reduce_sum3A_720[15] : i32 from vector<16xi32>
      %sc_fetch_and_add3A_722 = arith.constant 0 : i32
      %sc_fetch_and_add3A_723 = arith.constant 5 : i32
      %sc_fetch_and_add3A_724 = tpu.fetch_and_add_sync %arg25[%sc_fetch_and_add3A_722], %reduce_sum3A_721, %sc_fetch_and_add3A_723 : memref<24xi32, #tpu.memory_space<smem>>, i32 -> i32
      %eq3A_725 = arith.constant 6 : i32
      %eq3A_726 = vector.broadcast %eq3A_725 : i32 to vector<16xi32>
      %eq3A_727 = arith.cmpi eq, %iota3A, %eq3A_726 : vector<16xi32>
      %jit3A_728 = arith.constant 0 : i32
      %broadcast_in_dim3A_729 = vector.broadcast %jit3A_728 : i32 to vector<16xi32>
      %select_n3A_730 = arith.select %eq3A_727, %sub3A_647, %broadcast_in_dim3A_729 : vector<16xi1>, vector<16xi32>
      %reduce_sum3A_731 = arith.constant true
      %reduce_sum3A_732 = vector.broadcast %reduce_sum3A_731 : i1 to vector<16xi1>
      %reduce_sum3A_733 = tpu.scan <sum>, %select_n3A_730 masked %reduce_sum3A_732 : vector<16xi32>, vector<16xi1> -> vector<16xi32>
      %reduce_sum3A_734 = vector.extract %reduce_sum3A_733[15] : i32 from vector<16xi32>
      %sc_fetch_and_add3A_735 = arith.constant 0 : i32
      %sc_fetch_and_add3A_736 = arith.constant 6 : i32
      %sc_fetch_and_add3A_737 = tpu.fetch_and_add_sync %arg25[%sc_fetch_and_add3A_735], %reduce_sum3A_734, %sc_fetch_and_add3A_736 : memref<24xi32, #tpu.memory_space<smem>>, i32 -> i32
      %eq3A_738 = arith.constant 7 : i32
      %eq3A_739 = vector.broadcast %eq3A_738 : i32 to vector<16xi32>
      %eq3A_740 = arith.cmpi eq, %iota3A, %eq3A_739 : vector<16xi32>
      %jit3A_741 = arith.constant 0 : i32
      %broadcast_in_dim3A_742 = vector.broadcast %jit3A_741 : i32 to vector<16xi32>
      %select_n3A_743 = arith.select %eq3A_740, %sub3A_647, %broadcast_in_dim3A_742 : vector<16xi1>, vector<16xi32>
      %reduce_sum3A_744 = arith.constant true
      %reduce_sum3A_745 = vector.broadcast %reduce_sum3A_744 : i1 to vector<16xi1>
      %reduce_sum3A_746 = tpu.scan <sum>, %select_n3A_743 masked %reduce_sum3A_745 : vector<16xi32>, vector<16xi1> -> vector<16xi32>
      %reduce_sum3A_747 = vector.extract %reduce_sum3A_746[15] : i32 from vector<16xi32>
      %sc_fetch_and_add3A_748 = arith.constant 0 : i32
      %sc_fetch_and_add3A_749 = arith.constant 7 : i32
      %sc_fetch_and_add3A_750 = tpu.fetch_and_add_sync %arg25[%sc_fetch_and_add3A_748], %reduce_sum3A_747, %sc_fetch_and_add3A_749 : memref<24xi32, #tpu.memory_space<smem>>, i32 -> i32
      %eq3A_751 = arith.constant 8 : i32
      %eq3A_752 = vector.broadcast %eq3A_751 : i32 to vector<16xi32>
      %eq3A_753 = arith.cmpi eq, %iota3A, %eq3A_752 : vector<16xi32>
      %jit3A_754 = arith.constant 0 : i32
      %broadcast_in_dim3A_755 = vector.broadcast %jit3A_754 : i32 to vector<16xi32>
      %select_n3A_756 = arith.select %eq3A_753, %sub3A_647, %broadcast_in_dim3A_755 : vector<16xi1>, vector<16xi32>
      %reduce_sum3A_757 = arith.constant true
      %reduce_sum3A_758 = vector.broadcast %reduce_sum3A_757 : i1 to vector<16xi1>
      %reduce_sum3A_759 = tpu.scan <sum>, %select_n3A_756 masked %reduce_sum3A_758 : vector<16xi32>, vector<16xi1> -> vector<16xi32>
      %reduce_sum3A_760 = vector.extract %reduce_sum3A_759[15] : i32 from vector<16xi32>
      %sc_fetch_and_add3A_761 = arith.constant 0 : i32
      %sc_fetch_and_add3A_762 = arith.constant 8 : i32
      %sc_fetch_and_add3A_763 = tpu.fetch_and_add_sync %arg25[%sc_fetch_and_add3A_761], %reduce_sum3A_760, %sc_fetch_and_add3A_762 : memref<24xi32, #tpu.memory_space<smem>>, i32 -> i32
      %eq3A_764 = arith.constant 9 : i32
      %eq3A_765 = vector.broadcast %eq3A_764 : i32 to vector<16xi32>
      %eq3A_766 = arith.cmpi eq, %iota3A, %eq3A_765 : vector<16xi32>
      %jit3A_767 = arith.constant 0 : i32
      %broadcast_in_dim3A_768 = vector.broadcast %jit3A_767 : i32 to vector<16xi32>
      %select_n3A_769 = arith.select %eq3A_766, %sub3A_647, %broadcast_in_dim3A_768 : vector<16xi1>, vector<16xi32>
      %reduce_sum3A_770 = arith.constant true
      %reduce_sum3A_771 = vector.broadcast %reduce_sum3A_770 : i1 to vector<16xi1>
      %reduce_sum3A_772 = tpu.scan <sum>, %select_n3A_769 masked %reduce_sum3A_771 : vector<16xi32>, vector<16xi1> -> vector<16xi32>
      %reduce_sum3A_773 = vector.extract %reduce_sum3A_772[15] : i32 from vector<16xi32>
      %sc_fetch_and_add3A_774 = arith.constant 0 : i32
      %sc_fetch_and_add3A_775 = arith.constant 9 : i32
      %sc_fetch_and_add3A_776 = tpu.fetch_and_add_sync %arg25[%sc_fetch_and_add3A_774], %reduce_sum3A_773, %sc_fetch_and_add3A_775 : memref<24xi32, #tpu.memory_space<smem>>, i32 -> i32
      %eq3A_777 = arith.constant 10 : i32
      %eq3A_778 = vector.broadcast %eq3A_777 : i32 to vector<16xi32>
      %eq3A_779 = arith.cmpi eq, %iota3A, %eq3A_778 : vector<16xi32>
      %jit3A_780 = arith.constant 0 : i32
      %broadcast_in_dim3A_781 = vector.broadcast %jit3A_780 : i32 to vector<16xi32>
      %select_n3A_782 = arith.select %eq3A_779, %sub3A_647, %broadcast_in_dim3A_781 : vector<16xi1>, vector<16xi32>
      %reduce_sum3A_783 = arith.constant true
      %reduce_sum3A_784 = vector.broadcast %reduce_sum3A_783 : i1 to vector<16xi1>
      %reduce_sum3A_785 = tpu.scan <sum>, %select_n3A_782 masked %reduce_sum3A_784 : vector<16xi32>, vector<16xi1> -> vector<16xi32>
      %reduce_sum3A_786 = vector.extract %reduce_sum3A_785[15] : i32 from vector<16xi32>
      %sc_fetch_and_add3A_787 = arith.constant 0 : i32
      %sc_fetch_and_add3A_788 = arith.constant 10 : i32
      %sc_fetch_and_add3A_789 = tpu.fetch_and_add_sync %arg25[%sc_fetch_and_add3A_787], %reduce_sum3A_786, %sc_fetch_and_add3A_788 : memref<24xi32, #tpu.memory_space<smem>>, i32 -> i32
      %eq3A_790 = arith.constant 11 : i32
      %eq3A_791 = vector.broadcast %eq3A_790 : i32 to vector<16xi32>
      %eq3A_792 = arith.cmpi eq, %iota3A, %eq3A_791 : vector<16xi32>
      %jit3A_793 = arith.constant 0 : i32
      %broadcast_in_dim3A_794 = vector.broadcast %jit3A_793 : i32 to vector<16xi32>
      %select_n3A_795 = arith.select %eq3A_792, %sub3A_647, %broadcast_in_dim3A_794 : vector<16xi1>, vector<16xi32>
      %reduce_sum3A_796 = arith.constant true
      %reduce_sum3A_797 = vector.broadcast %reduce_sum3A_796 : i1 to vector<16xi1>
      %reduce_sum3A_798 = tpu.scan <sum>, %select_n3A_795 masked %reduce_sum3A_797 : vector<16xi32>, vector<16xi1> -> vector<16xi32>
      %reduce_sum3A_799 = vector.extract %reduce_sum3A_798[15] : i32 from vector<16xi32>
      %sc_fetch_and_add3A_800 = arith.constant 0 : i32
      %sc_fetch_and_add3A_801 = arith.constant 11 : i32
      %sc_fetch_and_add3A_802 = tpu.fetch_and_add_sync %arg25[%sc_fetch_and_add3A_800], %reduce_sum3A_799, %sc_fetch_and_add3A_801 : memref<24xi32, #tpu.memory_space<smem>>, i32 -> i32
      %eq3A_803 = arith.constant 12 : i32
      %eq3A_804 = vector.broadcast %eq3A_803 : i32 to vector<16xi32>
      %eq3A_805 = arith.cmpi eq, %iota3A, %eq3A_804 : vector<16xi32>
      %jit3A_806 = arith.constant 0 : i32
      %broadcast_in_dim3A_807 = vector.broadcast %jit3A_806 : i32 to vector<16xi32>
      %select_n3A_808 = arith.select %eq3A_805, %sub3A_647, %broadcast_in_dim3A_807 : vector<16xi1>, vector<16xi32>
      %reduce_sum3A_809 = arith.constant true
      %reduce_sum3A_810 = vector.broadcast %reduce_sum3A_809 : i1 to vector<16xi1>
      %reduce_sum3A_811 = tpu.scan <sum>, %select_n3A_808 masked %reduce_sum3A_810 : vector<16xi32>, vector<16xi1> -> vector<16xi32>
      %reduce_sum3A_812 = vector.extract %reduce_sum3A_811[15] : i32 from vector<16xi32>
      %sc_fetch_and_add3A_813 = arith.constant 0 : i32
      %sc_fetch_and_add3A_814 = arith.constant 12 : i32
      %sc_fetch_and_add3A_815 = tpu.fetch_and_add_sync %arg25[%sc_fetch_and_add3A_813], %reduce_sum3A_812, %sc_fetch_and_add3A_814 : memref<24xi32, #tpu.memory_space<smem>>, i32 -> i32
      %eq3A_816 = arith.constant 13 : i32
      %eq3A_817 = vector.broadcast %eq3A_816 : i32 to vector<16xi32>
      %eq3A_818 = arith.cmpi eq, %iota3A, %eq3A_817 : vector<16xi32>
      %jit3A_819 = arith.constant 0 : i32
      %broadcast_in_dim3A_820 = vector.broadcast %jit3A_819 : i32 to vector<16xi32>
      %select_n3A_821 = arith.select %eq3A_818, %sub3A_647, %broadcast_in_dim3A_820 : vector<16xi1>, vector<16xi32>
      %reduce_sum3A_822 = arith.constant true
      %reduce_sum3A_823 = vector.broadcast %reduce_sum3A_822 : i1 to vector<16xi1>
      %reduce_sum3A_824 = tpu.scan <sum>, %select_n3A_821 masked %reduce_sum3A_823 : vector<16xi32>, vector<16xi1> -> vector<16xi32>
      %reduce_sum3A_825 = vector.extract %reduce_sum3A_824[15] : i32 from vector<16xi32>
      %sc_fetch_and_add3A_826 = arith.constant 0 : i32
      %sc_fetch_and_add3A_827 = arith.constant 13 : i32
      %sc_fetch_and_add3A_828 = tpu.fetch_and_add_sync %arg25[%sc_fetch_and_add3A_826], %reduce_sum3A_825, %sc_fetch_and_add3A_827 : memref<24xi32, #tpu.memory_space<smem>>, i32 -> i32
      %eq3A_829 = arith.constant 14 : i32
      %eq3A_830 = vector.broadcast %eq3A_829 : i32 to vector<16xi32>
      %eq3A_831 = arith.cmpi eq, %iota3A, %eq3A_830 : vector<16xi32>
      %jit3A_832 = arith.constant 0 : i32
      %broadcast_in_dim3A_833 = vector.broadcast %jit3A_832 : i32 to vector<16xi32>
      %select_n3A_834 = arith.select %eq3A_831, %sub3A_647, %broadcast_in_dim3A_833 : vector<16xi1>, vector<16xi32>
      %reduce_sum3A_835 = arith.constant true
      %reduce_sum3A_836 = vector.broadcast %reduce_sum3A_835 : i1 to vector<16xi1>
      %reduce_sum3A_837 = tpu.scan <sum>, %select_n3A_834 masked %reduce_sum3A_836 : vector<16xi32>, vector<16xi1> -> vector<16xi32>
      %reduce_sum3A_838 = vector.extract %reduce_sum3A_837[15] : i32 from vector<16xi32>
      %sc_fetch_and_add3A_839 = arith.constant 0 : i32
      %sc_fetch_and_add3A_840 = arith.constant 14 : i32
      %sc_fetch_and_add3A_841 = tpu.fetch_and_add_sync %arg25[%sc_fetch_and_add3A_839], %reduce_sum3A_838, %sc_fetch_and_add3A_840 : memref<24xi32, #tpu.memory_space<smem>>, i32 -> i32
      %eq3A_842 = arith.constant 15 : i32
      %eq3A_843 = vector.broadcast %eq3A_842 : i32 to vector<16xi32>
      %eq3A_844 = arith.cmpi eq, %iota3A, %eq3A_843 : vector<16xi32>
      %jit3A_845 = arith.constant 0 : i32
      %broadcast_in_dim3A_846 = vector.broadcast %jit3A_845 : i32 to vector<16xi32>
      %select_n3A_847 = arith.select %eq3A_844, %sub3A_647, %broadcast_in_dim3A_846 : vector<16xi1>, vector<16xi32>
      %reduce_sum3A_848 = arith.constant true
      %reduce_sum3A_849 = vector.broadcast %reduce_sum3A_848 : i1 to vector<16xi1>
      %reduce_sum3A_850 = tpu.scan <sum>, %select_n3A_847 masked %reduce_sum3A_849 : vector<16xi32>, vector<16xi1> -> vector<16xi32>
      %reduce_sum3A_851 = vector.extract %reduce_sum3A_850[15] : i32 from vector<16xi32>
      %sc_fetch_and_add3A_852 = arith.constant 0 : i32
      %sc_fetch_and_add3A_853 = arith.constant 15 : i32
      %sc_fetch_and_add3A_854 = tpu.fetch_and_add_sync %arg25[%sc_fetch_and_add3A_852], %reduce_sum3A_851, %sc_fetch_and_add3A_853 : memref<24xi32, #tpu.memory_space<smem>>, i32 -> i32
    } else {
    }
    %barrier3A_99 = arith.constant 0 : index
    tpu.barrier barrier_id(%barrier3A_99)
    %get3A_100 = arith.constant 0 : i32
    %get3A_101 = arith.index_cast %get3A_100 : i32 to index
    %get3A_102 = memref.load %arg25[%get3A_101] : memref<24xi32, #tpu.memory_space<smem>>
    %add3A_103 = vector.broadcast %get3A_102 : i32 to vector<16xi32>
    %add3A_104 = arith.addi %select_n3A_87, %add3A_103 : vector<16xi32>
    %jit3A_105 = arith.constant 0 : i32
    %broadcast_in_dim3A_106 = vector.broadcast %jit3A_105 : i32 to vector<16xi32>
    %select_n3A_107 = arith.select %or3A, %add3A_104, %broadcast_in_dim3A_106 : vector<16xi1>, vector<16xi32>
    %swap3A = arith.constant 0 : index
    %swap3A_108 = tpu.vector_load %arg21[%swap3A] {strides = array<i32>} : memref<16xi32, #tpu.memory_space<vmem>>, vector<16xi32>,
    tpu.vector_store %arg21[%swap3A], %select_n3A_107 {strides = array<i32>} : memref<16xi32, #tpu.memory_space<vmem>>, vector<16xi32>,
    %add3A_109 = arith.constant 1 : i32
    %add3A_110 = vector.broadcast %add3A_109 : i32 to vector<16xi32>
    %add3A_111 = arith.addi %iota3A, %add3A_110 : vector<16xi32>
    %jit3A_112 = arith.constant 0 : i32
    %broadcast_in_dim3A_113 = vector.broadcast %jit3A_112 : i32 to vector<16xi32>
    %select_n3A_114 = arith.select %or3A, %add3A_111, %broadcast_in_dim3A_113 : vector<16xi1>, vector<16xi32>
    %swap3A_115 = arith.constant 0 : i32
    %swap3A_116 = arith.index_cast %swap3A_115 : i32 to index
    %swap3A_117 = arith.constant 0 : index
    %swap3A_118 = tpu.vector_load %arg20[%swap3A_116, %swap3A_117] {strides = array<i32>} : memref<1x16xi32, #tpu.memory_space<vmem>>, vector<16xi32>,
    tpu.vector_store %arg20[%swap3A_116, %swap3A_117], %select_n3A_114 {strides = array<i32>} : memref<1x16xi32, #tpu.memory_space<vmem>>, vector<16xi32>,
    %dma_start3A_119 = arith.constant 0 : i32
    %dma_start3A_120 = arith.constant 0 : i32
    %dma_start3A_121 = tpu.memref_slice %arg20[%dma_start3A_119, %dma_start3A_120] : memref<1x16xi32, #tpu.memory_space<vmem>> -> memref<1x16xi32, #tpu.memory_space<vmem>>
    %dma_start3A_122 = tpu.memref_squeeze %dma_start3A_121 : memref<1x16xi32, #tpu.memory_space<vmem>> -> memref<16xi32, #tpu.memory_space<vmem>>
    %dma_start3A_123 = arith.constant 0 : i32
    %dma_start3A_124 = tpu.memref_slice %arg7[%dma_start3A_123] : memref<17xi32, #tpu.memory_space<hbm>> -> memref<17xi32, #tpu.memory_space<hbm>>
    tpu.enqueue_indirect_dma source(%arg21 : memref<16xi32, #tpu.memory_space<vmem>>) target(%dma_start3A_124 : memref<17xi32, #tpu.memory_space<hbm>>) offsets(%dma_start3A_122 : memref<16xi32, #tpu.memory_space<vmem>>) semaphore(%arg28 : memref<!tpu.dma_semaphore, #tpu.memory_space<semaphore_mem>>)
    %rem3A = arith.constant 8 : i32
    %rem3A_125 = arith.remsi %get3A_102, %rem3A : i32
    %sub3A_126 = arith.constant 8 : i32
    %sub3A_127 = arith.subi %sub3A_126, %rem3A_125 : i32
    %rem3A_128 = arith.constant 8 : i32
    %rem3A_129 = arith.remsi %sub3A_127, %rem3A_128 : i32
    %add3A_130 = arith.addi %get3A_102, %rem3A_129 : i32
    %multiple_of3A_131 = tpu.assume_multiple %add3A_130, 8 : i32
    %sub3A_132 = arith.subi %parallel_loop3A_59, %rem3A_129 : i32
    %jit3A_133 = arith.constant 8 : i32
    %div3A = arith.divsi %sub3A_132, %jit3A_133 : i32
    %sign3A = arith.constant 0 : i32
    %sign3A_134 = arith.cmpi sgt, %sub3A_132, %sign3A : i32
    %sign3A_135 = arith.extui %sign3A_134 : i1 to i32
    %sign3A_136 = arith.constant 0 : i32
    %sign3A_137 = arith.cmpi slt, %sub3A_132, %sign3A_136 : i32
    %sign3A_138 = arith.extui %sign3A_137 : i1 to i32
    %sign3A_139 = arith.subi %sign3A_135, %sign3A_138 : i32
    %sign3A_140 = arith.constant 0 : i32
    %sign3A_141 = arith.cmpi sgt, %jit3A_133, %sign3A_140 : i32
    %sign3A_142 = arith.extui %sign3A_141 : i1 to i32
    %sign3A_143 = arith.constant 0 : i32
    %sign3A_144 = arith.cmpi slt, %jit3A_133, %sign3A_143 : i32
    %sign3A_145 = arith.extui %sign3A_144 : i1 to i32
    %sign3A_146 = arith.subi %sign3A_142, %sign3A_145 : i32
    %ne3A = arith.cmpi ne, %sign3A_139, %sign3A_146 : i32
    %rem3A_147 = arith.remsi %sub3A_132, %jit3A_133 : i32
    %ne3A_148 = arith.constant 0 : i32
    %ne3A_149 = arith.cmpi ne, %rem3A_147, %ne3A_148 : i32
    %and3A_150 = arith.andi %ne3A, %ne3A_149 : i1
    %sub3A_151 = arith.constant 1 : i32
    %sub3A_152 = arith.subi %div3A, %sub3A_151 : i32
    %select_n3A_153 = arith.select %and3A_150, %sub3A_152, %div3A : i32
    %mul3A_154 = arith.constant 8 : i32
    %mul3A_155 = arith.muli %select_n3A_153, %mul3A_154 : i32
    %sub3A_156 = arith.subi %parallel_loop3A_59, %rem3A_129 : i32
    %sub3A_157 = arith.subi %sub3A_156, %mul3A_155 : i32
    %lt3A_158 = arith.constant 8 : i32
    %lt3A_159 = vector.broadcast %lt3A_158 : i32 to vector<16xi32>
    %lt3A_160 = arith.cmpi slt, %iota3A, %lt3A_159 : vector<16xi32>
    %add3A_161 = arith.addi %rem3A_129, %mul3A_155 : i32
    %add3A_162 = vector.broadcast %add3A_161 : i32 to vector<16xi32>
    %add3A_163 = arith.addi %add3A_162, %iota3A : vector<16xi32>
    %sub3A_164 = arith.constant 8 : i32
    %sub3A_165 = vector.broadcast %sub3A_164 : i32 to vector<16xi32>
    %sub3A_166 = arith.subi %add3A_163, %sub3A_165 : vector<16xi32>
    %select_n3A_167 = arith.select %lt3A_160, %iota3A, %sub3A_166 : vector<16xi1>, vector<16xi32>
    %jit3A_168 = arith.constant 0 : i32
    %jit3A_169 = arith.constant 2063 : i32
    %max3A_170 = vector.broadcast %jit3A_168 : i32 to vector<16xi32>
    %max3A_171 = arith.maxsi %max3A_170, %select_n3A_167 : vector<16xi32>
    %min3A_172 = vector.broadcast %jit3A_169 : i32 to vector<16xi32>
    %min3A_173 = arith.minsi %min3A_172, %max3A_171 : vector<16xi32>
    %gather3A_174 = tpu.vector_load_idx %arg12[%min3A_173] : memref<2064xi32, #tpu.memory_space<vmem>>[vector<16xi32>], vector<16xi32>,
    %swap3A_175 = arith.constant 0 : index
    %swap3A_176 = tpu.vector_load %arg22[%swap3A_175] {strides = array<i32>} : memref<16xi32, #tpu.memory_space<vmem>>, vector<16xi32>,
    tpu.vector_store %arg22[%swap3A_175], %gather3A_174 {strides = array<i32>} : memref<16xi32, #tpu.memory_space<vmem>>, vector<16xi32>,
    %gather3A_177 = tpu.vector_load_idx %arg13[%min3A_173] : memref<2064xf32, #tpu.memory_space<vmem>>[vector<16xi32>], vector<16xf32>,
    %swap3A_178 = arith.constant 0 : index
    %swap3A_179 = tpu.vector_load %arg23[%swap3A_178] {strides = array<i32>} : memref<16xf32, #tpu.memory_space<vmem>>, vector<16xf32>,
    tpu.vector_store %arg23[%swap3A_178], %gather3A_177 {strides = array<i32>} : memref<16xf32, #tpu.memory_space<vmem>>, vector<16xf32>,
    %min3A_180 = arith.constant 8 : i32
    %min3A_181 = arith.minsi %rem3A_129, %min3A_180 : i32
    %lt3A_182 = vector.broadcast %min3A_181 : i32 to vector<16xi32>
    %lt3A_183 = arith.cmpi slt, %iota3A, %lt3A_182 : vector<16xi32>
    %ge3A_184 = arith.constant 8 : i32
    %ge3A_185 = vector.broadcast %ge3A_184 : i32 to vector<16xi32>
    %ge3A_186 = arith.cmpi sge, %iota3A, %ge3A_185 : vector<16xi32>
    %sub3A_187 = arith.constant 8 : i32
    %sub3A_188 = vector.broadcast %sub3A_187 : i32 to vector<16xi32>
    %sub3A_189 = arith.subi %iota3A, %sub3A_188 : vector<16xi32>
    %lt3A_190 = vector.broadcast %sub3A_157 : i32 to vector<16xi32>
    %lt3A_191 = arith.cmpi slt, %sub3A_189, %lt3A_190 : vector<16xi32>
    %and3A_192 = arith.andi %ge3A_186, %lt3A_191 : vector<16xi1>
    %add3A_193 = vector.broadcast %get3A_102 : i32 to vector<16xi32>
    %add3A_194 = arith.addi %add3A_193, %iota3A : vector<16xi32>
    %add3A_195 = arith.addi %multiple_of3A_131, %mul3A_155 : i32
    %add3A_196 = vector.broadcast %add3A_195 : i32 to vector<16xi32>
    %add3A_197 = arith.addi %add3A_196, %iota3A : vector<16xi32>
    %sub3A_198 = arith.constant 8 : i32
    %sub3A_199 = vector.broadcast %sub3A_198 : i32 to vector<16xi32>
    %sub3A_200 = arith.subi %add3A_197, %sub3A_199 : vector<16xi32>
    %jit3A_201 = arith.constant 32768 : i32
    %broadcast_in_dim3A_202 = vector.broadcast %jit3A_201 : i32 to vector<16xi32>
    %select_n3A_203 = arith.select %and3A_192, %sub3A_200, %broadcast_in_dim3A_202 : vector<16xi1>, vector<16xi32>
    %select_n3A_204 = arith.select %lt3A_183, %add3A_194, %select_n3A_203 : vector<16xi1>, vector<16xi32>
    %swap3A_205 = arith.constant 0 : i32
    %swap3A_206 = arith.index_cast %swap3A_205 : i32 to index
    %swap3A_207 = arith.constant 0 : index
    %swap3A_208 = tpu.vector_load %arg24[%swap3A_206, %swap3A_207] {strides = array<i32>} : memref<1x16xi32, #tpu.memory_space<vmem>>, vector<16xi32>,
    tpu.vector_store %arg24[%swap3A_206, %swap3A_207], %select_n3A_204 {strides = array<i32>} : memref<1x16xi32, #tpu.memory_space<vmem>>, vector<16xi32>,
    %dma_start3A_209 = arith.constant 0 : i32
    %dma_start3A_210 = arith.constant 0 : i32
    %dma_start3A_211 = tpu.memref_slice %arg24[%dma_start3A_209, %dma_start3A_210] : memref<1x16xi32, #tpu.memory_space<vmem>> -> memref<1x16xi32, #tpu.memory_space<vmem>>
    %dma_start3A_212 = tpu.memref_squeeze %dma_start3A_211 : memref<1x16xi32, #tpu.memory_space<vmem>> -> memref<16xi32, #tpu.memory_space<vmem>>
    %dma_start3A_213 = arith.constant 0 : i32
    %dma_start3A_214 = tpu.memref_slice %arg5[%dma_start3A_213] : memref<34848xi32, #tpu.memory_space<hbm>> -> memref<34848xi32, #tpu.memory_space<hbm>>
    tpu.enqueue_indirect_dma source(%arg22 : memref<16xi32, #tpu.memory_space<vmem>>) target(%dma_start3A_214 : memref<34848xi32, #tpu.memory_space<hbm>>) offsets(%dma_start3A_212 : memref<16xi32, #tpu.memory_space<vmem>>) semaphore(%arg28 : memref<!tpu.dma_semaphore, #tpu.memory_space<semaphore_mem>>)
    %dma_start3A_215 = arith.constant 0 : i32
    %dma_start3A_216 = arith.constant 0 : i32
    %dma_start3A_217 = tpu.memref_slice %arg24[%dma_start3A_215, %dma_start3A_216] : memref<1x16xi32, #tpu.memory_space<vmem>> -> memref<1x16xi32, #tpu.memory_space<vmem>>
    %dma_start3A_218 = tpu.memref_squeeze %dma_start3A_217 : memref<1x16xi32, #tpu.memory_space<vmem>> -> memref<16xi32, #tpu.memory_space<vmem>>
    %dma_start3A_219 = arith.constant 0 : i32
    %dma_start3A_220 = tpu.memref_slice %arg6[%dma_start3A_219] : memref<34848xf32, #tpu.memory_space<hbm>> -> memref<34848xf32, #tpu.memory_space<hbm>>
    tpu.enqueue_indirect_dma source(%arg23 : memref<16xf32, #tpu.memory_space<vmem>>) target(%dma_start3A_220 : memref<34848xf32, #tpu.memory_space<hbm>>) offsets(%dma_start3A_218 : memref<16xi32, #tpu.memory_space<vmem>>) semaphore(%arg28 : memref<!tpu.dma_semaphore, #tpu.memory_space<semaphore_mem>>)
    %parallel_loop3A_221 = arith.constant 0 : i32
    %parallel_loop3A_222 = arith.constant 2048 : i32
    %parallel_loop3A_223 = arith.constant 16 : i32
    scf.for %parallel_loop3A_515 = %parallel_loop3A_221 to %parallel_loop3A_222 step %parallel_loop3A_223  : i32 {
      %parallel_loop3A_516 = vector.broadcast %parallel_loop3A_515 : i32 to vector<16xi32>
      %parallel_loop3A_517 = arith.addi %iota3A, %parallel_loop3A_516 : vector<16xi32>
      %parallel_loop3A_518 = vector.broadcast %rem3A_129 : i32 to vector<16xi32>
      %parallel_loop3A_519 = arith.addi %parallel_loop3A_517, %parallel_loop3A_518 : vector<16xi32>
      %parallel_loop3A_520 = tpu.vector_load_idx %arg12[%parallel_loop3A_519] : memref<2064xi32, #tpu.memory_space<vmem>>[vector<16xi32>], vector<16xi32>,
      %parallel_loop3A_521 = arith.index_cast %parallel_loop3A_515 : i32 to index
      %parallel_loop3A_522 = tpu.vector_load %arg15[%parallel_loop3A_521] {strides = array<i32>} : memref<2064xi32, #tpu.memory_space<vmem>>, vector<16xi32>,
      tpu.vector_store %arg15[%parallel_loop3A_521], %parallel_loop3A_520 {strides = array<i32>} : memref<2064xi32, #tpu.memory_space<vmem>>, vector<16xi32>,
      %parallel_loop3A_523 = tpu.vector_load_idx %arg13[%parallel_loop3A_519] : memref<2064xf32, #tpu.memory_space<vmem>>[vector<16xi32>], vector<16xf32>,
      %parallel_loop3A_524 = arith.index_cast %parallel_loop3A_515 : i32 to index
      %parallel_loop3A_525 = tpu.vector_load %arg16[%parallel_loop3A_524] {strides = array<i32>} : memref<2064xf32, #tpu.memory_space<vmem>>, vector<16xf32>,
      tpu.vector_store %arg16[%parallel_loop3A_524], %parallel_loop3A_523 {strides = array<i32>} : memref<2064xf32, #tpu.memory_space<vmem>>, vector<16xf32>,
    } {sc.loop_unroll_factor = 1 : i64, sc.parallel_access}
    %and3A_224 = arith.constant 2048 : i32
    %and3A_225 = arith.andi %mul3A_155, %and3A_224 : i32
    %ne3A_226 = arith.constant 0 : i32
    %ne3A_227 = arith.cmpi ne, %and3A_225, %ne3A_226 : i32
    %add3A_228 = arith.constant 0 : i32
    %add3A_229 = arith.addi %multiple_of3A_131, %add3A_228 : i32
    %jit3A_230 = arith.constant 32784 : i32
    %select_n3A_231 = arith.select %ne3A_227, %add3A_229, %jit3A_230 : i32
    %multiple_of3A_232 = tpu.assume_multiple %select_n3A_231, 8 : i32
    %jit3A_233 = arith.constant 0 : i32
    %jit3A_234 = arith.constant 0 : i32
    %select_n3A_235 = arith.select %ne3A_227, %jit3A_233, %jit3A_234 : i32
    %multiple_of3A_236 = tpu.assume_multiple %select_n3A_235, 8 : i32
    %dma_start3A_237 = tpu.memref_slice %arg15[%multiple_of3A_236] : memref<2064xi32, #tpu.memory_space<vmem>> -> memref<2048xi32, #tpu.memory_space<vmem>>
    %dma_start3A_238 = tpu.memref_slice %arg5[%multiple_of3A_232] : memref<34848xi32, #tpu.memory_space<hbm>> -> memref<2048xi32, #tpu.memory_space<hbm>>
    %dma_start3A_239 = tpu.memref_slice %arg5[%multiple_of3A_232] : memref<34848xi32, #tpu.memory_space<hbm>> -> memref<2048xi32, #tpu.memory_space<hbm>>
    %dma_start3A_240 = tpu.memref_slice %arg15[%multiple_of3A_236] : memref<2064xi32, #tpu.memory_space<vmem>> -> memref<2048xi32, #tpu.memory_space<vmem>>
    tpu.enqueue_dma source(%dma_start3A_240 : memref<2048xi32, #tpu.memory_space<vmem>>) target(%dma_start3A_239 : memref<2048xi32, #tpu.memory_space<hbm>>) target_semaphore(%arg28 : memref<!tpu.dma_semaphore, #tpu.memory_space<semaphore_mem>>)
    %dma_start3A_241 = tpu.memref_slice %arg16[%multiple_of3A_236] : memref<2064xf32, #tpu.memory_space<vmem>> -> memref<2048xf32, #tpu.memory_space<vmem>>
    %dma_start3A_242 = tpu.memref_slice %arg6[%multiple_of3A_232] : memref<34848xf32, #tpu.memory_space<hbm>> -> memref<2048xf32, #tpu.memory_space<hbm>>
    %dma_start3A_243 = tpu.memref_slice %arg6[%multiple_of3A_232] : memref<34848xf32, #tpu.memory_space<hbm>> -> memref<2048xf32, #tpu.memory_space<hbm>>
    %dma_start3A_244 = tpu.memref_slice %arg16[%multiple_of3A_236] : memref<2064xf32, #tpu.memory_space<vmem>> -> memref<2048xf32, #tpu.memory_space<vmem>>
    tpu.enqueue_dma source(%dma_start3A_244 : memref<2048xf32, #tpu.memory_space<vmem>>) target(%dma_start3A_243 : memref<2048xf32, #tpu.memory_space<hbm>>) target_semaphore(%arg28 : memref<!tpu.dma_semaphore, #tpu.memory_space<semaphore_mem>>)
    %and3A_245 = arith.constant 2048 : i32
    %and3A_246 = arith.andi %mul3A_155, %and3A_245 : i32
    %add3A_247 = arith.constant 0 : i32
    %add3A_248 = arith.addi %add3A_247, %and3A_246 : i32
    %and3A_249 = arith.constant 1024 : i32
    %and3A_250 = arith.andi %mul3A_155, %and3A_249 : i32
    %ne3A_251 = arith.constant 0 : i32
    %ne3A_252 = arith.cmpi ne, %and3A_250, %ne3A_251 : i32
    %add3A_253 = arith.addi %multiple_of3A_131, %add3A_248 : i32
    %jit3A_254 = arith.constant 32784 : i32
    %select_n3A_255 = arith.select %ne3A_252, %add3A_253, %jit3A_254 : i32
    %multiple_of3A_256 = tpu.assume_multiple %select_n3A_255, 8 : i32
    %jit3A_257 = arith.constant 0 : i32
    %select_n3A_258 = arith.select %ne3A_252, %add3A_248, %jit3A_257 : i32
    %multiple_of3A_259 = tpu.assume_multiple %select_n3A_258, 8 : i32
    %dma_start3A_260 = tpu.memref_slice %arg15[%multiple_of3A_259] : memref<2064xi32, #tpu.memory_space<vmem>> -> memref<1024xi32, #tpu.memory_space<vmem>>
    %dma_start3A_261 = tpu.memref_slice %arg5[%multiple_of3A_256] : memref<34848xi32, #tpu.memory_space<hbm>> -> memref<1024xi32, #tpu.memory_space<hbm>>
    %dma_start3A_262 = tpu.memref_slice %arg5[%multiple_of3A_256] : memref<34848xi32, #tpu.memory_space<hbm>> -> memref<1024xi32, #tpu.memory_space<hbm>>
    %dma_start3A_263 = tpu.memref_slice %arg15[%multiple_of3A_259] : memref<2064xi32, #tpu.memory_space<vmem>> -> memref<1024xi32, #tpu.memory_space<vmem>>
    tpu.enqueue_dma source(%dma_start3A_263 : memref<1024xi32, #tpu.memory_space<vmem>>) target(%dma_start3A_262 : memref<1024xi32, #tpu.memory_space<hbm>>) target_semaphore(%arg28 : memref<!tpu.dma_semaphore, #tpu.memory_space<semaphore_mem>>)
    %dma_start3A_264 = tpu.memref_slice %arg16[%multiple_of3A_259] : memref<2064xf32, #tpu.memory_space<vmem>> -> memref<1024xf32, #tpu.memory_space<vmem>>
    %dma_start3A_265 = tpu.memref_slice %arg6[%multiple_of3A_256] : memref<34848xf32, #tpu.memory_space<hbm>> -> memref<1024xf32, #tpu.memory_space<hbm>>
    %dma_start3A_266 = tpu.memref_slice %arg6[%multiple_of3A_256] : memref<34848xf32, #tpu.memory_space<hbm>> -> memref<1024xf32, #tpu.memory_space<hbm>>
    %dma_start3A_267 = tpu.memref_slice %arg16[%multiple_of3A_259] : memref<2064xf32, #tpu.memory_space<vmem>> -> memref<1024xf32, #tpu.memory_space<vmem>>
    tpu.enqueue_dma source(%dma_start3A_267 : memref<1024xf32, #tpu.memory_space<vmem>>) target(%dma_start3A_266 : memref<1024xf32, #tpu.memory_space<hbm>>) target_semaphore(%arg28 : memref<!tpu.dma_semaphore, #tpu.memory_space<semaphore_mem>>)
    %and3A_268 = arith.constant 1024 : i32
    %and3A_269 = arith.andi %mul3A_155, %and3A_268 : i32
    %add3A_270 = arith.addi %add3A_248, %and3A_269 : i32
    %and3A_271 = arith.constant 512 : i32
    %and3A_272 = arith.andi %mul3A_155, %and3A_271 : i32
    %ne3A_273 = arith.constant 0 : i32
    %ne3A_274 = arith.cmpi ne, %and3A_272, %ne3A_273 : i32
    %add3A_275 = arith.addi %multiple_of3A_131, %add3A_270 : i32
    %jit3A_276 = arith.constant 32784 : i32
    %select_n3A_277 = arith.select %ne3A_274, %add3A_275, %jit3A_276 : i32
    %multiple_of3A_278 = tpu.assume_multiple %select_n3A_277, 8 : i32
    %jit3A_279 = arith.constant 0 : i32
    %select_n3A_280 = arith.select %ne3A_274, %add3A_270, %jit3A_279 : i32
    %multiple_of3A_281 = tpu.assume_multiple %select_n3A_280, 8 : i32
    %dma_start3A_282 = tpu.memref_slice %arg15[%multiple_of3A_281] : memref<2064xi32, #tpu.memory_space<vmem>> -> memref<512xi32, #tpu.memory_space<vmem>>
    %dma_start3A_283 = tpu.memref_slice %arg5[%multiple_of3A_278] : memref<34848xi32, #tpu.memory_space<hbm>> -> memref<512xi32, #tpu.memory_space<hbm>>
    %dma_start3A_284 = tpu.memref_slice %arg5[%multiple_of3A_278] : memref<34848xi32, #tpu.memory_space<hbm>> -> memref<512xi32, #tpu.memory_space<hbm>>
    %dma_start3A_285 = tpu.memref_slice %arg15[%multiple_of3A_281] : memref<2064xi32, #tpu.memory_space<vmem>> -> memref<512xi32, #tpu.memory_space<vmem>>
    tpu.enqueue_dma source(%dma_start3A_285 : memref<512xi32, #tpu.memory_space<vmem>>) target(%dma_start3A_284 : memref<512xi32, #tpu.memory_space<hbm>>) target_semaphore(%arg28 : memref<!tpu.dma_semaphore, #tpu.memory_space<semaphore_mem>>)
    %dma_start3A_286 = tpu.memref_slice %arg16[%multiple_of3A_281] : memref<2064xf32, #tpu.memory_space<vmem>> -> memref<512xf32, #tpu.memory_space<vmem>>
    %dma_start3A_287 = tpu.memref_slice %arg6[%multiple_of3A_278] : memref<34848xf32, #tpu.memory_space<hbm>> -> memref<512xf32, #tpu.memory_space<hbm>>
    %dma_start3A_288 = tpu.memref_slice %arg6[%multiple_of3A_278] : memref<34848xf32, #tpu.memory_space<hbm>> -> memref<512xf32, #tpu.memory_space<hbm>>
    %dma_start3A_289 = tpu.memref_slice %arg16[%multiple_of3A_281] : memref<2064xf32, #tpu.memory_space<vmem>> -> memref<512xf32, #tpu.memory_space<vmem>>
    tpu.enqueue_dma source(%dma_start3A_289 : memref<512xf32, #tpu.memory_space<vmem>>) target(%dma_start3A_288 : memref<512xf32, #tpu.memory_space<hbm>>) target_semaphore(%arg28 : memref<!tpu.dma_semaphore, #tpu.memory_space<semaphore_mem>>)
    %and3A_290 = arith.constant 512 : i32
    %and3A_291 = arith.andi %mul3A_155, %and3A_290 : i32
    %add3A_292 = arith.addi %add3A_270, %and3A_291 : i32
    %and3A_293 = arith.constant 256 : i32
    %and3A_294 = arith.andi %mul3A_155, %and3A_293 : i32
    %ne3A_295 = arith.constant 0 : i32
    %ne3A_296 = arith.cmpi ne, %and3A_294, %ne3A_295 : i32
    %add3A_297 = arith.addi %multiple_of3A_131, %add3A_292 : i32
    %jit3A_298 = arith.constant 32784 : i32
    %select_n3A_299 = arith.select %ne3A_296, %add3A_297, %jit3A_298 : i32
    %multiple_of3A_300 = tpu.assume_multiple %select_n3A_299, 8 : i32
    %jit3A_301 = arith.constant 0 : i32
    %select_n3A_302 = arith.select %ne3A_296, %add3A_292, %jit3A_301 : i32
    %multiple_of3A_303 = tpu.assume_multiple %select_n3A_302, 8 : i32
    %dma_start3A_304 = tpu.memref_slice %arg15[%multiple_of3A_303] : memref<2064xi32, #tpu.memory_space<vmem>> -> memref<256xi32, #tpu.memory_space<vmem>>
    %dma_start3A_305 = tpu.memref_slice %arg5[%multiple_of3A_300] : memref<34848xi32, #tpu.memory_space<hbm>> -> memref<256xi32, #tpu.memory_space<hbm>>
    %dma_start3A_306 = tpu.memref_slice %arg5[%multiple_of3A_300] : memref<34848xi32, #tpu.memory_space<hbm>> -> memref<256xi32, #tpu.memory_space<hbm>>
    %dma_start3A_307 = tpu.memref_slice %arg15[%multiple_of3A_303] : memref<2064xi32, #tpu.memory_space<vmem>> -> memref<256xi32, #tpu.memory_space<vmem>>
    tpu.enqueue_dma source(%dma_start3A_307 : memref<256xi32, #tpu.memory_space<vmem>>) target(%dma_start3A_306 : memref<256xi32, #tpu.memory_space<hbm>>) target_semaphore(%arg28 : memref<!tpu.dma_semaphore, #tpu.memory_space<semaphore_mem>>)
    %dma_start3A_308 = tpu.memref_slice %arg16[%multiple_of3A_303] : memref<2064xf32, #tpu.memory_space<vmem>> -> memref<256xf32, #tpu.memory_space<vmem>>
    %dma_start3A_309 = tpu.memref_slice %arg6[%multiple_of3A_300] : memref<34848xf32, #tpu.memory_space<hbm>> -> memref<256xf32, #tpu.memory_space<hbm>>
    %dma_start3A_310 = tpu.memref_slice %arg6[%multiple_of3A_300] : memref<34848xf32, #tpu.memory_space<hbm>> -> memref<256xf32, #tpu.memory_space<hbm>>
    %dma_start3A_311 = tpu.memref_slice %arg16[%multiple_of3A_303] : memref<2064xf32, #tpu.memory_space<vmem>> -> memref<256xf32, #tpu.memory_space<vmem>>
    tpu.enqueue_dma source(%dma_start3A_311 : memref<256xf32, #tpu.memory_space<vmem>>) target(%dma_start3A_310 : memref<256xf32, #tpu.memory_space<hbm>>) target_semaphore(%arg28 : memref<!tpu.dma_semaphore, #tpu.memory_space<semaphore_mem>>)
    %and3A_312 = arith.constant 256 : i32
    %and3A_313 = arith.andi %mul3A_155, %and3A_312 : i32
    %add3A_314 = arith.addi %add3A_292, %and3A_313 : i32
    %and3A_315 = arith.constant 128 : i32
    %and3A_316 = arith.andi %mul3A_155, %and3A_315 : i32
    %ne3A_317 = arith.constant 0 : i32
    %ne3A_318 = arith.cmpi ne, %and3A_316, %ne3A_317 : i32
    %add3A_319 = arith.addi %multiple_of3A_131, %add3A_314 : i32
    %jit3A_320 = arith.constant 32784 : i32
    %select_n3A_321 = arith.select %ne3A_318, %add3A_319, %jit3A_320 : i32
    %multiple_of3A_322 = tpu.assume_multiple %select_n3A_321, 8 : i32
    %jit3A_323 = arith.constant 0 : i32
    %select_n3A_324 = arith.select %ne3A_318, %add3A_314, %jit3A_323 : i32
    %multiple_of3A_325 = tpu.assume_multiple %select_n3A_324, 8 : i32
    %dma_start3A_326 = tpu.memref_slice %arg15[%multiple_of3A_325] : memref<2064xi32, #tpu.memory_space<vmem>> -> memref<128xi32, #tpu.memory_space<vmem>>
    %dma_start3A_327 = tpu.memref_slice %arg5[%multiple_of3A_322] : memref<34848xi32, #tpu.memory_space<hbm>> -> memref<128xi32, #tpu.memory_space<hbm>>
    %dma_start3A_328 = tpu.memref_slice %arg5[%multiple_of3A_322] : memref<34848xi32, #tpu.memory_space<hbm>> -> memref<128xi32, #tpu.memory_space<hbm>>
    %dma_start3A_329 = tpu.memref_slice %arg15[%multiple_of3A_325] : memref<2064xi32, #tpu.memory_space<vmem>> -> memref<128xi32, #tpu.memory_space<vmem>>
    tpu.enqueue_dma source(%dma_start3A_329 : memref<128xi32, #tpu.memory_space<vmem>>) target(%dma_start3A_328 : memref<128xi32, #tpu.memory_space<hbm>>) target_semaphore(%arg28 : memref<!tpu.dma_semaphore, #tpu.memory_space<semaphore_mem>>)
    %dma_start3A_330 = tpu.memref_slice %arg16[%multiple_of3A_325] : memref<2064xf32, #tpu.memory_space<vmem>> -> memref<128xf32, #tpu.memory_space<vmem>>
    %dma_start3A_331 = tpu.memref_slice %arg6[%multiple_of3A_322] : memref<34848xf32, #tpu.memory_space<hbm>> -> memref<128xf32, #tpu.memory_space<hbm>>
    %dma_start3A_332 = tpu.memref_slice %arg6[%multiple_of3A_322] : memref<34848xf32, #tpu.memory_space<hbm>> -> memref<128xf32, #tpu.memory_space<hbm>>
    %dma_start3A_333 = tpu.memref_slice %arg16[%multiple_of3A_325] : memref<2064xf32, #tpu.memory_space<vmem>> -> memref<128xf32, #tpu.memory_space<vmem>>
    tpu.enqueue_dma source(%dma_start3A_333 : memref<128xf32, #tpu.memory_space<vmem>>) target(%dma_start3A_332 : memref<128xf32, #tpu.memory_space<hbm>>) target_semaphore(%arg28 : memref<!tpu.dma_semaphore, #tpu.memory_space<semaphore_mem>>)
    %and3A_334 = arith.constant 128 : i32
    %and3A_335 = arith.andi %mul3A_155, %and3A_334 : i32
    %add3A_336 = arith.addi %add3A_314, %and3A_335 : i32
    %and3A_337 = arith.constant 64 : i32
    %and3A_338 = arith.andi %mul3A_155, %and3A_337 : i32
    %ne3A_339 = arith.constant 0 : i32
    %ne3A_340 = arith.cmpi ne, %and3A_338, %ne3A_339 : i32
    %add3A_341 = arith.addi %multiple_of3A_131, %add3A_336 : i32
    %jit3A_342 = arith.constant 32784 : i32
    %select_n3A_343 = arith.select %ne3A_340, %add3A_341, %jit3A_342 : i32
    %multiple_of3A_344 = tpu.assume_multiple %select_n3A_343, 8 : i32
    %jit3A_345 = arith.constant 0 : i32
    %select_n3A_346 = arith.select %ne3A_340, %add3A_336, %jit3A_345 : i32
    %multiple_of3A_347 = tpu.assume_multiple %select_n3A_346, 8 : i32
    %dma_start3A_348 = tpu.memref_slice %arg15[%multiple_of3A_347] : memref<2064xi32, #tpu.memory_space<vmem>> -> memref<64xi32, #tpu.memory_space<vmem>>
    %dma_start3A_349 = tpu.memref_slice %arg5[%multiple_of3A_344] : memref<34848xi32, #tpu.memory_space<hbm>> -> memref<64xi32, #tpu.memory_space<hbm>>
    %dma_start3A_350 = tpu.memref_slice %arg5[%multiple_of3A_344] : memref<34848xi32, #tpu.memory_space<hbm>> -> memref<64xi32, #tpu.memory_space<hbm>>
    %dma_start3A_351 = tpu.memref_slice %arg15[%multiple_of3A_347] : memref<2064xi32, #tpu.memory_space<vmem>> -> memref<64xi32, #tpu.memory_space<vmem>>
    tpu.enqueue_dma source(%dma_start3A_351 : memref<64xi32, #tpu.memory_space<vmem>>) target(%dma_start3A_350 : memref<64xi32, #tpu.memory_space<hbm>>) target_semaphore(%arg28 : memref<!tpu.dma_semaphore, #tpu.memory_space<semaphore_mem>>)
    %dma_start3A_352 = tpu.memref_slice %arg16[%multiple_of3A_347] : memref<2064xf32, #tpu.memory_space<vmem>> -> memref<64xf32, #tpu.memory_space<vmem>>
    %dma_start3A_353 = tpu.memref_slice %arg6[%multiple_of3A_344] : memref<34848xf32, #tpu.memory_space<hbm>> -> memref<64xf32, #tpu.memory_space<hbm>>
    %dma_start3A_354 = tpu.memref_slice %arg6[%multiple_of3A_344] : memref<34848xf32, #tpu.memory_space<hbm>> -> memref<64xf32, #tpu.memory_space<hbm>>
    %dma_start3A_355 = tpu.memref_slice %arg16[%multiple_of3A_347] : memref<2064xf32, #tpu.memory_space<vmem>> -> memref<64xf32, #tpu.memory_space<vmem>>
    tpu.enqueue_dma source(%dma_start3A_355 : memref<64xf32, #tpu.memory_space<vmem>>) target(%dma_start3A_354 : memref<64xf32, #tpu.memory_space<hbm>>) target_semaphore(%arg28 : memref<!tpu.dma_semaphore, #tpu.memory_space<semaphore_mem>>)
    %and3A_356 = arith.constant 64 : i32
    %and3A_357 = arith.andi %mul3A_155, %and3A_356 : i32
    %add3A_358 = arith.addi %add3A_336, %and3A_357 : i32
    %and3A_359 = arith.constant 32 : i32
    %and3A_360 = arith.andi %mul3A_155, %and3A_359 : i32
    %ne3A_361 = arith.constant 0 : i32
    %ne3A_362 = arith.cmpi ne, %and3A_360, %ne3A_361 : i32
    %add3A_363 = arith.addi %multiple_of3A_131, %add3A_358 : i32
    %jit3A_364 = arith.constant 32784 : i32
    %select_n3A_365 = arith.select %ne3A_362, %add3A_363, %jit3A_364 : i32
    %multiple_of3A_366 = tpu.assume_multiple %select_n3A_365, 8 : i32
    %jit3A_367 = arith.constant 0 : i32
    %select_n3A_368 = arith.select %ne3A_362, %add3A_358, %jit3A_367 : i32
    %multiple_of3A_369 = tpu.assume_multiple %select_n3A_368, 8 : i32
    %dma_start3A_370 = tpu.memref_slice %arg15[%multiple_of3A_369] : memref<2064xi32, #tpu.memory_space<vmem>> -> memref<32xi32, #tpu.memory_space<vmem>>
    %dma_start3A_371 = tpu.memref_slice %arg5[%multiple_of3A_366] : memref<34848xi32, #tpu.memory_space<hbm>> -> memref<32xi32, #tpu.memory_space<hbm>>
    %dma_start3A_372 = tpu.memref_slice %arg5[%multiple_of3A_366] : memref<34848xi32, #tpu.memory_space<hbm>> -> memref<32xi32, #tpu.memory_space<hbm>>
    %dma_start3A_373 = tpu.memref_slice %arg15[%multiple_of3A_369] : memref<2064xi32, #tpu.memory_space<vmem>> -> memref<32xi32, #tpu.memory_space<vmem>>
    tpu.enqueue_dma source(%dma_start3A_373 : memref<32xi32, #tpu.memory_space<vmem>>) target(%dma_start3A_372 : memref<32xi32, #tpu.memory_space<hbm>>) target_semaphore(%arg28 : memref<!tpu.dma_semaphore, #tpu.memory_space<semaphore_mem>>)
    %dma_start3A_374 = tpu.memref_slice %arg16[%multiple_of3A_369] : memref<2064xf32, #tpu.memory_space<vmem>> -> memref<32xf32, #tpu.memory_space<vmem>>
    %dma_start3A_375 = tpu.memref_slice %arg6[%multiple_of3A_366] : memref<34848xf32, #tpu.memory_space<hbm>> -> memref<32xf32, #tpu.memory_space<hbm>>
    %dma_start3A_376 = tpu.memref_slice %arg6[%multiple_of3A_366] : memref<34848xf32, #tpu.memory_space<hbm>> -> memref<32xf32, #tpu.memory_space<hbm>>
    %dma_start3A_377 = tpu.memref_slice %arg16[%multiple_of3A_369] : memref<2064xf32, #tpu.memory_space<vmem>> -> memref<32xf32, #tpu.memory_space<vmem>>
    tpu.enqueue_dma source(%dma_start3A_377 : memref<32xf32, #tpu.memory_space<vmem>>) target(%dma_start3A_376 : memref<32xf32, #tpu.memory_space<hbm>>) target_semaphore(%arg28 : memref<!tpu.dma_semaphore, #tpu.memory_space<semaphore_mem>>)
    %and3A_378 = arith.constant 32 : i32
    %and3A_379 = arith.andi %mul3A_155, %and3A_378 : i32
    %add3A_380 = arith.addi %add3A_358, %and3A_379 : i32
    %and3A_381 = arith.constant 16 : i32
    %and3A_382 = arith.andi %mul3A_155, %and3A_381 : i32
    %ne3A_383 = arith.constant 0 : i32
    %ne3A_384 = arith.cmpi ne, %and3A_382, %ne3A_383 : i32
    %add3A_385 = arith.addi %multiple_of3A_131, %add3A_380 : i32
    %jit3A_386 = arith.constant 32784 : i32
    %select_n3A_387 = arith.select %ne3A_384, %add3A_385, %jit3A_386 : i32
    %multiple_of3A_388 = tpu.assume_multiple %select_n3A_387, 8 : i32
    %jit3A_389 = arith.constant 0 : i32
    %select_n3A_390 = arith.select %ne3A_384, %add3A_380, %jit3A_389 : i32
    %multiple_of3A_391 = tpu.assume_multiple %select_n3A_390, 8 : i32
    %dma_start3A_392 = tpu.memref_slice %arg15[%multiple_of3A_391] : memref<2064xi32, #tpu.memory_space<vmem>> -> memref<16xi32, #tpu.memory_space<vmem>>
    %dma_start3A_393 = tpu.memref_slice %arg5[%multiple_of3A_388] : memref<34848xi32, #tpu.memory_space<hbm>> -> memref<16xi32, #tpu.memory_space<hbm>>
    %dma_start3A_394 = tpu.memref_slice %arg5[%multiple_of3A_388] : memref<34848xi32, #tpu.memory_space<hbm>> -> memref<16xi32, #tpu.memory_space<hbm>>
    %dma_start3A_395 = tpu.memref_slice %arg15[%multiple_of3A_391] : memref<2064xi32, #tpu.memory_space<vmem>> -> memref<16xi32, #tpu.memory_space<vmem>>
    tpu.enqueue_dma source(%dma_start3A_395 : memref<16xi32, #tpu.memory_space<vmem>>) target(%dma_start3A_394 : memref<16xi32, #tpu.memory_space<hbm>>) target_semaphore(%arg28 : memref<!tpu.dma_semaphore, #tpu.memory_space<semaphore_mem>>)
    %dma_start3A_396 = tpu.memref_slice %arg16[%multiple_of3A_391] : memref<2064xf32, #tpu.memory_space<vmem>> -> memref<16xf32, #tpu.memory_space<vmem>>
    %dma_start3A_397 = tpu.memref_slice %arg6[%multiple_of3A_388] : memref<34848xf32, #tpu.memory_space<hbm>> -> memref<16xf32, #tpu.memory_space<hbm>>
    %dma_start3A_398 = tpu.memref_slice %arg6[%multiple_of3A_388] : memref<34848xf32, #tpu.memory_space<hbm>> -> memref<16xf32, #tpu.memory_space<hbm>>
    %dma_start3A_399 = tpu.memref_slice %arg16[%multiple_of3A_391] : memref<2064xf32, #tpu.memory_space<vmem>> -> memref<16xf32, #tpu.memory_space<vmem>>
    tpu.enqueue_dma source(%dma_start3A_399 : memref<16xf32, #tpu.memory_space<vmem>>) target(%dma_start3A_398 : memref<16xf32, #tpu.memory_space<hbm>>) target_semaphore(%arg28 : memref<!tpu.dma_semaphore, #tpu.memory_space<semaphore_mem>>)
    %and3A_400 = arith.constant 16 : i32
    %and3A_401 = arith.andi %mul3A_155, %and3A_400 : i32
    %add3A_402 = arith.addi %add3A_380, %and3A_401 : i32
    %and3A_403 = arith.constant 8 : i32
    %and3A_404 = arith.andi %mul3A_155, %and3A_403 : i32
    %ne3A_405 = arith.constant 0 : i32
    %ne3A_406 = arith.cmpi ne, %and3A_404, %ne3A_405 : i32
    %add3A_407 = arith.addi %multiple_of3A_131, %add3A_402 : i32
    %jit3A_408 = arith.constant 32784 : i32
    %select_n3A_409 = arith.select %ne3A_406, %add3A_407, %jit3A_408 : i32
    %multiple_of3A_410 = tpu.assume_multiple %select_n3A_409, 8 : i32
    %jit3A_411 = arith.constant 0 : i32
    %select_n3A_412 = arith.select %ne3A_406, %add3A_402, %jit3A_411 : i32
    %multiple_of3A_413 = tpu.assume_multiple %select_n3A_412, 8 : i32
    %dma_start3A_414 = tpu.memref_slice %arg15[%multiple_of3A_413] : memref<2064xi32, #tpu.memory_space<vmem>> -> memref<8xi32, #tpu.memory_space<vmem>>
    %dma_start3A_415 = tpu.memref_slice %arg5[%multiple_of3A_410] : memref<34848xi32, #tpu.memory_space<hbm>> -> memref<8xi32, #tpu.memory_space<hbm>>
    %dma_start3A_416 = tpu.memref_slice %arg5[%multiple_of3A_410] : memref<34848xi32, #tpu.memory_space<hbm>> -> memref<8xi32, #tpu.memory_space<hbm>>
    %dma_start3A_417 = tpu.memref_slice %arg15[%multiple_of3A_413] : memref<2064xi32, #tpu.memory_space<vmem>> -> memref<8xi32, #tpu.memory_space<vmem>>
    tpu.enqueue_dma source(%dma_start3A_417 : memref<8xi32, #tpu.memory_space<vmem>>) target(%dma_start3A_416 : memref<8xi32, #tpu.memory_space<hbm>>) target_semaphore(%arg28 : memref<!tpu.dma_semaphore, #tpu.memory_space<semaphore_mem>>)
    %dma_start3A_418 = tpu.memref_slice %arg16[%multiple_of3A_413] : memref<2064xf32, #tpu.memory_space<vmem>> -> memref<8xf32, #tpu.memory_space<vmem>>
    %dma_start3A_419 = tpu.memref_slice %arg6[%multiple_of3A_410] : memref<34848xf32, #tpu.memory_space<hbm>> -> memref<8xf32, #tpu.memory_space<hbm>>
    %dma_start3A_420 = tpu.memref_slice %arg6[%multiple_of3A_410] : memref<34848xf32, #tpu.memory_space<hbm>> -> memref<8xf32, #tpu.memory_space<hbm>>
    %dma_start3A_421 = tpu.memref_slice %arg16[%multiple_of3A_413] : memref<2064xf32, #tpu.memory_space<vmem>> -> memref<8xf32, #tpu.memory_space<vmem>>
    tpu.enqueue_dma source(%dma_start3A_421 : memref<8xf32, #tpu.memory_space<vmem>>) target(%dma_start3A_420 : memref<8xf32, #tpu.memory_space<hbm>>) target_semaphore(%arg28 : memref<!tpu.dma_semaphore, #tpu.memory_space<semaphore_mem>>)
    %and3A_422 = arith.constant 8 : i32
    %and3A_423 = arith.andi %mul3A_155, %and3A_422 : i32
    %add3A_424 = arith.addi %add3A_402, %and3A_423 : i32
    %dma_wait3A_425 = arith.constant 0 : i32
    %dma_wait3A_426 = arith.constant 0 : i32
    %dma_wait3A_427 = tpu.memref_slice %arg20[%dma_wait3A_425, %dma_wait3A_426] : memref<1x16xi32, #tpu.memory_space<vmem>> -> memref<1x16xi32, #tpu.memory_space<vmem>>
    %dma_wait3A_428 = tpu.memref_squeeze %dma_wait3A_427 : memref<1x16xi32, #tpu.memory_space<vmem>> -> memref<16xi32, #tpu.memory_space<vmem>>
    %dma_wait3A_429 = arith.constant 0 : i32
    %dma_wait3A_430 = tpu.memref_slice %arg7[%dma_wait3A_429] : memref<17xi32, #tpu.memory_space<hbm>> -> memref<17xi32, #tpu.memory_space<hbm>>
    tpu.wait_indirect_dma semaphore(%arg28 : memref<!tpu.dma_semaphore, #tpu.memory_space<semaphore_mem>>) src(%arg21 : memref<16xi32, #tpu.memory_space<vmem>>) dst(%dma_wait3A_430 : memref<17xi32, #tpu.memory_space<hbm>>)
    %dma_wait3A_431 = arith.constant 0 : i32
    %dma_wait3A_432 = arith.constant 0 : i32
    %dma_wait3A_433 = tpu.memref_slice %arg24[%dma_wait3A_431, %dma_wait3A_432] : memref<1x16xi32, #tpu.memory_space<vmem>> -> memref<1x16xi32, #tpu.memory_space<vmem>>
    %dma_wait3A_434 = tpu.memref_squeeze %dma_wait3A_433 : memref<1x16xi32, #tpu.memory_space<vmem>> -> memref<16xi32, #tpu.memory_space<vmem>>
    %dma_wait3A_435 = arith.constant 0 : i32
    %dma_wait3A_436 = tpu.memref_slice %arg5[%dma_wait3A_435] : memref<34848xi32, #tpu.memory_space<hbm>> -> memref<34848xi32, #tpu.memory_space<hbm>>
    tpu.wait_indirect_dma semaphore(%arg28 : memref<!tpu.dma_semaphore, #tpu.memory_space<semaphore_mem>>) src(%arg22 : memref<16xi32, #tpu.memory_space<vmem>>) dst(%dma_wait3A_436 : memref<34848xi32, #tpu.memory_space<hbm>>)
    %dma_wait3A_437 = arith.constant 0 : i32
    %dma_wait3A_438 = arith.constant 0 : i32
    %dma_wait3A_439 = tpu.memref_slice %arg24[%dma_wait3A_437, %dma_wait3A_438] : memref<1x16xi32, #tpu.memory_space<vmem>> -> memref<1x16xi32, #tpu.memory_space<vmem>>
    %dma_wait3A_440 = tpu.memref_squeeze %dma_wait3A_439 : memref<1x16xi32, #tpu.memory_space<vmem>> -> memref<16xi32, #tpu.memory_space<vmem>>
    %dma_wait3A_441 = arith.constant 0 : i32
    %dma_wait3A_442 = tpu.memref_slice %arg6[%dma_wait3A_441] : memref<34848xf32, #tpu.memory_space<hbm>> -> memref<34848xf32, #tpu.memory_space<hbm>>
    tpu.wait_indirect_dma semaphore(%arg28 : memref<!tpu.dma_semaphore, #tpu.memory_space<semaphore_mem>>) src(%arg23 : memref<16xf32, #tpu.memory_space<vmem>>) dst(%dma_wait3A_442 : memref<34848xf32, #tpu.memory_space<hbm>>)
    %dma_wait3A_443 = tpu.memref_slice %arg15[%multiple_of3A_236] : memref<2064xi32, #tpu.memory_space<vmem>> -> memref<2048xi32, #tpu.memory_space<vmem>>
    %dma_wait3A_444 = tpu.memref_slice %arg5[%multiple_of3A_232] : memref<34848xi32, #tpu.memory_space<hbm>> -> memref<2048xi32, #tpu.memory_space<hbm>>
    %dma_wait3A_445 = tpu.memref_slice %arg5[%multiple_of3A_232] : memref<34848xi32, #tpu.memory_space<hbm>> -> memref<2048xi32, #tpu.memory_space<hbm>>
    %dma_wait3A_446 = tpu.memref_slice %arg15[%multiple_of3A_236] : memref<2064xi32, #tpu.memory_space<vmem>> -> memref<2048xi32, #tpu.memory_space<vmem>>
    tpu.wait_dma2 semaphore(%arg28 : memref<!tpu.dma_semaphore, #tpu.memory_space<semaphore_mem>>) src(%dma_wait3A_446 : memref<2048xi32, #tpu.memory_space<vmem>>) dst(%dma_wait3A_445 : memref<2048xi32, #tpu.memory_space<hbm>>)
    %dma_wait3A_447 = tpu.memref_slice %arg16[%multiple_of3A_236] : memref<2064xf32, #tpu.memory_space<vmem>> -> memref<2048xf32, #tpu.memory_space<vmem>>
    %dma_wait3A_448 = tpu.memref_slice %arg6[%multiple_of3A_232] : memref<34848xf32, #tpu.memory_space<hbm>> -> memref<2048xf32, #tpu.memory_space<hbm>>
    %dma_wait3A_449 = tpu.memref_slice %arg6[%multiple_of3A_232] : memref<34848xf32, #tpu.memory_space<hbm>> -> memref<2048xf32, #tpu.memory_space<hbm>>
    %dma_wait3A_450 = tpu.memref_slice %arg16[%multiple_of3A_236] : memref<2064xf32, #tpu.memory_space<vmem>> -> memref<2048xf32, #tpu.memory_space<vmem>>
    tpu.wait_dma2 semaphore(%arg28 : memref<!tpu.dma_semaphore, #tpu.memory_space<semaphore_mem>>) src(%dma_wait3A_450 : memref<2048xf32, #tpu.memory_space<vmem>>) dst(%dma_wait3A_449 : memref<2048xf32, #tpu.memory_space<hbm>>)
    %dma_wait3A_451 = tpu.memref_slice %arg15[%multiple_of3A_259] : memref<2064xi32, #tpu.memory_space<vmem>> -> memref<1024xi32, #tpu.memory_space<vmem>>
    %dma_wait3A_452 = tpu.memref_slice %arg5[%multiple_of3A_256] : memref<34848xi32, #tpu.memory_space<hbm>> -> memref<1024xi32, #tpu.memory_space<hbm>>
    %dma_wait3A_453 = tpu.memref_slice %arg5[%multiple_of3A_256] : memref<34848xi32, #tpu.memory_space<hbm>> -> memref<1024xi32, #tpu.memory_space<hbm>>
    %dma_wait3A_454 = tpu.memref_slice %arg15[%multiple_of3A_259] : memref<2064xi32, #tpu.memory_space<vmem>> -> memref<1024xi32, #tpu.memory_space<vmem>>
    tpu.wait_dma2 semaphore(%arg28 : memref<!tpu.dma_semaphore, #tpu.memory_space<semaphore_mem>>) src(%dma_wait3A_454 : memref<1024xi32, #tpu.memory_space<vmem>>) dst(%dma_wait3A_453 : memref<1024xi32, #tpu.memory_space<hbm>>)
    %dma_wait3A_455 = tpu.memref_slice %arg16[%multiple_of3A_259] : memref<2064xf32, #tpu.memory_space<vmem>> -> memref<1024xf32, #tpu.memory_space<vmem>>
    %dma_wait3A_456 = tpu.memref_slice %arg6[%multiple_of3A_256] : memref<34848xf32, #tpu.memory_space<hbm>> -> memref<1024xf32, #tpu.memory_space<hbm>>
    %dma_wait3A_457 = tpu.memref_slice %arg6[%multiple_of3A_256] : memref<34848xf32, #tpu.memory_space<hbm>> -> memref<1024xf32, #tpu.memory_space<hbm>>
    %dma_wait3A_458 = tpu.memref_slice %arg16[%multiple_of3A_259] : memref<2064xf32, #tpu.memory_space<vmem>> -> memref<1024xf32, #tpu.memory_space<vmem>>
    tpu.wait_dma2 semaphore(%arg28 : memref<!tpu.dma_semaphore, #tpu.memory_space<semaphore_mem>>) src(%dma_wait3A_458 : memref<1024xf32, #tpu.memory_space<vmem>>) dst(%dma_wait3A_457 : memref<1024xf32, #tpu.memory_space<hbm>>)
    %dma_wait3A_459 = tpu.memref_slice %arg15[%multiple_of3A_281] : memref<2064xi32, #tpu.memory_space<vmem>> -> memref<512xi32, #tpu.memory_space<vmem>>
    %dma_wait3A_460 = tpu.memref_slice %arg5[%multiple_of3A_278] : memref<34848xi32, #tpu.memory_space<hbm>> -> memref<512xi32, #tpu.memory_space<hbm>>
    %dma_wait3A_461 = tpu.memref_slice %arg5[%multiple_of3A_278] : memref<34848xi32, #tpu.memory_space<hbm>> -> memref<512xi32, #tpu.memory_space<hbm>>
    %dma_wait3A_462 = tpu.memref_slice %arg15[%multiple_of3A_281] : memref<2064xi32, #tpu.memory_space<vmem>> -> memref<512xi32, #tpu.memory_space<vmem>>
    tpu.wait_dma2 semaphore(%arg28 : memref<!tpu.dma_semaphore, #tpu.memory_space<semaphore_mem>>) src(%dma_wait3A_462 : memref<512xi32, #tpu.memory_space<vmem>>) dst(%dma_wait3A_461 : memref<512xi32, #tpu.memory_space<hbm>>)
    %dma_wait3A_463 = tpu.memref_slice %arg16[%multiple_of3A_281] : memref<2064xf32, #tpu.memory_space<vmem>> -> memref<512xf32, #tpu.memory_space<vmem>>
    %dma_wait3A_464 = tpu.memref_slice %arg6[%multiple_of3A_278] : memref<34848xf32, #tpu.memory_space<hbm>> -> memref<512xf32, #tpu.memory_space<hbm>>
    %dma_wait3A_465 = tpu.memref_slice %arg6[%multiple_of3A_278] : memref<34848xf32, #tpu.memory_space<hbm>> -> memref<512xf32, #tpu.memory_space<hbm>>
    %dma_wait3A_466 = tpu.memref_slice %arg16[%multiple_of3A_281] : memref<2064xf32, #tpu.memory_space<vmem>> -> memref<512xf32, #tpu.memory_space<vmem>>
    tpu.wait_dma2 semaphore(%arg28 : memref<!tpu.dma_semaphore, #tpu.memory_space<semaphore_mem>>) src(%dma_wait3A_466 : memref<512xf32, #tpu.memory_space<vmem>>) dst(%dma_wait3A_465 : memref<512xf32, #tpu.memory_space<hbm>>)
    %dma_wait3A_467 = tpu.memref_slice %arg15[%multiple_of3A_303] : memref<2064xi32, #tpu.memory_space<vmem>> -> memref<256xi32, #tpu.memory_space<vmem>>
    %dma_wait3A_468 = tpu.memref_slice %arg5[%multiple_of3A_300] : memref<34848xi32, #tpu.memory_space<hbm>> -> memref<256xi32, #tpu.memory_space<hbm>>
    %dma_wait3A_469 = tpu.memref_slice %arg5[%multiple_of3A_300] : memref<34848xi32, #tpu.memory_space<hbm>> -> memref<256xi32, #tpu.memory_space<hbm>>
    %dma_wait3A_470 = tpu.memref_slice %arg15[%multiple_of3A_303] : memref<2064xi32, #tpu.memory_space<vmem>> -> memref<256xi32, #tpu.memory_space<vmem>>
    tpu.wait_dma2 semaphore(%arg28 : memref<!tpu.dma_semaphore, #tpu.memory_space<semaphore_mem>>) src(%dma_wait3A_470 : memref<256xi32, #tpu.memory_space<vmem>>) dst(%dma_wait3A_469 : memref<256xi32, #tpu.memory_space<hbm>>)
    %dma_wait3A_471 = tpu.memref_slice %arg16[%multiple_of3A_303] : memref<2064xf32, #tpu.memory_space<vmem>> -> memref<256xf32, #tpu.memory_space<vmem>>
    %dma_wait3A_472 = tpu.memref_slice %arg6[%multiple_of3A_300] : memref<34848xf32, #tpu.memory_space<hbm>> -> memref<256xf32, #tpu.memory_space<hbm>>
    %dma_wait3A_473 = tpu.memref_slice %arg6[%multiple_of3A_300] : memref<34848xf32, #tpu.memory_space<hbm>> -> memref<256xf32, #tpu.memory_space<hbm>>
    %dma_wait3A_474 = tpu.memref_slice %arg16[%multiple_of3A_303] : memref<2064xf32, #tpu.memory_space<vmem>> -> memref<256xf32, #tpu.memory_space<vmem>>
    tpu.wait_dma2 semaphore(%arg28 : memref<!tpu.dma_semaphore, #tpu.memory_space<semaphore_mem>>) src(%dma_wait3A_474 : memref<256xf32, #tpu.memory_space<vmem>>) dst(%dma_wait3A_473 : memref<256xf32, #tpu.memory_space<hbm>>)
    %dma_wait3A_475 = tpu.memref_slice %arg15[%multiple_of3A_325] : memref<2064xi32, #tpu.memory_space<vmem>> -> memref<128xi32, #tpu.memory_space<vmem>>
    %dma_wait3A_476 = tpu.memref_slice %arg5[%multiple_of3A_322] : memref<34848xi32, #tpu.memory_space<hbm>> -> memref<128xi32, #tpu.memory_space<hbm>>
    %dma_wait3A_477 = tpu.memref_slice %arg5[%multiple_of3A_322] : memref<34848xi32, #tpu.memory_space<hbm>> -> memref<128xi32, #tpu.memory_space<hbm>>
    %dma_wait3A_478 = tpu.memref_slice %arg15[%multiple_of3A_325] : memref<2064xi32, #tpu.memory_space<vmem>> -> memref<128xi32, #tpu.memory_space<vmem>>
    tpu.wait_dma2 semaphore(%arg28 : memref<!tpu.dma_semaphore, #tpu.memory_space<semaphore_mem>>) src(%dma_wait3A_478 : memref<128xi32, #tpu.memory_space<vmem>>) dst(%dma_wait3A_477 : memref<128xi32, #tpu.memory_space<hbm>>)
    %dma_wait3A_479 = tpu.memref_slice %arg16[%multiple_of3A_325] : memref<2064xf32, #tpu.memory_space<vmem>> -> memref<128xf32, #tpu.memory_space<vmem>>
    %dma_wait3A_480 = tpu.memref_slice %arg6[%multiple_of3A_322] : memref<34848xf32, #tpu.memory_space<hbm>> -> memref<128xf32, #tpu.memory_space<hbm>>
    %dma_wait3A_481 = tpu.memref_slice %arg6[%multiple_of3A_322] : memref<34848xf32, #tpu.memory_space<hbm>> -> memref<128xf32, #tpu.memory_space<hbm>>
    %dma_wait3A_482 = tpu.memref_slice %arg16[%multiple_of3A_325] : memref<2064xf32, #tpu.memory_space<vmem>> -> memref<128xf32, #tpu.memory_space<vmem>>
    tpu.wait_dma2 semaphore(%arg28 : memref<!tpu.dma_semaphore, #tpu.memory_space<semaphore_mem>>) src(%dma_wait3A_482 : memref<128xf32, #tpu.memory_space<vmem>>) dst(%dma_wait3A_481 : memref<128xf32, #tpu.memory_space<hbm>>)
    %dma_wait3A_483 = tpu.memref_slice %arg15[%multiple_of3A_347] : memref<2064xi32, #tpu.memory_space<vmem>> -> memref<64xi32, #tpu.memory_space<vmem>>
    %dma_wait3A_484 = tpu.memref_slice %arg5[%multiple_of3A_344] : memref<34848xi32, #tpu.memory_space<hbm>> -> memref<64xi32, #tpu.memory_space<hbm>>
    %dma_wait3A_485 = tpu.memref_slice %arg5[%multiple_of3A_344] : memref<34848xi32, #tpu.memory_space<hbm>> -> memref<64xi32, #tpu.memory_space<hbm>>
    %dma_wait3A_486 = tpu.memref_slice %arg15[%multiple_of3A_347] : memref<2064xi32, #tpu.memory_space<vmem>> -> memref<64xi32, #tpu.memory_space<vmem>>
    tpu.wait_dma2 semaphore(%arg28 : memref<!tpu.dma_semaphore, #tpu.memory_space<semaphore_mem>>) src(%dma_wait3A_486 : memref<64xi32, #tpu.memory_space<vmem>>) dst(%dma_wait3A_485 : memref<64xi32, #tpu.memory_space<hbm>>)
    %dma_wait3A_487 = tpu.memref_slice %arg16[%multiple_of3A_347] : memref<2064xf32, #tpu.memory_space<vmem>> -> memref<64xf32, #tpu.memory_space<vmem>>
    %dma_wait3A_488 = tpu.memref_slice %arg6[%multiple_of3A_344] : memref<34848xf32, #tpu.memory_space<hbm>> -> memref<64xf32, #tpu.memory_space<hbm>>
    %dma_wait3A_489 = tpu.memref_slice %arg6[%multiple_of3A_344] : memref<34848xf32, #tpu.memory_space<hbm>> -> memref<64xf32, #tpu.memory_space<hbm>>
    %dma_wait3A_490 = tpu.memref_slice %arg16[%multiple_of3A_347] : memref<2064xf32, #tpu.memory_space<vmem>> -> memref<64xf32, #tpu.memory_space<vmem>>
    tpu.wait_dma2 semaphore(%arg28 : memref<!tpu.dma_semaphore, #tpu.memory_space<semaphore_mem>>) src(%dma_wait3A_490 : memref<64xf32, #tpu.memory_space<vmem>>) dst(%dma_wait3A_489 : memref<64xf32, #tpu.memory_space<hbm>>)
    %dma_wait3A_491 = tpu.memref_slice %arg15[%multiple_of3A_369] : memref<2064xi32, #tpu.memory_space<vmem>> -> memref<32xi32, #tpu.memory_space<vmem>>
    %dma_wait3A_492 = tpu.memref_slice %arg5[%multiple_of3A_366] : memref<34848xi32, #tpu.memory_space<hbm>> -> memref<32xi32, #tpu.memory_space<hbm>>
    %dma_wait3A_493 = tpu.memref_slice %arg5[%multiple_of3A_366] : memref<34848xi32, #tpu.memory_space<hbm>> -> memref<32xi32, #tpu.memory_space<hbm>>
    %dma_wait3A_494 = tpu.memref_slice %arg15[%multiple_of3A_369] : memref<2064xi32, #tpu.memory_space<vmem>> -> memref<32xi32, #tpu.memory_space<vmem>>
    tpu.wait_dma2 semaphore(%arg28 : memref<!tpu.dma_semaphore, #tpu.memory_space<semaphore_mem>>) src(%dma_wait3A_494 : memref<32xi32, #tpu.memory_space<vmem>>) dst(%dma_wait3A_493 : memref<32xi32, #tpu.memory_space<hbm>>)
    %dma_wait3A_495 = tpu.memref_slice %arg16[%multiple_of3A_369] : memref<2064xf32, #tpu.memory_space<vmem>> -> memref<32xf32, #tpu.memory_space<vmem>>
    %dma_wait3A_496 = tpu.memref_slice %arg6[%multiple_of3A_366] : memref<34848xf32, #tpu.memory_space<hbm>> -> memref<32xf32, #tpu.memory_space<hbm>>
    %dma_wait3A_497 = tpu.memref_slice %arg6[%multiple_of3A_366] : memref<34848xf32, #tpu.memory_space<hbm>> -> memref<32xf32, #tpu.memory_space<hbm>>
    %dma_wait3A_498 = tpu.memref_slice %arg16[%multiple_of3A_369] : memref<2064xf32, #tpu.memory_space<vmem>> -> memref<32xf32, #tpu.memory_space<vmem>>
    tpu.wait_dma2 semaphore(%arg28 : memref<!tpu.dma_semaphore, #tpu.memory_space<semaphore_mem>>) src(%dma_wait3A_498 : memref<32xf32, #tpu.memory_space<vmem>>) dst(%dma_wait3A_497 : memref<32xf32, #tpu.memory_space<hbm>>)
    %dma_wait3A_499 = tpu.memref_slice %arg15[%multiple_of3A_391] : memref<2064xi32, #tpu.memory_space<vmem>> -> memref<16xi32, #tpu.memory_space<vmem>>
    %dma_wait3A_500 = tpu.memref_slice %arg5[%multiple_of3A_388] : memref<34848xi32, #tpu.memory_space<hbm>> -> memref<16xi32, #tpu.memory_space<hbm>>
    %dma_wait3A_501 = tpu.memref_slice %arg5[%multiple_of3A_388] : memref<34848xi32, #tpu.memory_space<hbm>> -> memref<16xi32, #tpu.memory_space<hbm>>
    %dma_wait3A_502 = tpu.memref_slice %arg15[%multiple_of3A_391] : memref<2064xi32, #tpu.memory_space<vmem>> -> memref<16xi32, #tpu.memory_space<vmem>>
    tpu.wait_dma2 semaphore(%arg28 : memref<!tpu.dma_semaphore, #tpu.memory_space<semaphore_mem>>) src(%dma_wait3A_502 : memref<16xi32, #tpu.memory_space<vmem>>) dst(%dma_wait3A_501 : memref<16xi32, #tpu.memory_space<hbm>>)
    %dma_wait3A_503 = tpu.memref_slice %arg16[%multiple_of3A_391] : memref<2064xf32, #tpu.memory_space<vmem>> -> memref<16xf32, #tpu.memory_space<vmem>>
    %dma_wait3A_504 = tpu.memref_slice %arg6[%multiple_of3A_388] : memref<34848xf32, #tpu.memory_space<hbm>> -> memref<16xf32, #tpu.memory_space<hbm>>
    %dma_wait3A_505 = tpu.memref_slice %arg6[%multiple_of3A_388] : memref<34848xf32, #tpu.memory_space<hbm>> -> memref<16xf32, #tpu.memory_space<hbm>>
    %dma_wait3A_506 = tpu.memref_slice %arg16[%multiple_of3A_391] : memref<2064xf32, #tpu.memory_space<vmem>> -> memref<16xf32, #tpu.memory_space<vmem>>
    tpu.wait_dma2 semaphore(%arg28 : memref<!tpu.dma_semaphore, #tpu.memory_space<semaphore_mem>>) src(%dma_wait3A_506 : memref<16xf32, #tpu.memory_space<vmem>>) dst(%dma_wait3A_505 : memref<16xf32, #tpu.memory_space<hbm>>)
    %dma_wait3A_507 = tpu.memref_slice %arg15[%multiple_of3A_413] : memref<2064xi32, #tpu.memory_space<vmem>> -> memref<8xi32, #tpu.memory_space<vmem>>
    %dma_wait3A_508 = tpu.memref_slice %arg5[%multiple_of3A_410] : memref<34848xi32, #tpu.memory_space<hbm>> -> memref<8xi32, #tpu.memory_space<hbm>>
    %dma_wait3A_509 = tpu.memref_slice %arg5[%multiple_of3A_410] : memref<34848xi32, #tpu.memory_space<hbm>> -> memref<8xi32, #tpu.memory_space<hbm>>
    %dma_wait3A_510 = tpu.memref_slice %arg15[%multiple_of3A_413] : memref<2064xi32, #tpu.memory_space<vmem>> -> memref<8xi32, #tpu.memory_space<vmem>>
    tpu.wait_dma2 semaphore(%arg28 : memref<!tpu.dma_semaphore, #tpu.memory_space<semaphore_mem>>) src(%dma_wait3A_510 : memref<8xi32, #tpu.memory_space<vmem>>) dst(%dma_wait3A_509 : memref<8xi32, #tpu.memory_space<hbm>>)
    %dma_wait3A_511 = tpu.memref_slice %arg16[%multiple_of3A_413] : memref<2064xf32, #tpu.memory_space<vmem>> -> memref<8xf32, #tpu.memory_space<vmem>>
    %dma_wait3A_512 = tpu.memref_slice %arg6[%multiple_of3A_410] : memref<34848xf32, #tpu.memory_space<hbm>> -> memref<8xf32, #tpu.memory_space<hbm>>
    %dma_wait3A_513 = tpu.memref_slice %arg6[%multiple_of3A_410] : memref<34848xf32, #tpu.memory_space<hbm>> -> memref<8xf32, #tpu.memory_space<hbm>>
    %dma_wait3A_514 = tpu.memref_slice %arg16[%multiple_of3A_413] : memref<2064xf32, #tpu.memory_space<vmem>> -> memref<8xf32, #tpu.memory_space<vmem>>
    tpu.wait_dma2 semaphore(%arg28 : memref<!tpu.dma_semaphore, #tpu.memory_space<semaphore_mem>>) src(%dma_wait3A_514 : memref<8xf32, #tpu.memory_space<vmem>>) dst(%dma_wait3A_513 : memref<8xf32, #tpu.memory_space<hbm>>)
    return
  }
}

</mosaic_0001>

<sc_bundles>
// kernel: _rpn_sc.3.cloned.1.call-start
scs
__scs_entry_jumppad:
0x0: {  	(pc) =	sbr.rel $0x88, $3  }
0x1: {  	(tag) =	ssettag $0x0;
	lr =	simm.s32 $0x1  }
0x2: {  	[smem:$0x3F9E] =	sst lr;
	_ =	strace $0xD0000000  }
0x3: {  	_ = 	snop  }
0x4: {  	_ = 	snop  }
0x5: {  	_ = 	snop  }
0x6: {  	_ = 	snop  }
0x7: {  	_ = 	snop  }
__scs_overlays_trampoline_lowered:
0x8: {  	[smem:$0x3FAD] =	sst s0  }
0x9: {  	[smem:$0x3FAE] =	sst s1  }
0xa: {  	[smem:$0x3FAF] =	sst s2  }
0xb: {  	[smem:$0x3FB0] =	sst s3  }
0xc: {  	[smem:$0x3FB1] =	sst s4  }
0xd: {  	[smem:$0x3FB2] =	sst s5  }
0xe: {  	[smem:$0x3FB3] =	sst s6  }
0xf: {  	[smem:$0x3FB4] =	sst s7  }
0x10: {  	[smem:$0x3FB5] =	sst s8  }
0x11: {  	[smem:$0x3FB6] =	sst s9;
	s0 =	simm.s32 @!p0 $0x0  }
0x12: {  	s1 =	sld [smem:$0x3F9C];
	s0 =	simm.s32 @p0 $0x1  }
0x13: {  	[smem:$0x3FB7] =	sst s0;
	s0 =	simm.s32 @!p1 $0x0  }
0x14: {  	s2 =	sld [smem:$0x3F9B];
	s0 =	simm.s32 @p1 $0x1  }
0x15: {  	[smem:$0x3FB8] =	sst s0;
	s0 =	simm.s32 @!p2 $0x0  }
0x16: {  	s3 =	sld [smem:$0x3FDB];
	s0 =	simm.s32 @p2 $0x1  }
0x17: {  	s4 =	simm.s32 $0x1BF5;
	[smem:$0x3FBA] =	sst s0  }
0x18: {  	s0 =	sld [smem:$0x3F9D];
	_ =	swait.ge [sflag:s4], $0x0  }
0x19: {  	s7 =	sld [smem:$0x3F9E]  }
0x1a: {  	s8 =	sadd.s32 $0xFFFFE003, lr  }
0x1b: {  	s9 =	sadd.s32 $0xFFFFFEF7, lr;
	s5 =	simm.s32 $0xFFFFFFFF;
	p2 =	slt.u32 s8, $0xFFFFF086  }
0x1c: {  	p1 =	slt.u32 s9, $0xF7A;
	s5 =	simm.s32 @!p2 $0x0  }
0x1d: {  	s5 =	simm.s32 @p1 $0x1;
	p0 =	seq.s32 s7, s2  }
0x1e: {  	s7 =	smul.u32 @!p0 $0xF7A, s2;
	p2 =	seq.s32 @!p0 s5, $0x0  }
0x1f: {  	s9 =	smul.u32 $0xF7A, s1;
	s8 =	simm.s32 @!p0 $0x1BF5;
	p2 =	por !p2, p0  }
0x20: {  	[sflag:s8] =	ssyncset.s32 @!p0 $0xFFFFF086;
	s6 =	sadd.s32 @!p0 s3, s7;
	s7 =	simm.s32 @!p0 $0x108  }
0x21: {  	s3 =	sadd.s32 s3, s9;
	s6 =	sadd.s32 @!p0 $0x88, s6;
	s7 =	simm.s32 @p2 $0x1082  }
0x22: {  	[simem:s7], [sflag:s8] =	dma.local @!p0 [hbm:s6], $0xF7A  }
0x23: {  	s9 =	sor.u32 $0xD0000000, s2;
	s6 =	simm.s32 $0x108;
	_ =	swait.ge @!p0 [sflag:s8], $0x0  }
0x24: {  	s3 =	sadd.s32 $0x88, s3;
	s6 =	simm.s32 @!p1 $0x1082;
	[sflag:s4] =	ssyncset.s32 $0xFFFFF086  }
0x25: {  	[simem:s6], [sflag:s4] =	dma.local [hbm:s3], $0xF7A  }
0x26: {  	[smem:$0x3F9E] =	sst s1;
	(tag) =	ssettag s2;
	_ =	strace s9  }
0x27: {  	s1 =	sld [smem:$0x3FAE]  }
0x28: {  	s2 =	sld [smem:$0x3FAF]  }
0x29: {  	s4 =	sld [smem:$0x3FB1]  }
0x2a: {  	p0 =	seq.s32 s5, $0x0;
	s5 =	sld [smem:$0x3FB2]  }
0x2b: {  	s6 =	sld [smem:$0x3FB3]  }
0x2c: {  	s7 =	sld [smem:$0x3FB4]  }
0x2d: {  	s3 =	simm.s32 $0x108;
	s8 =	sld [smem:$0x3FB5]  }
0x2e: {  	s3 =	simm.s32 @!p0 $0x1082;
	s9 =	sld [smem:$0x3FB6]  }
0x2f: {  	lr =	sadd.s32 s0, s3;
	s0 =	sld [smem:$0x3FAD]  }
0x30: {  	s3 =	sld [smem:$0x3FB0]  }
0x31: {  	[smem:$0x3FB9] =	sst s10  }
0x32: {  	s10 =	sld [smem:$0x3FB7];
	_ =	sdelay $0x3  }
0x33: {  	p0 =	seq.s32 s10, $0x1;
	s10 =	sld [smem:$0x3FB9];
	_ =	sdelay $0x3  }
0x34: {  	[smem:$0x3FB9] =	sst s10  }
0x35: {  	s10 =	sld [smem:$0x3FB8];
	_ =	sdelay $0x3  }
0x36: {  	p1 =	seq.s32 s10, $0x1;
	s10 =	sld [smem:$0x3FB9];
	_ =	sdelay $0x3  }
0x37: {  	[smem:$0x3FB9] =	sst s10  }
0x38: {  	s10 =	sld [smem:$0x3FBA]  }
0x39: {  	_ = 	snop;
	(pc) =	sbr.ind lr, $3  }
0x3a: {  	_ = 	snop  }
0x3b: {  	_ = 	snop  }
0x3c: {  	p2 =	seq.s32 s10, $0x1;
	s10 =	sld [smem:$0x3FB9]  }
0x3d: {  	_ =	shalt  }
0x3e: {  	_ =	shalt  }
0x3f: {  	_ =	shalt  }
0x40: {  	_ =	shalt  }
0x41: {  	_ =	shalt  }
0x42: {  	_ =	shalt  }
0x43: {  	_ =	shalt  }
0x44: {  	_ =	shalt  }
0x45: {  	_ =	shalt  }
0x46: {  	_ =	shalt  }
0x47: {  	_ =	shalt  }
0x48: {  	_ =	shalt  }
0x49: {  	_ =	shalt  }
0x4a: {  	_ =	shalt  }
0x4b: {  	_ =	shalt  }
0x4c: {  	_ =	shalt  }
0x4d: {  	_ =	shalt  }
0x4e: {  	_ =	shalt  }
0x4f: {  	_ =	shalt  }
0x50: {  	_ =	shalt  }
0x51: {  	_ =	shalt  }
0x52: {  	_ =	shalt  }
0x53: {  	_ =	shalt  }
0x54: {  	_ =	shalt  }
0x55: {  	_ =	shalt  }
0x56: {  	_ =	shalt  }
0x57: {  	_ =	shalt  }
0x58: {  	_ =	shalt  }
0x59: {  	_ =	shalt  }
0x5a: {  	_ =	shalt  }
0x5b: {  	_ =	shalt  }
0x5c: {  	_ =	shalt  }
0x5d: {  	_ =	shalt  }
0x5e: {  	_ =	shalt  }
0x5f: {  	_ =	shalt  }
0x60: {  	_ =	shalt  }
0x61: {  	_ =	shalt  }
0x62: {  	_ =	shalt  }
0x63: {  	_ =	shalt  }
0x64: {  	_ =	shalt  }
0x65: {  	_ =	shalt  }
0x66: {  	_ =	shalt  }
0x67: {  	_ =	shalt  }
0x68: {  	_ =	shalt  }
0x69: {  	_ =	shalt  }
0x6a: {  	_ =	shalt  }
0x6b: {  	_ =	shalt  }
0x6c: {  	_ =	shalt  }
0x6d: {  	_ =	shalt  }
0x6e: {  	_ =	shalt  }
0x6f: {  	_ =	shalt  }
0x70: {  	_ =	shalt  }
0x71: {  	_ =	shalt  }
0x72: {  	_ =	shalt  }
0x73: {  	_ =	shalt  }
0x74: {  	_ =	shalt  }
0x75: {  	_ =	shalt  }
0x76: {  	_ =	shalt  }
0x77: {  	_ =	shalt  }
0x78: {  	_ =	shalt  }
0x79: {  	_ =	shalt  }
0x7a: {  	_ =	shalt  }
0x7b: {  	_ =	shalt  }
0x7c: {  	_ =	shalt  }
0x7d: {  	_ =	shalt  }
0x7e: {  	_ =	shalt  }
0x7f: {  	_ =	shalt  }
0x80: {  	_ =	shalt  }
0x81: {  	_ =	shalt  }
0x82: {  	_ =	shalt  }
0x83: {  	_ =	shalt  }
0x84: {  	_ =	shalt  }
0x85: {  	_ =	shalt  }
0x86: {  	_ =	shalt  }
0x87: {  	_ =	shalt  }
.Lfunc_end0:
.L_simem_size_0:
called_computation_lowered:
.L_overlay_start_0:
0x88: {  	s0 =	sld [smem:$0x3FD9]  }
0x89: {  	s1 =	sld [smem:$0x3FFE];
	_ =	sdelay $0x3  }
0x8a: {  	s0 =	sadd.s32 s1, s0  }
0x8b: {  	[smem:$0x3FC5] =	sst s0  }
0x8c: {  	_ = 	snop  }
0x8d: {  	s0 =	sld [smem:$0x3FD0]  }
0x8e: {  	s14 =	sld [smem:$0x3FC9]  }
0x8f: {  	s2 =	sld [smem:$0x3FC8]  }
0x90: {  	s4 =	simm.s32 $0xA;
	s5 =	simm.s32 $0x10;
	s3 =	sld [smem:$0x3FC7]  }
0x91: {  	[smem:s5], [sflag:s4] =	dma.local [hbm:s0], $0x1  }
0x92: {  	_ =	swait.eq [sflag:s4], $0x1  }
0x93: {  	s15 =	sld [smem:$0x10];
	[sflag:s4] =	ssyncset.done $0x0  }
0x94: {  	s16 =	sld [smem:$0x11];
	[sflag:s4] =	ssyncadd.s32 $0xFFFFFFFF  }
0x95: {  	s17 =	sld [smem:$0x12];
	(tm) =	ssettm $0x1  }
0x96: {  	s6 =	sld [smem:$0x3FFB];
	_ =	sdelay $0x3  }
0x97: {  	_ =	strace s6  }
0x98: {  	s6 =	sld [smem:$0x3FFC];
	_ =	sdelay $0x3  }
0x99: {  	_ =	strace s6  }
0x9a: {  	s6 =	sld [smem:$0x3FFD];
	_ =	sdelay $0x3  }
0x9b: {  	_ =	strace s6  }
0x9c: {  	_ =	strace $0x8FFFFFFF  }
0x9d: {  	s18 =	sld [smem:$0x3FDB];
	_ =	sdelay $0x1  }
0x9e: {  	s7 =	simm.s32 $_scs_section_size  }
0x9f: {  	s8 =	simm.s32 $_size__tile_overlayer_lowered;
	s9 =	simm.s32 $_tile_overlayer_lowered  }
0xa0: {  	s21 =	simm.s32 $0x1BFF;
	s20 =	sshll.u32 s9, $0x1;
	s6 =	sadd.s32 s7, s18  }
0xa1: {  	s10 =	simm.s32 $0x0;
	s19 =	sshll.u32 s8, $0x1;
	s8 =	sadd.s32 s20, s6  }
0xa2: {  	[timem:s10], [sflag:s21] =	dma.local [hbm:s8], s19  }
0xa3: {  	_ =	swait.ge [sflag:s21], s19  }
0xa4: {  	s7 =	ssub.s32 $0x0, s19;
	[sflag:s21] =	ssyncset.done $0x0  }
0xa5: {  	[sflag:s21] =	ssyncadd.s32 s7;
	_ =	sdelay $0x1  }
0xa6: {  	s22 =	simm.s32 $0x1B8B  }
0xa7: {  	_ =	swait.ge [sflag:s22], $0x1  }
0xa8: {  	[sflag:s22] =	ssyncset.done $0x0  }
0xa9: {  	s23 =	simm.s32 $0x1B8E;
	[sflag:s22] =	ssyncadd.s32 $0xFFFFFFFF  }
0xaa: {  	s24 =	simm.s32 $execute0_lowered;
	[smem:$0x3FD2] =	sst s23  }
0xab: {  	s7 =	sshll.u32 s24, $0x1;
	_ =	strace $0x80000046;
	[dreg:$0x1] =	wrdreg $0xFFFFFFFF  }
0xac: {  	s25 =	simm.s32 $_size_execute0_lowered;
	s6 =	sadd.s32 s6, s7;
	[dreg:$0x0] =	wrdreg $0x0  }
0xad: {  	s7 =	sshll.u32 s25, $0x1;
	[dreg:$0x2] =	wrdreg s6  }
0xae: {  	[dreg:$0x3] =	wrdreg s7  }
0xaf: {  	[dreg:$0x4] =	wrdreg $0xC0  }
0xb0: {  	_ =	task [dreg:s10], $0x5FFFF  }
0xb1: {  	[dreg:$0x1] =	wrdreg $0xFFFFFFFF  }
0xb2: {  	[dreg:$0x0] =	wrdreg $0x60  }
0xb3: {  	[dreg:$0x2] =	wrdreg s14  }
0xb4: {  	[dreg:$0x3] =	wrdreg s2  }
0xb5: {  	[dreg:$0x4] =	wrdreg s3  }
0xb6: {  	[dreg:$0x5] =	wrdreg s15  }
0xb7: {  	[dreg:$0x6] =	wrdreg s16  }
0xb8: {  	[dreg:$0x7] =	wrdreg s17  }
0xb9: {  	[dreg:$0x8] =	wrdreg $0x9  }
0xba: {  	_ =	task.clear_ibuf [dreg:s10], $0x9FFFF;
	_ =	strace $0x90000046  }
0xbb: {  	s26 =	simm.s32 $0x9;
	_ =	strace $0x80000048  }
0xbc: {  	_ =	swait.ge [sflag:s26], $0x1  }
0xbd: {  	[sflag:s26] =	ssyncadd.s32 $0xFFFFFFFF  }
0xbe: {  	_ =	strace $0x90000048  }
0xbf: {  	_ =	sfence  }
0xc0: {  	s28 =	sld [smem:$0x0];
	_ =	sdelay $0x1  }
0xc1: {  	s29 =	srdreg.scid  }
0xc2: {  	s30 =	sshll.u32 s29, $0xD;
	s31 =	sshrl.u32 s29, $0x2  }
0xc3: {  	s1 =	sand.u32 $0x1, s29;
	s2 =	sand.u32 $0x4000, s30;
	s0 =	sadd.s32 s31, s28  }
0xc4: {  	s1 =	sor.u32 s2, s1;
	s0 =	sshll.u32 s0, $0x11  }
0xc5: {  	s0 =	sor.u32 s0, s1  }
0xc6: {  	s0 =	sadd.s32 $0x8F2B, s0  }
0xc7: {  	[sflag:s0] =	ssyncadd.remote.s32 $0x1  }
0xc8: {  	_ =	sfence.sel $0xFFFF  }
0xc9: {  	[dreg:$0x0] =	wrdreg $0xFFFFFFFF;
	(pc) =	sbr.abs _section_cstart, $3  }
0xca: {  	[dreg:$0x1] =	wrdreg $0xFFFFFFFF  }
0xcb: {  	_ =	task.clear_ibuf [dreg:s10], $0x2FFFF;
	_ =	strace $0x9FFFFFFF  }
0xcc: {  	(tm) =	ssettm $0x7FFFFFFF  }
0xcd: {  	_ =	shalt  }
tec
execute0_lowered:
.L_overlay_start_1:
0x0: {  	(tag) =	ssettag $0x1  }
0x1: {  	s7 =	rddreg [dreg:$0x0]  }
0x2: {  	s9 =	rddreg [dreg:$0x1]  }
0x3: {  	s10 =	rddreg [dreg:$0x2]  }
0x4: {  	s1 =	rddreg [dreg:$0x3]  }
0x5: {  	s0 =	rddreg [dreg:$0x4];
	s11 =	simm.s32 $0x0  }
0x6: {  	s2 =	stileid.u32;
	[smem:$0x7FF] =	sst s11  }
0x7: {  	s6 =	sshll.u32 s2, $0xB;
	_ =	strace $0x80000047;
	[smem:$0x0] =	sst s11  }
0x8: {  	s8 =	sadd.s32 $0xFFFFFFF0, s6;
	[smem:$0x1] =	sst s11  }
0x9: {  	p0 =	sgt.s32 s8, $0x0;
	s5 =	smov.u32 s8;
	[smem:$0x2] =	sst s11  }
0xa: {  	s5 =	simm.s32 @!p0 $0x0;
	[smem:$0x3] =	sst s11  }
0xb: {  	s5 =	smin.u32 s5, $0x77D0;
	[smem:$0x4] =	sst s11  }
0xc: {  	s12 =	sshrl.u32 s5, $0x3;
	[smem:$0x5] =	sst s11  }
0xd: {  	s7 =	sadd.s32 s7, s12;
	[smem:$0x6] =	sst s11  }
0xe: {  	[tilespmem:s11], [sflag:$0x1] =	stream.linear.gather [hbm4b:s7+s11], $0x830, $0x38;
	[tilespmem:$0x5F00] =	vst v63  }
0xf: {  	[smem:$0x7] =	sst s11  }
0x10: {  	s28 =	simm.s32 $0x880;
	s26 =	sadd.s32 s9, s12;
	[smem:$0x8] =	sst s11  }
0x11: {  	[tilespmem:s28], [sflag:$0x1] =	stream.linear.gather [hbm4b:s26+s11], $0x830, $0x38;
	[tilespmem:$0x5F00] =	vst v63  }
0x12: {  	[smem:$0x9] =	sst s11  }
0x13: {  	s29 =	simm.s32 $0x5C00;
	[smem:$0xA] =	sst s11  }
0x14: {  	[tilespmem:s29], [sflag:$0x15] =	stream.linear.gather [hbm4b:s10+s11], $0x80, $0x38;
	[tilespmem:$0x5F00] =	vst v63  }
0x15: {  	[smem:$0xB] =	sst s11  }
0x16: {  	[smem:$0xC] =	sst s11  }
0x17: {  	[smem:$0xD] =	sst s11  }
0x18: {  	[smem:$0xE] =	sst s11  }
0x19: {  	[smem:$0xF] =	sst s11  }
0x1a: {  	[smem:$0x10] =	sst s11  }
0x1b: {  	s30 =	simm.s32 $0x15;
	[smem:$0x11] =	sst s11  }
0x1c: {  	_ =	swait.ge [sflag:s30], $0x80  }
0x1d: {  	[sflag:s30] =	ssyncset.done $0x0  }
0x1e: {  	s31 =	simm.s32 $0x4C00;
	v0 =	vimm.s32 $0x67;
	[sflag:s30] =	ssyncadd.s32 $0xFFFFFF80  }
0x1f: {  	v1 =	vimm.f32 $0.0e+00;
	s7 =	simm.s32 $0x5400;
	[tilespmem:s31+$0x0] =	vst v0  }
0x20: {  	v2 =	vimm.s32 $0x0;
	s9 =	simm.s32 $0x1100;
	s10 =	simm.s32 $0x0;
	s11 =	simm.s32 $0x4C10;
	[tilespmem:s7+$0x0] =	vst v1  }
.LBB2_1:
0x21: {  	s10 =	sadd.s32 $0x10, s10  }
0x22: {  	[tilespmem:s9+$0x0] =	vst v2;
	s9 =	sadd.s32 $0x10, s9;
	s7 =	sadd.s32 $0x10, s7;
	p0 =	slt.u32 s10, $0x7F0  }
.Ltmp0:
0x23: {  	(pc) =	sbr.rel @p0 .LBB2_1-.Ltmp0, $3  }
0x24: {  	_ =	sdelay $0x1  }
0x25: {  	[tilespmem:s11+$0x0] =	vst v0  }
0x26: {  	s11 =	sadd.s32 $0x10, s11;
	[tilespmem:s7+$0x0] =	vst v1  }
0x27: {  	[tilespmem:s9+$0x0] =	vst v2;
	s7 =	simm.s32 $0x1900;
	v0 =	vimm.s32 $0x0  }
0x28: {  	s9 =	simm.s32 $0x800;
	[tilespmem:s7+$0x0] =	vst v0  }
.LBB2_3:
0x29: {  	s9 =	sadd.s32 $0x10, s9  }
0x2a: {  	p0 =	slt.u32 s9, $0x820  }
.Ltmp1:
0x2b: {  	_ = 	snop;
	(pc) =	sbr.rel @p0 .LBB2_3-.Ltmp1, $3  }
0x2c: {  	_ =	sdelay $0x1  }
0x2d: {  	s7 =	sadd.s32 $0x10, s7  }
0x2e: {  	[tilespmem:s7+$0x0] =	vst v0  }
0x2f: {  	s7 =	simm.s32 $0x1  }
0x30: {  	_ =	swait.ge [sflag:s7], $0x830  }
0x31: {  	[sflag:s7] =	ssyncset.done $0x0  }
0x32: {  	[sflag:s7] =	ssyncadd.s32 $0xFFFFF7D0  }
0x33: {  	_ =	swait.ge [sflag:s7], $0x830  }
0x34: {  	s9 =	sshll.u32 s2, $0x8;
	s11 =	simm.s32 $0x4C00;
	[sflag:s7] =	ssyncset.done $0x0  }
0x35: {  	s10 =	sadd.s32 s1, s9;
	[sflag:s7] =	ssyncadd.s32 $0xFFFFF7D0;
	s7 =	simm.s32 $0x0  }
0x36: {  	[hbm4b:s10+s7] =	stream.linear.scatter [tilespmem:s11], [sflag:$0x2], $0x800, $0x38;
	[tilespmem:$0x5F00] =	vst v63  }
0x37: {  	s26 =	simm.s32 $0x5400;
	s9 =	sadd.s32 s0, s9  }
0x38: {  	[hbm4b:s9+s7] =	stream.linear.scatter [tilespmem:s26], [sflag:$0x2], $0x800, $0x38;
	[tilespmem:$0x5F00] =	vst v63  }
0x39: {  	v0 =	vld [tilespmem:$0x5C00];
	_ =	sdelay $0x3  }
0x3a: {  	v1 =	vmov s6;
	s8 =	ssub.s32 s8, s5;
	v4 =	vlaneseq.u32;
	s28 =	simm.s32 $0x10  }
0x3b: {  	v7 =	vor.u32 s28, v4;
	v0 =	vsub.s32 v0, v1;
	v1 =	vmov s8  }
0x3c: {  	v2 =	vadd.s32 $0x10, v0;
	v3 =	vadd.s32 $0xFFFFFFFF, v1;
	v5 =	vadd.s32 $0xFFFFFFFE, v1  }
0x3d: {  	vm0 =	vgt.s32 v2, $0x0;
	v8 =	vadd.s32 v3, v7;
	v7 =	vadd.s32 v5, v7  }
0x3e: {  	v6 =	vnsel vm0, $0x0, v2;
	vm0 =	vlt.u32 v2, $0x830;
	vm1 =	vgt.s32 v8, $0x0  }
0x3f: {  	v2 =	vmin.u32 v6, $0x82F;
	v8 =	vnsel vm1, $0x0, v8;
	vm1 =	vgt.s32 v7, $0x0  }
0x40: {  	v8 =	vmin.u32 v8, $0x82F;
	v7 =	vnsel vm1, $0x0, v7  }
0x41: {  	v7 =	vmin.u32 v7, $0x82F  }
0x42: {  	v6 =	vadd.s32 $0xFFFFFFFF, v4  }
0x43: {  	v10 =	vimm.s32 $0x1;
	s10 =	ssub.s32 s6, s5;
	s9 =	simm.s32 $0x20;
	s8 =	simm.s32 $0x1100;
	v9 =	vadd.s32 s28, v6  }
0x44: {  	s11 =	sadd.s32 $0x0, s10;
	[tilespmem:v2+s8+$0x0] =	vst.idx.msk vm0, v10;
	v2 =	vor.u32 s9, v4  }
0x45: {  	p0 =	slt.s32 s11, $0x820;
	v10 =	vadd.s32 v3, v2;
	v8 =	vld.idx.msk [tilespmem:v8+s7+$0x0], $0xffff  }
0x46: {  	s11 =	simm.s32 @!p0 $0x820;
	vm0 =	vgt.s32 v10, $0x0;
	v11 =	vld.idx.msk [tilespmem:v7+s7+$0x0], $0xffff  }
0x47: {  	v15 =	vadd.s32 s9, v6;
	v2 =	vadd.s32 v5, v2;
	v7 =	vnsel vm0, $0x0, v10;
	v10 =	vld [tilespmem:s11+$0x0]  }
0x48: {  	s12 =	simm.s32 $0x1110;
	v9 =	vld.idx.msk [tilespmem:v9+s8+$0x0], $0xffff;
	vm0 =	vgt.s32 v2, $0x0;
	s11 =	simm.s32 $0x30;
	v12 =	vmin.u32 v7, $0x82F  }
0x49: {  	v13 =	vld [tilespmem:s12+$0x0];
	v2 =	vnsel vm0, $0x0, v2;
	v7 =	vadd.s32 $0xFFFFFFFE, v4;
	v16 =	vor.u32 s11, v4  }
0x4a: {  	s29 =	sadd.s32 $0x0, s6;
	v17 =	vadd.s32 s11, v6;
	v14 =	vmin.u32 v2, $0x82F;
	v2 =	vimm.s32 $0x0  }
0x4b: {  	s12 =	sadd.s32 $0x10, s10;
	v18 =	vadd.s32 s29, v7;
	v19 =	vadd.s32 v3, v16;
	v16 =	vadd.s32 v5, v16  }
0x4c: {  	p0 =	slt.s32 s12, $0x820;
	vm1 =	vlt.s32 v8, $0x61;
	vm2 =	vlt.s32 v11, $0x61;
	v11 =	vld.idx.msk [tilespmem:v15+s8+$0x0], $0xffff;
	v10 =	vadd.s32 $0xFFFFFF9F, v10  }
0x4d: {  	s12 =	simm.s32 @!p0 $0x820;
	vm0 =	vlt.u32 v18, $0x7FFE;
	vm1 =	vmand vm1, vm2;
	v8 =	vld.idx.msk [tilespmem:v12+s7+$0x0], $0xffff;
	vm3 =	vlt.u32 v10, $0x3  }
0x4e: {  	v9 =	vor.u32 v13, v9;
	vm2 =	vgt.s32 v19, $0x0;
	v12 =	vld [tilespmem:s12+$0x0];
	vm1 =	vmand vm1, vm3  }
0x4f: {  	s30 =	simm.s32 $0x1120;
	v10 =	vld.idx.msk [tilespmem:v14+s7+$0x0], $0xffff;
	vm3 =	veq.s32 v9, $0x0;
	v9 =	vnsel vm2, $0x0, v19;
	vm2 =	vgt.s32 v16, $0x0  }
0x50: {  	s14 =	simm.s32 $0x40;
	v14 =	vld [tilespmem:s30+$0x0];
	vm1 =	vmand vm1, vm3;
	v13 =	vmin.u32 v9, $0x82F;
	v9 =	vnsel vm2, $0x0, v16  }
0x51: {  	vm0 =	vmand vm0, vm1;
	v15 =	vmin.u32 v9, $0x82F;
	v9 =	vor.u32 s14, v4  }
0x52: {  	v16 =	vsel vm0, $0x1, v2;
	v62 =	vadd.s32 v3, v9;
	v63 =	vadd.s32 v5, v9  }
0x53: {  	s31 =	sadd.s32 $0x10, s6;
	s13 =	sadd.s32 $0x20, s10;
	vm0 =	vlt.s32 v8, $0x61;
	v8 =	vadd.s32 s14, v6;
	v12 =	vadd.s32 $0xFFFFFF9F, v12  }
0x54: {  	p0 =	slt.s32 s13, $0x820;
	v9 =	vld.idx.msk [tilespmem:v17+s8+$0x0], $0xffff;
	vm1 =	vlt.s32 v10, $0x61;
	v10 =	vadd.s32 s31, v7;
	vm2 =	vlt.u32 v12, $0x3  }
0x55: {  	s13 =	simm.s32 @!p0 $0x820;
	v12 =	vor.u32 v14, v11;
	vm0 =	vmand vm0, vm1;
	vm1 =	vlt.u32 v10, $0x7FFE;
	v10 =	vld.idx.msk [tilespmem:v13+s7+$0x0], $0xffff  }
0x56: {  	vm3 =	vgt.s32 v62, $0x0;
	v13 =	vld [tilespmem:s13+$0x0];
	vm0 =	vmand vm0, vm2;
	vm2 =	veq.s32 v12, $0x0  }
0x57: {  	s12 =	simm.s32 $0x1980;
	s13 =	simm.s32 $0x1130;
	v11 =	vld.idx.msk [tilespmem:v15+s7+$0x0], $0xffff;
	v12 =	vnsel vm3, $0x0, v62;
	vm3 =	vgt.s32 v63, $0x0;
	vm0 =	vmand vm0, vm2  }
0x58: {  	[tilespmem:s12+$0x0] =	vst v16;
	v14 =	vmin.u32 v12, $0x82F;
	v15 =	vnsel vm3, $0x0, v63;
	v12 =	vld [tilespmem:s13+$0x0];
	vm0 =	vmand vm1, vm0  }
.LBB2_5:
0x59: {  	s15 =	sadd.s32 s6, s9;
	s12 =	sadd.s32 $0x10, s12  }
0x5a: {  	v15 =	vmin.u32 v15, $0x82F;
	v20 =	vsel vm0, $0x1, v2;
	s9 =	smov.u32 s11;
	s11 =	smov.u32 s14;
	s16 =	sadd.s32 $0x10, s14  }
0x5b: {  	v16 =	vmovc v9;
	v17 =	vor.u32 s16, v4;
	v18 =	vadd.s32 s16, v6;
	v19 =	vadd.s32 s15, v7;
	[tilespmem:s12+$0x0] =	vst v20  }
0x5c: {  	p0 =	slt.u32 s14, $0x800;
	v20 =	vadd.s32 v3, v17;
	v17 =	vadd.s32 v5, v17;
	vm0 =	vlt.u32 v19, $0x7FFE  }
.Ltmp2:
0x5d: {  	s14 =	sadd.s32 s9, s10;
	vm1 =	vlt.s32 v10, $0x61;
	vm2 =	vlt.s32 v11, $0x61;
	v9 =	vld.idx.msk [tilespmem:v8+s8+$0x0], $0xffff;
	v13 =	vadd.s32 $0xFFFFFF9F, v13;
	v8 =	vmovc v18;
	(pc) =	sbr.rel @p0 .LBB2_5-.Ltmp2, $4  }
0x5e: {  	p1 =	slt.s32 s14, $0x820;
	vm1 =	vmand vm1, vm2;
	v10 =	vld.idx.msk [tilespmem:v14+s7+$0x0], $0xffff;
	vm3 =	vlt.u32 v13, $0x3;
	v12 =	vor.u32 v12, v16  }
0x5f: {  	vm2 =	vgt.s32 v20, $0x0;
	s14 =	simm.s32 @!p1 $0x820;
	v11 =	vld.idx.msk [tilespmem:v15+s7+$0x0], $0xffff;
	vm1 =	vmand vm1, vm3;
	vm3 =	veq.s32 v12, $0x0  }
0x60: {  	s13 =	sadd.s32 $0x10, s13;
	v12 =	vnsel vm2, $0x0, v20;
	vm2 =	vgt.s32 v17, $0x0;
	v13 =	vld [tilespmem:s14+$0x0];
	vm1 =	vmand vm1, vm3  }
0x61: {  	v14 =	vmin.u32 v12, $0x82F;
	v15 =	vnsel vm2, $0x0, v17;
	s14 =	smov.u32 s16;
	v12 =	vld [tilespmem:s13+$0x0];
	vm0 =	vmand vm0, vm1  }
0x62: {  	_ =	sdelay $0x1  }
0x63: {  	v3 =	vmin.u32 v15, $0x82F  }
0x64: {  	s10 =	sadd.s32 s11, s10  }
0x65: {  	v4 =	vld.idx.msk [tilespmem:v14+s7+$0x0], $0xffff;
	p0 =	slt.s32 s10, $0x820  }
0x66: {  	v8 =	vld.idx.msk [tilespmem:v8+s8+$0x0], $0xffff;
	s10 =	simm.s32 @!p0 $0x820  }
0x67: {  	vm1 =	vlt.s32 v10, $0x61;
	v5 =	vadd.s32 $0xFFFFFF9F, v13;
	v6 =	vld [tilespmem:s10+$0x0]  }
0x68: {  	s26 =	sadd.s32 $0x10, s13;
	vm2 =	vlt.s32 v11, $0x61;
	vm3 =	vlt.u32 v5, $0x3;
	v5 =	vor.u32 v12, v9;
	v3 =	vld.idx.msk [tilespmem:v3+s7+$0x0], $0xffff  }
0x69: {  	s25 =	sadd.s32 s6, s9;
	vm1 =	vmand vm1, vm2;
	vm2 =	veq.s32 v5, $0x0;
	v5 =	vld [tilespmem:s26+$0x0]  }
0x6a: {  	s30 =	sadd.s32 s6, s11;
	v10 =	vsel vm0, $0x1, v2;
	v9 =	vadd.s32 s25, v7;
	vm1 =	vmand vm1, vm3  }
0x6b: {  	v7 =	vadd.s32 s30, v7;
	vm3 =	vlt.u32 v9, $0x7FFE;
	vm1 =	vmand vm1, vm2  }
0x6c: {  	vm0 =	vlt.u32 v7, $0x7FFE;
	vm1 =	vmand vm3, vm1;
	v6 =	vadd.s32 $0xFFFFFF9F, v6  }
0x6d: {  	v12 =	vsel vm1, $0x1, v2;
	vm1 =	vlt.s32 v4, $0x61;
	vm3 =	vlt.u32 v6, $0x3  }
0x6e: {  	v6 =	vlaneseq.u32;
	vm2 =	vlt.s32 v3, $0x61;
	v3 =	vor.u32 v5, v8  }
0x6f: {  	v4 =	vadd.s32 $0x11, v6;
	vm1 =	vmand vm1, vm2;
	vm2 =	veq.s32 v3, $0x0  }
0x70: {  	s9 =	simm.s32 $0x0;
	v9 =	vadd.s32 v4, v1;
	v3 =	vadd.s32 $0x12, v6;
	vm1 =	vmand vm1, vm3  }
0x71: {  	s0 =	sadd.s32 $0x10, s12;
	v11 =	vadd.s32 v3, v1;
	v1 =	vadd.s32 s9, v9;
	vm1 =	vmand vm1, vm2  }
0x72: {  	s6 =	sadd.s32 $0x10, s0;
	[tilespmem:s0+$0x0] =	vst v10;
	v3 =	vadd.s32 s9, v11;
	vm0 =	vmand vm0, vm1;
	vm1 =	vgt.s32 v1, $0x0  }
0x73: {  	[tilespmem:s6+$0x0] =	vst v12;
	s6 =	sadd.s32 $0x10, s6;
	v2 =	vsel vm0, $0x1, v2;
	vm0 =	vgt.s32 v3, $0x0;
	v1 =	vnsel vm1, $0x0, v1  }
0x74: {  	s1 =	sshll.u32 s2, $0xD;
	s2 =	simm.s32 $0x880;
	[tilespmem:s6+$0x0] =	vst v2;
	v2 =	vnsel vm0, $0x0, v3;
	v4 =	vmin.u32 v1, $0x82F  }
0x75: {  	s5 =	sshll.u32 s5, $0x2;
	s3 =	simm.s32 $0x2200;
	[dreg:$0x7] =	wrdreg s2;
	v2 =	vmin.u32 v2, $0x82F  }
0x76: {  	s4 =	simm.s32 $0x2A80;
	s5 =	ssub.s32 s1, s5;
	[dreg:$0x8] =	wrdreg s3  }
0x77: {  	s7 =	sshra.s32 s5, $0x2;
	[dreg:$0x9] =	wrdreg s4  }
0x78: {  	s2 =	simm.s32 $0x0;
	v1 =	vld [tilespmem:s7+$0x0]  }
0x79: {  	v3 =	vld.idx.msk [tilespmem:v4+s2+$0x0], $0xffff  }
0x7a: {  	v2 =	vld.idx.msk [tilespmem:v2+s2+$0x0], $0xffff;
	_ =	sdelay $0x3  }
0x7b: {  	v5 =	vsub.s32 v1, v3;
	v7 =	vmul.u32 v1, v3  }
0x7c: {  	v5 =	vadd.s32 $0x61, v5;
	vm9 =	veq.s32 v2, $0x62  }
0x7d: {  	v3 =	vadd.s32 v1, v3;
	vm8 =	veq.s32 v2, $0x61;
	v2 =	vsel vm9, v5, v7  }
0x7e: {  	v3 =	vsel vm8, v3, v2  }
0x7f: {  	(v2sf) =	vpush v3, $0x9  }
0x80: {  	(v2sf) =	vpush v3, $0x8  }
0x81: {  	(v2sf) =	vpush v3, $0xF  }
0x82: {  	s23 =	rddreg [dreg:$0x7];
	(v2sf) =	vpush v3, $0x2  }
0x83: {  	s24 =	sadd.s32 $0x880, s7;
	v12 =	vld.idx.msk [tilespmem:v4+s23+$0x0], $0xffff;
	(v2sf) =	vpush v3, $0xE  }
0x84: {  	v2 =	vld [tilespmem:s24+$0x0]  }
0x85: {  	s8 =	simm.s32 $0x10;
	(v2sf) =	vpush v3, $0x0  }
0x86: {  	v4 =	vadd.s32 s8, v9;
	(v2sf) =	vpush v3, $0xD  }
0x87: {  	vm0 =	vgt.s32 v4, $0x0  }
0x88: {  	v4 =	vnsel vm0, $0x0, v4;
	(v2sf) =	vpush v3, $0xC  }
0x89: {  	v15 =	vmin.u32 v4, $0x82F;
	v7 =	vmul.f32 v12, v2;
	_ =	sdelay $0x1  }
0x8a: {  	v4 =	vmul.f32 $1.030927800e-02, v7  }
0x8b: {  	s12 =	sadd.s32 $0x10, s24;
	(v2sf) =	vpush v3, $0x1  }
0x8c: {  	v8 =	vimm.s32 $0xECA86420;
	s25 =	rddreg [dreg:$0x7];
	v5 =	vld [tilespmem:s12+$0x0];
	v4 =	vtrunc.f32 v4;
	(v2sf) =	vpush v3, $0x7  }
0x8d: {  	v8 =	vunpack.c.l.s4.s8 v8;
	v10 =	vld.idx.msk [tilespmem:v15+s25+$0x0], $0xffff;
	v16 =	vcvt.f32.s32 v4;
	s15 =	spop (v2sf)  }
0x8e: {  	(v2sf) =	vpush v3, $0xA;
	s21 =	spop (v2sf);
	s16 =	smulhi.u32 $0x151D07EB, s15  }
0x8f: {  	v4 =	vunpack.c.0.s8.s32 v8;
	v8 =	vcvt.s32.f32 v16;
	s26 =	spop (v2sf);
	s19 =	smulhi.u32 $0x151D07EB, s21  }
0x90: {  	vm5 =	vcmask $0xB08;
	s13 =	smulhi.u32 $0x151D07EB, s26;
	s5 =	sshra.s32 s26, $0x1F;
	s18 =	spop (v2sf)  }
0x91: {  	vm7 =	vcmask $0x300;
	vm4 =	vcmask $0x2320;
	v8 =	vmul.f32 $9.700000000e+01, v8;
	s17 =	smul.u32 $0x151D07EB, s5;
	s30 =	spop (v2sf)  }
0x92: {  	vm6 =	vcmask $0x3B38;
	v13 =	vadd.s32 $0x1, v6;
	v16 =	vmul.f32 v10, v5;
	s24 =	smulhi.u32 $0x151D07EB, s30;
	s5 =	sshra.s32 s30, $0x1F  }
0x93: {  	vm13 =	vcmask $0x704;
	v17 =	vadd.s32 s9, v13;
	v8 =	vsub.f32 v7, v8;
	s22 =	sshra.s32 s15, $0x1F;
	s14 =	spop (v2sf);
	s25 =	smul.u32 $0x151D07EB, s5  }
0x94: {  	v14 =	vadd.s32 $0x2, v6;
	v21 =	vadd.s32 s8, v11;
	v18 =	vmul.f32 $1.030927800e-02, v16;
	s23 =	spop (v2sf);
	s5 =	smul.u32 $0x151D07EB, s22  }
0x95: {  	v19 =	vsub.f32 v2, v12;
	v7 =	vimm.f32 $0.0e+00;
	vm10 =	vlt.f32 v8, $0.0e+00;
	s4 =	sshra.s32 s14, $0x1F;
	s0 =	smulhi.u32 $0x151D07EB, s23  }
0x96: {  	s11 =	simm.s32 $0x1990;
	v18 =	vtrunc.f32 v18;
	v20 =	vsel vm10, $0x42C20000, v7;
	vm10 =	vgt.s32 v21, $0x0;
	s26 =	spop (v2sf);
	s4 =	smul.u32 $0x151D07EB, s4  }
0x97: {  	s1 =	simm.s32 $0x1980;
	v18 =	vcvt.f32.s32 v18;
	v21 =	vnsel vm10, $0x0, v21;
	vm10 =	vlt.f32 v19, $0.0e+00;
	s23 =	sshra.s32 s23, $0x1F;
	s28 =	smulhi.u32 $0x151D07EB, s26  }
0x98: {  	s10 =	sadd.s32 $0x10, s7;
	s6 =	simm.s32 $0x3300;
	v17 =	vld.idx.msk [tilespmem:v17+s1+$0x0], $0xffff;
	v8 =	vadd.f32 v20, v8;
	v22 =	vmin.u32 v21, $0x82F;
	v21 =	vsel vm10, $0x42C20000, v7;
	s30 =	smul.u32 $0x151D07EB, s23  }
0x99: {  	v20 =	vld [tilespmem:s1+$0x0];
	(v2sf) =	vpush v3, $0xB;
	v19 =	vadd.f32 v21, v19;
	v21 =	vadd.s32 s9, v14;
	s26 =	sshra.s32 s26, $0x1F;
	s9 =	sadd.s32 s5, s16;
	s5 =	smulhi.u32 $0x151D07EB, s14  }
0x9a: {  	vm15 =	vcmask $0xF0C;
	vm12 =	vcmask $0x2724;
	v18 =	vcvt.s32.f32 v18;
	s20 =	spop (v2sf);
	s23 =	sshra.s32 s21, $0x1F;
	s26 =	smul.u32 $0x151D07EB, s26  }
0x9b: {  	v6 =	vmul.u32 $0x2, v6;
	vm11 =	vge.f32 v8, $9.700000000e+01;
	s13 =	sadd.s32 s17, s13;
	(v2sf) =	vpush v3, $0x3;
	s29 =	spop (v2sf);
	s23 =	smul.u32 $0x151D07EB, s23  }
0x9c: {  	v15 =	vld.idx.msk [tilespmem:v15+s2+$0x0], $0xffff;
	v18 =	vmul.f32 $9.700000000e+01, v18;
	v23 =	vsel vm11, $0x42C20000, v7;
	s25 =	sadd.s32 s25, s24;
	(v2sf) =	vpush v3, $0x4;
	s3 =	sshra.s32 s29, $0x1F;
	s29 =	smulhi.u32 $0x151D07EB, s29  }
0x9d: {  	vm3 =	vcmask $0x1310;
	v24 =	vadd.f32 v12, v2;
	v23 =	vsub.f32 v8, v23;
	v8 =	vld [tilespmem:s10+$0x0];
	s31 =	spop (v2sf);
	s30 =	sadd.s32 s30, s0;
	s21 =	smul.u32 $0x151D07EB, s3  }
0x9e: {  	v16 =	vsub.f32 v16, v18;
	v25 =	vor.u32 v20, v17;
	v17 =	vld.idx.msk [tilespmem:v22+s2+$0x0], $0xffff;
	v22 =	vsub.f32 v5, v10;
	s0 =	smulhi.u32 $0x151D07EB, s31;
	s26 =	sadd.s32 s26, s28;
	s28 =	sshra.s32 s18, $0x1F  }
0x9f: {  	(v2sf) =	vpush v3, $0x5;
	v12 =	vsel vm9, v19, v23;
	vm9 =	vge.f32 v24, $9.700000000e+01;
	s24 =	sadd.s32 s4, s5;
	s31 =	sshra.s32 s31, $0x1F;
	s28 =	smul.u32 $0x151D07EB, s28  }
0xa0: {  	vm2 =	vcmask $0x2B28;
	v20 =	vsel vm9, $0x42C20000, v7;
	s19 =	sadd.s32 s23, s19;
	vm9 =	vlt.f32 v22, $0.0e+00;
	s15 =	sadd.s32 s21, s29;
	s29 =	smul.u32 $0x151D07EB, s31  }
0xa1: {  	vm10 =	vlt.f32 v16, $0.0e+00;
	(v2sf) =	vpush v3, $0x6;
	s23 =	sshrl.u32 s13, $0x1F;
	s21 =	sshrl.u32 s25, $0x1F;
	s31 =	smulhi.u32 $0x151D07EB, s18;
	v27 =	vsel vm9, $0x42C20000, v7  }
0xa2: {  	vm1 =	vcmask $0x3330;
	v18 =	vsel vm10, $0x42C20000, v7;
	s25 =	sshra.s32 s25, $0x3;
	v22 =	vadd.f32 v27, v22;
	v27 =	vld [tilespmem:s11+$0x0];
	s11 =	rddreg [dreg:$0x9];
	s18 =	sadd.s32 s29, s0  }
0xa3: {  	v16 =	vadd.f32 v18, v16;
	v23 =	vsub.s32 v8, v15;
	v26 =	vmul.u32 v8, v15;
	s0 =	sshrl.u32 s30, $0x1F;
	s29 =	sshra.s32 s20, $0x1F;
	s30 =	sshra.s32 s30, $0x3  }
0xa4: {  	v23 =	vadd.s32 $0x61, v23;
	s7 =	sadd.s32 s28, s31;
	s28 =	sshra.s32 s15, $0x1F;
	s31 =	smulhi.u32 $0x151D07EB, s20;
	vm9 =	veq.s32 v17, $0x62;
	vm14 =	veq.s32 v17, $0x61  }
0xa5: {  	v19 =	vmov s28;
	s28 =	sshrl.u32 s26, $0x1F;
	s26 =	sshra.s32 s26, $0x3;
	s16 =	sshrl.u32 s7, $0x1F;
	v17 =	vsel vm9, v23, v26;
	v26 =	vadd.s32 s8, v13  }
0xa6: {  	vm0 =	vcmask $0x1B18;
	vm11 =	vcmask $0x1F1C;
	vm10 =	vge.f32 v16, $9.700000000e+01;
	s20 =	sshra.s32 s7, $0x3;
	s17 =	sshra.s32 s7, $0x1F;
	s7 =	sshrl.u32 s19, $0x1F  }
0xa7: {  	v15 =	vadd.s32 v8, v15;
	v18 =	vmov s28;
	s28 =	smul.u32 $0x151D07EB, s29;
	v23 =	vmov s26;
	s26 =	sshrl.u32 s9, $0x1F;
	s29 =	sshrl.u32 s18, $0x1F  }
0xa8: {  	v17 =	vsel vm14, v15, v17;
	s18 =	sshra.s32 s18, $0x3;
	v18 =	vsel vm5, s0, v18;
	v15 =	vsel vm5, s30, v23;
	s0 =	sshra.s32 s24, $0x3;
	s3 =	spop (v2sf)  }
0xa9: {  	v30 =	vmov s7;
	(v2sf) =	vpush v17, $0x9;
	s14 =	sadd.s32 s28, s31;
	v23 =	vsel vm3, s25, v15;
	s28 =	smulhi.u32 $0x151D07EB, s3;
	s3 =	sshra.s32 s3, $0x1F  }
0xaa: {  	v15 =	vsel vm3, s21, v18;
	v18 =	vsub.f32 v24, v20;
	v24 =	vld.idx.msk [tilespmem:v26+s1+$0x0], $0xffff;
	v26 =	vsel vm5, s26, v30;
	s26 =	sshra.s32 s19, $0x3;
	s30 =	spop (v2sf);
	s3 =	smul.u32 $0x151D07EB, s3  }
0xab: {  	v28 =	vsel vm10, $0x42C20000, v7;
	vm10 =	vmmov vm8;
	(v2sf) =	vpush v17, $0x8;
	s25 =	smulhi.u32 $0x151D07EB, s30;
	s4 =	sshra.s32 s30, $0x1F;
	s5 =	spop (v2sf)  }
0xac: {  	vm8 =	vcmask $0x1714;
	v28 =	vsub.f32 v16, v28;
	(v2sf) =	vpush v17, $0xF;
	s30 =	sshra.s32 s13, $0x3;
	s22 =	smul.u32 $0x151D07EB, s4;
	s7 =	sshra.s32 s5, $0x1F  }
0xad: {  	v16 =	vadd.s32 s8, v14;
	v29 =	vsel vm0, s23, v15;
	(v2sf) =	vpush v17, $0x2;
	s21 =	sadd.s32 s3, s28;
	s3 =	sshra.s32 s24, $0x1F;
	s23 =	smul.u32 $0x151D07EB, s7  }
0xae: {  	v20 =	vsel vm9, v22, v28;
	vm9 =	veq.s32 v25, $0x0;
	(v2sf) =	vpush v17, $0xE;
	s28 =	smulhi.u32 $0x151D07EB, s5;
	s5 =	spop (v2sf);
	s7 =	sshrl.u32 s24, $0x1F  }
0xaf: {  	v19 =	vsel vm7, s0, v19;
	v15 =	vimm.s32 $0x0;
	(v2sf) =	vpush v17, $0x0;
	s22 =	sadd.s32 s22, s25;
	s4 =	sshrl.u32 s21, $0x1F;
	s24 =	smulhi.u32 $0x151D07EB, s5  }
0xb0: {  	v22 =	vsel vm3, s29, v26;
	(v2sf) =	vpush v17, $0xD;
	s13 =	sshra.s32 s5, $0x1F;
	v26 =	vmov s7;
	s5 =	spop (v2sf);
	s7 =	sshrl.u32 s14, $0x1F  }
0xb1: {  	v25 =	vsel vm9, $0x1, v15;
	v23 =	vsel vm0, s30, v23;
	(v2sf) =	vpush v17, $0xC;
	s19 =	sadd.s32 s23, s28;
	s28 =	sshra.s32 s9, $0x3;
	s25 =	smul.u32 $0x151D07EB, s13  }
0xb2: {  	(xrf0) =	vadd.scan.msk.s32 $0xffff, v25;
	(v2sf) =	vpush v17, $0x1;
	v25 =	vsel vm13, s3, v19;
	v22 =	vsel vm0, s4, v22;
	s4 =	sshra.s32 s14, $0x3;
	s13 =	rddreg [dreg:$0x8];
	s14 =	sshra.s32 s14, $0x1F  }
0xb3: {  	v19 =	vor.u32 v27, v24;
	v26 =	vnsel vm7, $0x0, v26;
	s3 =	sshra.s32 s5, $0x1F;
	s9 =	simm.s32 $0x3310;
	v24 =	vsel vm5, s4, v25;
	s4 =	sadd.s32 $0x10, s12  }
0xb4: {  	(v2sf) =	vpush v17, $0x7;
	v25 =	vmov s26;
	v26 =	vsel vm5, s7, v26;
	s3 =	smul.u32 $0x151D07EB, s3;
	s7 =	sshrl.u32 s19, $0x1F;
	s26 =	sshrl.u32 s15, $0x1F  }
0xb5: {  	v22 =	vcombine.low v22, v29;
	s12 =	simm.s32 $0x0;
	s24 =	sadd.s32 s25, s24;
	s25 =	smulhi.u32 $0x151D07EB, s5;
	v24 =	vsel vm15, s14, v24;
	v25 =	vsel vm5, s28, v25  }
0xb6: {  	[dreg:$0xa] =	wrdreg s4;
	s5 =	sshrl.u32 s22, $0x1F;
	v26 =	vsel vm3, s16, v26;
	s14 =	sshra.s32 s22, $0x1F;
	v24 =	vsel vm3, s20, v24;
	v25 =	vsel vm3, s18, v25  }
0xb7: {  	s4 =	sshra.s32 s19, $0x1F;
	s20 =	sshra.s32 s21, $0x3;
	s21 =	sshra.s32 s22, $0x3;
	v26 =	vsel vm0, s5, v26;
	v63 =	vld.idx.msk [tilespmem:v21+s1+$0x0], $0xffff;
	v21 =	vsel vm9, $0xFFFFFFFF, v15;
	v24 =	vsel vm8, s17, v24  }
0xb8: {  	s23 =	sshrl.u32 s24, $0x1F;
	s18 =	sshra.s32 s19, $0x3;
	s3 =	sadd.s32 s3, s25;
	v26 =	vsel vm4, s7, v26;
	v25 =	vsel vm0, s20, v25;
	v24 =	vsel vm0, s21, v24  }
0xb9: {  	s7 =	sshra.s32 s24, $0x3;
	vm8 =	vcmask $0x2F2C;
	v21 =	vadd.s32 s2, v21;
	s21 =	sshra.s32 s24, $0x1F;
	v24 =	vsel vm11, s14, v24;
	s22 =	spop (v2sf)  }
0xba: {  	v27, _, _ =	vpop (xrf0);
	s30 =	sshrl.u32 s3, $0x1F;
	v26 =	vsel vm2, s23, v26;
	v23 =	vcombine.low v25, v23;
	s14 =	sshra.s32 s3, $0x3;
	v24 =	vsel vm4, s18, v24;
	s5 =	spop (v2sf)  }
0xbb: {  	v21 =	vadd.s32 v27, v21;
	v26 =	vsel vm1, s30, v26;
	s3 =	sshra.s32 s3, $0x1F;
	s30 =	sshra.s32 s15, $0x3;
	v24 =	vsel vm12, s4, v24;
	s23 =	spop (v2sf)  }
0xbc: {  	(v2sf) =	vpush v27, $0xF;
	vm11 =	vcmask $0x3734;
	s15 =	simm.s32 $0x19A0;
	s16 =	smulhi.u32 $0x151D07EB, s22;
	v24 =	vsel vm2, s7, v24;
	s25 =	spop (v2sf)  }
0xbd: {  	(v2sf) =	vpush v17, $0xA;
	v26 =	vsel vm6, s26, v26;
	s17 =	smulhi.u32 $0x151D07EB, s23;
	s24 =	sshra.s32 s23, $0x1F;
	v24 =	vsel vm8, s21, v24;
	s26 =	spop (v2sf)  }
0xbe: {  	v25 =	vperm.xlane v26, v6;
	v26 =	vperm.xlane v22, v4;
	s23 =	sshra.s32 s22, $0x1F;
	s18 =	smul.u32 $0x151D07EB, s24;
	v24 =	vsel vm1, s14, v24;
	s20 =	spop (v2sf)  }
0xbf: {  	(v2sf) =	vpush v17, $0xB;
	vm12 =	veq.s32 v63, $0x0;
	s22 =	sshra.s32 s5, $0x1F;
	s21 =	smulhi.u32 $0x151D07EB, s5;
	v22 =	vsel vm11, s3, v24;
	s31 =	spop (v2sf)  }
0xc0: {  	vm8 =	vmmov vm11;
	s28 =	smulhi.u32 $0x151D07EB, s26;
	s0 =	sshra.s32 s26, $0x1F;
	vm11 =	vmmov $0xff;
	v24 =	vsel vm6, s30, v22;
	s26 =	spop (v2sf)  }
0xc1: {  	s29 =	smul.u32 $0x151D07EB, s0;
	v22 =	vperm.xlane v23, v4;
	v23 =	vsel vm11, v25, v26;
	v24 =	vperm.xlane v24, v6;
	s19 =	sshra.s32 s26, $0x1F;
	s24 =	spop (v2sf)  }
.LBB2_7:
0xc2: {  	_ = 	snop  }
0xc3: {  	s14 =	sadd.s32 $0x10, s8;
	v10 =	vadd.f32 v10, v5  }
0xc4: {  	v18 =	vsel vm10, v18, v12;
	v12 =	vmovc v20;
	v22 =	vsel vm11, v24, v22;
	v20 =	vadd.s32 s14, v9  }
0xc5: {  	s30 =	smulhi.u32 $0x151D07EB, s26;
	v24 =	vadd.s32 s14, v11;
	v22 =	vadd.s32 v23, v22;
	vm10 =	vgt.s32 v20, $0x0  }
0xc6: {  	s26 =	sshra.s32 s20, $0x1F;
	s0 =	smulhi.u32 $0x151D07EB, s31;
	s3 =	sshra.s32 s31, $0x1F;
	vm13 =	vgt.s32 v24, $0x0;
	v22 =	vmul.u32 $0x61, v22;
	v20 =	vnsel vm10, $0x0, v20  }
0xc7: {  	s1 =	sshra.s32 s25, $0x1F;
	s2 =	rddreg [dreg:$0x7];
	s7 =	sshra.s32 s24, $0x1F;
	v23 =	vnsel vm13, $0x0, v24;
	v24 =	vsel vm12, v2, v18;
	v2 =	vmovc v5;
	v5 =	vmin.u32 v20, $0x82F  }
0xc8: {  	s10 =	sadd.s32 $0x10, s10;
	s3 =	smul.u32 $0x151D07EB, s3;
	s29 =	sadd.s32 s29, s28;
	v18 =	vsub.s32 v3, v22  }
0xc9: {  	[tilespmem:s6+$0x0] =	vst v21;
	s1 =	smul.u32 $0x151D07EB, s1;
	p0 =	slt.u32 s14, $0x7F0;
	s28 =	sshrl.u32 s29, $0x1F;
	v18 =	vsel vm12, v1, v18  }
0xca: {  	s0 =	sadd.s32 s3, s0;
	s3 =	smulhi.u32 $0x151D07EB, s25;
	vm10 =	vge.f32 v10, $9.700000000e+01;
	[tilespmem:v21+s13+$0x0] =	vst.idx.msk vm9, v18;
	s13 =	simm.s32 $0x1980  }
0xcb: {  	s29 =	sshra.s32 s29, $0x3;
	v20 =	vmin.u32 v23, $0x82F;
	s25 =	sshrl.u32 s0, $0x1F;
	v22 =	vsel vm10, $0x42C20000, v7;
	v23 =	vld.idx.msk [tilespmem:v16+s13+$0x0], $0xffff;
	[tilespmem:v21+s11+$0x0] =	vst.idx.msk vm9, v24;
	s11 =	smul.u32 $0x151D07EB, s19  }
0xcc: {  	s0 =	sshra.s32 s0, $0x3;
	v18 =	vsub.f32 v10, v22;
	v10 =	vld.idx.msk [tilespmem:v5+s2+$0x0], $0xffff;
	s2 =	smulhi.u32 $0x151D07EB, s24;
	s31 =	spop (v2sf)  }
0xcd: {  	v3 =	vmov v17;
	s4 =	sshra.s32 s31, $0x1F;
	s31 =	smulhi.u32 $0x151D07EB, s31;
	s8 =	spop (v2sf)  }
0xce: {  	s1 =	sadd.s32 s1, s3;
	v1 =	vmov v8;
	v8 =	vadd.s32 s14, v14;
	s4 =	smul.u32 $0x151D07EB, s4;
	s5 =	spop (v2sf);
	(v2sf) =	vpush v3, $0x3  }
0xcf: {  	v17 =	vadd.s32 s14, v13;
	v16 =	vmov v8;
	v8 =	vld [tilespmem:s10+$0x0];
	s12 =	sadd.s32 s12, s8;
	s8 =	smov.u32 s17;
	s17 =	smov.u32 s16  }
0xd0: {  	v27 =	vld [tilespmem:s15+$0x0];
	s16 =	simm.s32 $0x0;
	s6 =	smulhi.u32 $0x151D07EB, s5;
	(v2sf) =	vpush v3, $0x4;
	s5 =	sshra.s32 s5, $0x1F  }
0xd1: {  	vm9 =	veq.s32 v19, $0x0;
	s15 =	sadd.s32 $0x10, s15;
	v21 =	vld.idx.msk [tilespmem:v5+s16+$0x0], $0xffff;
	s3 =	spop (v2sf);
	s5 =	smul.u32 $0x151D07EB, s5  }
0xd2: {  	v29 =	vsel vm9, $0x1, v15;
	v62 =	vsel vm9, $0xFFFFFFFF, v15;
	v20 =	vld.idx.msk [tilespmem:v20+s16+$0x0], $0xffff;
	s19 =	sadd.s32 s4, s31;
	(v2sf) =	vpush v3, $0x5;
	s4 =	sadd.s32 s11, s30;
	s11 =	smul.u32 $0x151D07EB, s23  }
0xd3: {  	vm10 =	vmmov vm14;
	(xrf0) =	vadd.scan.msk.s32 $0xffff, v29;
	vm12 =	veq.s32 v23, $0x0;
	v29 =	vadd.s32 s12, v62;
	s23 =	sshrl.u32 s1, $0x1F;
	s30 =	sshrl.u32 s4, $0x1F;
	s4 =	sshra.s32 s4, $0x3  }
0xd4: {  	v22 =	vld.idx.msk [tilespmem:v17+s13+$0x0], $0xffff;
	s16 =	sshra.s32 s19, $0x1F;
	(v2sf) =	vpush v3, $0x6;
	s13 =	sadd.s32 s5, s6;
	v17 =	vmov s30;
	v25 =	vmov s4;
	s30 =	rddreg [dreg:$0xa]  }
0xd5: {  	v24 =	vmov s16;
	s6 =	smul.u32 $0x151D07EB, s22;
	s22 =	sshra.s32 s1, $0x3;
	s24 =	sadd.s32 s11, s17;
	v5 =	vld [tilespmem:s30+$0x0];
	v17 =	vsel vm5, s25, v17;
	v25 =	vsel vm5, s0, v25  }
0xd6: {  	s5 =	smul.u32 $0x151D07EB, s7;
	s16 =	sshra.s32 s1, $0x1F;
	s25 =	sadd.s32 s18, s8;
	v23 =	vsel vm3, s29, v25;
	v25 =	vsub.s32 v8, v21;
	v26 =	vmul.u32 v8, v21  }
0xd7: {  	s11 =	smulhi.u32 $0x151D07EB, s3;
	v17 =	vsel vm3, s28, v17;
	s1 =	sadd.s32 s6, s21;
	vm13 =	veq.s32 v20, $0x62;
	s21 =	sshrl.u32 s25, $0x1F;
	vm14 =	veq.s32 v20, $0x61  }
0xd8: {  	s6 =	smul.u32 $0x151D07EB, s26;
	s25 =	sshra.s32 s25, $0x3;
	v25 =	vadd.s32 $0x61, v25;
	v20 =	vsel vm0, s21, v17;
	s7 =	sshrl.u32 s1, $0x1F;
	v17 =	vadd.s32 v8, v21  }
0xd9: {  	s3 =	sshra.s32 s3, $0x1F;
	s18 =	sshrl.u32 s24, $0x1F;
	s26 =	smulhi.u32 $0x151D07EB, s20;
	v23 =	vsel vm0, s25, v23;
	v19 =	vsel vm13, v25, v26;
	v25 =	vmov s7  }
0xda: {  	s30 =	sadd.s32 $0x10, s30;
	s17 =	sadd.s32 s5, s2;
	s21 =	sshrl.u32 s13, $0x1F;
	v17 =	vsel vm14, v17, v19;
	v19 =	vsel vm5, s18, v25;
	v21 =	vmul.f32 v10, v5  }
0xdb: {  	s20 =	smul.u32 $0x151D07EB, s3;
	s1 =	sshra.s32 s1, $0x3;
	s3 =	sadd.s32 s6, s26;
	v26 =	vsub.f32 v5, v10;
	(v2sf) =	vpush v17, $0x9;
	v28 =	vsel vm3, s21, v19  }
0xdc: {  	s5 =	sshra.s32 s3, $0x3;
	s0 =	sshra.s32 s3, $0x1F;
	s3 =	sshrl.u32 s3, $0x1F;
	v19 =	vor.u32 v27, v22;
	v27 =	vmov s1;
	v25 =	vmul.f32 $1.030927800e-02, v21  }
0xdd: {  	[dreg:$0xa] =	wrdreg s30;
	s18 =	sadd.s32 s20, s11;
	v60 =	vmov s3;
	v24 =	vsel vm7, s5, v24;
	(v2sf) =	vpush v17, $0x8;
	s26 =	spop (v2sf)  }
0xde: {  	s2 =	sshrl.u32 s18, $0x1F;
	vm15 =	vlt.f32 v26, $0.0e+00;
	v22 =	vtrunc.f32 v25;
	(v2sf) =	vpush v17, $0xF;
	s7 =	smulhi.u32 $0x151D07EB, s26;
	s4 =	sshra.s32 s26, $0x1F  }
0xdf: {  	s8 =	smov.u32 s14;
	v25 =	vsel vm0, s2, v28;
	v28 =	vnsel vm7, $0x0, v60;
	s14 =	spop (v2sf);
	(v2sf) =	vpush v17, $0x2;
	s4 =	smul.u32 $0x151D07EB, s4  }
0xe0: {  	s25 =	sshra.s32 s17, $0x3;
	v22 =	vcvt.f32.s32 v22;
	v20 =	vcombine.low v25, v20;
	s21 =	sshra.s32 s14, $0x1F;
	(v2sf) =	vpush v17, $0xE;
	s14 =	smulhi.u32 $0x151D07EB, s14  }
0xe1: {  	s6 =	smov.u32 s9;
	v25 =	vsel vm15, $0x42C20000, v7;
	vm15 =	vcmask $0x704;
	s26 =	spop (v2sf);
	s20 =	smul.u32 $0x151D07EB, s21;
	(v2sf) =	vpush v17, $0x0  }
0xe2: {  	s9 =	sadd.s32 $0x10, s9;
	s11 =	rddreg [dreg:$0x9];
	v24 =	vsel vm15, s0, v24;
	v22 =	vcvt.s32.f32 v22;
	s3 =	smulhi.u32 $0x151D07EB, s26;
	(v2sf) =	vpush v17, $0xD  }
0xe3: {  	vm15 =	vcmask $0xF0C;
	v25 =	vadd.f32 v25, v26;
	s1 =	sshra.s32 s26, $0x1F;
	s21 =	sshra.s32 s24, $0x3;
	s24 =	sshra.s32 s13, $0x3;
	(v2sf) =	vpush v17, $0xC  }
0xe4: {  	s26 =	spop (v2sf);
	s2 =	sadd.s32 s4, s7;
	s1 =	smul.u32 $0x151D07EB, s1;
	v27 =	vsel vm5, s21, v27;
	v22 =	vmul.f32 $9.700000000e+01, v22;
	(v2sf) =	vpush v17, $0x1  }
0xe5: {  	v24 =	vsel vm5, s25, v24;
	v63 =	vperm.xlane v20, v4;
	s4 =	sadd.s32 s20, s14;
	v27 =	vsel vm3, s24, v27;
	s14 =	sshrl.u32 s17, $0x1F;
	s17 =	sshra.s32 s17, $0x1F  }
0xe6: {  	s13 =	rddreg [dreg:$0x8];
	s5 =	sshra.s32 s26, $0x1F;
	s20 =	smulhi.u32 $0x151D07EB, s26;
	v28 =	vsel vm5, s14, v28;
	v24 =	vsel vm15, s17, v24;
	v21 =	vsub.f32 v21, v22  }
0xe7: {  	s21 =	sshrl.u32 s2, $0x1F;
	s5 =	smul.u32 $0x151D07EB, s5;
	s24 =	sshra.s32 s2, $0x3;
	vm15 =	vcmask $0x1714;
	v22 =	vsel vm3, s23, v28;
	v24 =	vsel vm3, s22, v24  }
0xe8: {  	s2 =	sshra.s32 s2, $0x1F;
	s1 =	sadd.s32 s1, s3;
	(v2sf) =	vpush v17, $0x7;
	s22 =	sshrl.u32 s4, $0x1F;
	v22 =	vsel vm0, s21, v22;
	v24 =	vsel vm15, s16, v24  }
0xe9: {  	s3 =	sshra.s32 s4, $0x3;
	s23 =	sshra.s32 s18, $0x3;
	s25 =	sshrl.u32 s1, $0x1F;
	vm15 =	vcmask $0x1F1C;
	v22 =	vsel vm4, s22, v22;
	v24 =	vsel vm0, s24, v24  }
0xea: {  	s18 =	sshrl.u32 s19, $0x1F;
	s26 =	sadd.s32 s5, s20;
	s5 =	sshra.s32 s1, $0x1F;
	v22 =	vsel vm2, s25, v22;
	v24 =	vsel vm15, s2, v24;
	vm15 =	vlt.f32 v21, $0.0e+00  }
0xeb: {  	s4 =	sshra.s32 s4, $0x1F;
	s30 =	sshrl.u32 s26, $0x1F;
	s21 =	spop (v2sf);
	v24 =	vsel vm4, s3, v24;
	v61 =	vsel vm15, $0x42C20000, v7;
	vm15 =	vcmask $0x2724  }
0xec: {  	s1 =	sshra.s32 s1, $0x3;
	v26 =	vsel vm0, s23, v27;
	s0 =	sshra.s32 s26, $0x1F;
	s14 =	spop (v2sf);
	v22 =	vsel vm1, s30, v22;
	v24 =	vsel vm15, s4, v24  }
0xed: {  	s22 =	sshra.s32 s26, $0x3;
	s16 =	smulhi.u32 $0x151D07EB, s21;
	v21 =	vadd.f32 v61, v21;
	vm15 =	vcmask $0x2F2C;
	v24 =	vsel vm2, s1, v24;
	s23 =	spop (v2sf)  }
0xee: {  	v23 =	vcombine.low v26, v23;
	s30 =	sshra.s32 s19, $0x3;
	v22 =	vsel vm6, s18, v22;
	v24 =	vsel vm15, s5, v24;
	s17 =	smulhi.u32 $0x151D07EB, s23;
	s25 =	spop (v2sf)  }
.Ltmp3:
0xef: {  	v27, _, _ =	vpop (xrf0);
	v26 =	vperm.xlane v22, v6;
	vm15 =	vge.f32 v21, $9.700000000e+01;
	v22 =	vsel vm1, s22, v24;
	s24 =	sshra.s32 s23, $0x1F;
	s26 =	spop (v2sf);
	(pc) =	sbr.rel @p0 .LBB2_7-.Ltmp3, $4  }
0xf0: {  	(v2sf) =	vpush v27, $0xF;
	v24 =	vsel vm15, $0x42C20000, v7;
	v20 =	vsel vm8, s0, v22;
	s23 =	sshra.s32 s21, $0x1F;
	s21 =	smulhi.u32 $0x151D07EB, s14;
	s20 =	spop (v2sf)  }
0xf1: {  	(v2sf) =	vpush v17, $0xA;
	s22 =	sshra.s32 s14, $0x1F;
	v21 =	vsub.f32 v21, v24;
	s18 =	smul.u32 $0x151D07EB, s24;
	v20 =	vsel vm6, s30, v20;
	s31 =	spop (v2sf)  }
0xf2: {  	v22 =	vperm.xlane v23, v4;
	v23 =	vsel vm11, v26, v63;
	s28 =	smulhi.u32 $0x151D07EB, s26;
	s1 =	sshra.s32 s26, $0x1F;
	v24 =	vperm.xlane v20, v6;
	s26 =	spop (v2sf)  }
0xf3: {  	v20 =	vsel vm13, v25, v21;
	v21 =	vadd.s32 v27, v29;
	s29 =	smul.u32 $0x151D07EB, s1;
	(v2sf) =	vpush v17, $0xB;
	s19 =	sshra.s32 s26, $0x1F;
	s24 =	spop (v2sf)  }
0xf4: {  	_ = 	snop  }
0xf5: {  	s0 =	smulhi.u32 $0x151D07EB, s26  }
0xf6: {  	s1 =	smulhi.u32 $0x151D07EB, s31  }
0xf7: {  	s14 =	smulhi.u32 $0x151D07EB, s25  }
0xf8: {  	s10 =	smul.u32 $0x151D07EB, s19;
	s3 =	spop (v2sf);
	(v2sf) =	vpush v17, $0x3  }
0xf9: {  	s23 =	smul.u32 $0x151D07EB, s23  }
0xfa: {  	s2 =	sshra.s32 s31, $0x1F;
	s26 =	smulhi.u32 $0x151D07EB, s24;
	(v2sf) =	vpush v17, $0x4  }
0xfb: {  	s5 =	sshra.s32 s25, $0x1F;
	s2 =	smul.u32 $0x151D07EB, s2  }
0xfc: {  	s5 =	smul.u32 $0x151D07EB, s5  }
0xfd: {  	s30 =	sshra.s32 s20, $0x1F;
	s25 =	sadd.s32 s29, s28;
	s29 =	smul.u32 $0x151D07EB, s22  }
0xfe: {  	s22 =	smul.u32 $0x151D07EB, s30  }
0xff: {  	s4 =	smulhi.u32 $0x151D07EB, s3;
	s3 =	sshra.s32 s3, $0x1F;
	s7 =	spop (v2sf)  }
0x100: {  	s17 =	sadd.s32 s18, s17;
	s3 =	smul.u32 $0x151D07EB, s3;
	(v2sf) =	vpush v17, $0x5;
	s8 =	spop (v2sf)  }
0x101: {  	s28 =	sshra.s32 s24, $0x1F;
	s15 =	smulhi.u32 $0x151D07EB, s8;
	s8 =	sshra.s32 s8, $0x1F  }
0x102: {  	s0 =	sadd.s32 s10, s0;
	s1 =	sadd.s32 s2, s1;
	s31 =	smul.u32 $0x151D07EB, s8  }
0x103: {  	(v2sf) =	vpush v17, $0x6;
	s8 =	sadd.s32 s3, s4;
	s3 =	smul.u32 $0x151D07EB, s28;
	s4 =	sadd.s32 s29, s21  }
0x104: {  	s21 =	sshra.s32 s25, $0x3;
	s10 =	sadd.s32 s31, s15;
	s31 =	spop (v2sf)  }
0x105: {  	s15 =	sadd.s32 s5, s14;
	s14 =	sadd.s32 s23, s16;
	s16 =	smulhi.u32 $0x151D07EB, s20  }
0x106: {  	s2 =	sadd.s32 s3, s26;
	s20 =	smulhi.u32 $0x151D07EB, s31;
	s28 =	sshra.s32 s31, $0x1F  }
0x107: {  	s18 =	smul.u32 $0x151D07EB, s28;
	s29 =	spop (v2sf);
	s5 =	sadd.s32 s22, s16  }
0x108: {  	s22 =	sshrl.u32 s25, $0x1F;
	s28 =	sshrl.u32 s1, $0x1F;
	s1 =	sshra.s32 s1, $0x3  }
0x109: {  	s30 =	smulhi.u32 $0x151D07EB, s29;
	s19 =	sshra.s32 s29, $0x1F;
	s31 =	spop (v2sf)  }
0x10a: {  	vm13 =	vcmask $0x704;
	s25 =	sshrl.u32 s17, $0x1F;
	s23 =	smul.u32 $0x151D07EB, s19;
	s24 =	sshra.s32 s31, $0x1F  }
0x10b: {  	vm15 =	veq.s32 v19, $0x0;
	v26 =	vimm.s32 $0x0;
	v22 =	vsel vm11, v24, v22;
	s16 =	sadd.s32 s18, s20;
	s29 =	smulhi.u32 $0x151D07EB, s31;
	s31 =	sshrl.u32 s0, $0x1F  }
0x10c: {  	v12 =	vsel vm10, v18, v12;
	v19 =	vsel vm15, $0x1, v15;
	s0 =	sshra.s32 s0, $0x3;
	s26 =	smul.u32 $0x151D07EB, s24;
	v11 =	vmov s31;
	s19 =	sadd.s32 s23, s30  }
0x10d: {  	v22 =	vadd.s32 v23, v22;
	v13 =	vmov s0;
	s30 =	sshra.s32 s8, $0x1F;
	s23 =	sshra.s32 s15, $0x3;
	v11 =	vsel vm5, s28, v11;
	s28 =	sshrl.u32 s14, $0x1F  }
0x10e: {  	v22 =	vmul.u32 $0x61, v22;
	v13 =	vsel vm5, s1, v13;
	s18 =	sadd.s32 s26, s29;
	v9 =	vmov s30;
	s26 =	sshrl.u32 s4, $0x1F;
	s30 =	sshra.s32 s5, $0x3  }
0x10f: {  	s29 =	sshra.s32 s5, $0x1F;
	v13 =	vsel vm3, s21, v13;
	v11 =	vsel vm3, s22, v11;
	s22 =	sshra.s32 s15, $0x1F;
	v9 =	vsel vm7, s30, v9;
	s31 =	spop (v2sf)  }
0x110: {  	s5 =	sshrl.u32 s5, $0x1F;
	v14 =	vmov s26;
	s26 =	sshra.s32 s2, $0x3;
	v11 =	vsel vm0, s25, v11;
	v9 =	vsel vm13, s29, v9;
	s30 =	sshra.s32 s31, $0x1F  }
0x111: {  	s4 =	sshra.s32 s4, $0x3;
	v14 =	vsel vm5, s28, v14;
	vm13 =	vcmask $0xF0C;
	v9 =	vsel vm5, s26, v9;
	s28 =	smul.u32 $0x151D07EB, s30;
	s30 =	sshra.s32 s2, $0x1F  }
0x112: {  	v25 =	vmov s5;
	v54 =	vmov s4;
	s24 =	smulhi.u32 $0x151D07EB, s31;
	s31 =	sshrl.u32 s10, $0x1F;
	s29 =	spop (v2sf);
	v9 =	vsel vm13, s30, v9  }
0x113: {  	s26 =	sshra.s32 s17, $0x3;
	v14 =	vsel vm3, s31, v14;
	s31 =	sshrl.u32 s16, $0x1F;
	s21 =	smulhi.u32 $0x151D07EB, s29;
	vm13 =	vcmask $0x1714;
	v9 =	vsel vm3, s23, v9  }
0x114: {  	v25 =	vnsel vm7, $0x0, v25;
	v13 =	vsel vm0, s26, v13;
	s1 =	sshra.s32 s29, $0x1F;
	s2 =	sshrl.u32 s2, $0x1F;
	s23 =	sshra.s32 s19, $0x3;
	v9 =	vsel vm13, s22, v9  }
0x115: {  	s29 =	sshra.s32 s14, $0x3;
	v14 =	vsel vm0, s31, v14;
	s0 =	sadd.s32 s28, s24;
	s24 =	sshra.s32 s19, $0x1F;
	vm13 =	vcmask $0x1F1C;
	v9 =	vsel vm0, s23, v9  }
0x116: {  	s25 =	sshrl.u32 s15, $0x1F;
	s5 =	sshra.s32 s10, $0x3;
	v25 =	vsel vm5, s2, v25;
	v56 =	vsel vm5, s29, v54;
	s28 =	sshra.s32 s18, $0x3;
	v9 =	vsel vm13, s24, v9  }
0x117: {  	s15 =	sshra.s32 s16, $0x3;
	s1 =	smul.u32 $0x151D07EB, s1;
	s31 =	sshra.s32 s18, $0x1F;
	v55 =	vsel vm3, s25, v25;
	vm13 =	vcmask $0x2724;
	v9 =	vsel vm4, s28, v9  }
0x118: {  	s10 =	sshrl.u32 s18, $0x1F;
	s30 =	sshrl.u32 s19, $0x1F;
	v25 =	vsel vm3, s5, v56;
	v11 =	vcombine.low v14, v11;
	s14 =	sshra.s32 s0, $0x3;
	v9 =	vsel vm13, s31, v9  }
0x119: {  	(xrf0) =	vadd.scan.msk.s32 $0xffff, v19;
	s1 =	sadd.s32 s1, s21;
	v19 =	vsel vm0, s30, v55;
	s16 =	sshrl.u32 s0, $0x1F;
	s0 =	sshra.s32 s0, $0x1F;
	vm13 =	vcmask $0x2F2C;
	v9 =	vsel vm2, s14, v9  }
0x11a: {  	v25 =	vsel vm0, s15, v25;
	v19 =	vsel vm4, s10, v19;
	s18 =	sshra.s32 s1, $0x3;
	v9 =	vsel vm13, s0, v9  }
0x11b: {  	s17 =	sshrl.u32 s1, $0x1F;
	s1 =	sshra.s32 s1, $0x1F;
	v13 =	vcombine.low v25, v13;
	v19 =	vsel vm2, s16, v19;
	v9 =	vsel vm1, s18, v9  }
0x11c: {  	s20 =	sshra.s32 s8, $0x3;
	s19 =	sshrl.u32 s8, $0x1F;
	v11 =	vperm.xlane v11, v4;
	v19 =	vsel vm1, s17, v19;
	v9 =	vsel vm8, s1, v9  }
0x11d: {  	v60 =	vperm.xlane v13, v4;
	v19 =	vsel vm6, s19, v19;
	v9 =	vsel vm6, s20, v9  }
0x11e: {  	v26 =	vsel vm15, $0xFFFFFFFF, v26;
	v58 =	vperm.xlane v19, v6;
	v61 =	vperm.xlane v9, v6  }
0x11f: {  	v59 =	vsel vm15, $0xFFFFFFFF, v15;
	v2 =	vsel vm12, v2, v12;
	[tilespmem:$0x1FFF0] =	vst v26;
	v3 =	vsub.s32 v3, v22  }
0x120: {  	[tilespmem:s6+$0x0] =	vst v21;
	v1 =	vsel vm12, v1, v3;
	v57, _, _ =	vpop (xrf0);
	s21 =	sadd.s32 s12, s7;
	v11 =	vsel vm11, v58, v11;
	v4 =	vsel vm11, v61, v60  }
0x121: {  	[tilespmem:v21+s13+$0x0] =	vst.idx.msk vm9, v1;
	(v2sf) =	vpush v57, $0xF;
	v62 =	vadd.s32 s21, v59;
	v4 =	vadd.s32 v11, v4  }
0x122: {  	[tilespmem:v21+s11+$0x0] =	vst.idx.msk vm9, v2;
	s25 =	rddreg [dreg:$0x9];
	s23 =	simm.s32 $0x1980;
	v9 =	vadd.s32 v57, v62;
	v3 =	vmul.u32 $0x61, v4  }
0x123: {  	v10 =	vadd.f32 v10, v5;
	v63 =	vld.idx.msk [tilespmem:v16+s23+$0x0], $0xffff;
	s24 =	rddreg [dreg:$0x8];
	[tilespmem:s9+$0x0] =	vst v9  }
0x124: {  	v2 =	vsub.s32 v17, v3;
	v3 =	vld [tilespmem:$0x1FFF0]  }
0x125: {  	vm10 =	vge.f32 v10, $9.700000000e+01  }
0x126: {  	v7 =	vsel vm10, $0x42C20000, v7;
	s22 =	stileid.u32  }
0x127: {  	vm15 =	vmxor vm15, vm15;
	vm10 =	vlt.u32 v0, $0x800;
	v1 =	vsub.f32 v10, v7;
	p0 =	seq.s32 s22, $0xF  }
0x128: {  	vm9 =	vmmov vm14;
	vm15 =	vmneg @p0 vm15;
	vm13 =	veq.s32 v0, $0x800  }
0x129: {  	v1 =	vsel vm9, v1, v20;
	vm15 =	vmand vm15, vm13;
	vm9 =	vnez.u8 v3  }
0x12a: {  	vm15 =	vmor vm10, vm15;
	vm10 =	vgt.s32 v0, $0x0  }
0x12b: {  	v0 =	vnsel vm10, $0x0, v0  }
0x12c: {  	v0 =	vmin.u32 v0, $0x7FF  }
0x12d: {  	vm10 =	veq.s32 v63, $0x0  }
0x12e: {  	v2 =	vsel vm10, v8, v2  }
0x12f: {  	v1 =	vsel vm10, v5, v1;
	[tilespmem:v9+s24+$0x0] =	vst.idx.msk vm9, v2  }
0x130: {  	s26 =	simm.s32 $0x3300;
	s29 =	simm.s32 $0x2;
	s28 =	spop (v2sf);
	[tilespmem:v9+s25+$0x0] =	vst.idx.msk vm9, v1  }
0x131: {  	v0 =	vld.idx.msk [tilespmem:v0+s26+$0x0], vm15;
	_ =	swait.ge [sflag:s29], $0x800  }
0x132: {  	[sflag:s29] =	ssyncset.done $0x0  }
0x133: {  	[sflag:s29] =	ssyncadd.s32 $0xFFFFF800  }
0x134: {  	_ =	swait.ge [sflag:s29], $0x800  }
0x135: {  	[sflag:s29] =	ssyncset.done $0x0  }
0x136: {  	[sflag:s29] =	ssyncadd.s32 $0xFFFFF800  }
0x137: {  	s30 =	simm.s32 $0x4;
	[bflag:$0x0] =	sbarrier.arrive $0xFFFF  }
0x138: {  	s5 =	sadd.s32 s21, s28;
	s31 =	sadd.s32 $0x2, s22;
	[sflag:s30] =	ssyncset.done $0x0  }
0x139: {  	p0 =	sne.s32 s22, $0x0;
	[smem:s31], [sflag:$0x4] =	smem.add.s32 s5  }
.Ltmp4:
0x13a: {  	_ =	swait.done [sflag:s30];
	(pc) =	sbr.rel @p0 .LBB2_10-.Ltmp4, $4  }
0x13b: {  	[sflag:s30] =	ssyncset.s32 $0x0  }
0x13c: {  	[sflag:s30] =	ssyncset.done $0x0  }
0x13d: {  	v0 =	vnsel vm15, $0x0, v0;
	[bflag:$0x0] =	sbarrier.arrive $0xFFFF  }
0x13e: {  	v0 =	vsel vm13, s5, v0  }
0x13f: {  	s0 =	sld [smem:$0x11]  }
0x140: {  	s1 =	sld [smem:$0x2]  }
0x141: {  	s2 =	sld [smem:$0x3]  }
0x142: {  	s3 =	sld [smem:$0x4];
	v1 =	vmov s0  }
0x143: {  	s24 =	sld [smem:$0x5];
	v1 =	vsel vm7, s1, v1;
	vm7 =	vcmask $0x704  }
0x144: {  	s25 =	sld [smem:$0x6];
	v1 =	vsel vm7, s2, v1  }
0x145: {  	s26 =	sld [smem:$0x7];
	v1 =	vsel vm5, s3, v1;
	vm5 =	vcmask $0xF0C  }
0x146: {  	s28 =	sld [smem:$0x8];
	v1 =	vsel vm5, s24, v1  }
0x147: {  	s29 =	sld [smem:$0x9];
	vm7 =	vcmask $0x1714;
	v1 =	vsel vm3, s25, v1  }
0x148: {  	s30 =	sld [smem:$0xA];
	v1 =	vsel vm7, s26, v1  }
0x149: {  	s31 =	sld [smem:$0xB];
	vm7 =	vcmask $0x1F1C;
	v1 =	vsel vm0, s28, v1  }
0x14a: {  	s4 =	sld [smem:$0xC];
	v1 =	vsel vm7, s29, v1  }
0x14b: {  	s6 =	sld [smem:$0xD];
	vm5 =	vcmask $0x2724;
	v1 =	vsel vm4, s30, v1  }
0x14c: {  	s7 =	sld [smem:$0xE];
	v1 =	vsel vm5, s31, v1  }
0x14d: {  	s8 =	sld [smem:$0xF];
	vm7 =	vcmask $0x2F2C;
	v1 =	vsel vm2, s4, v1  }
0x14e: {  	s9 =	sld [smem:$0x10];
	v1 =	vsel vm7, s6, v1  }
0x14f: {  	v1 =	vsel vm1, s7, v1  }
0x150: {  	v1 =	vsel vm8, s8, v1  }
0x151: {  	v1 =	vsel vm6, s9, v1  }
0x152: {  	(xrf0) =	vadd.scan.msk.s32 $0xffff, v1;
	_ =	sdelay $0x5  }
0x153: {  	v2, _, _ =	vpop (xrf0)  }
0x154: {  	vm4 =	vmmov $0x1;
	v1 =	vsub.s32 v2, v1  }
0x155: {  	v2 =	vnsel vm4, $0x0, v1  }
0x156: {  	(xrf0) =	vadd.scan.msk.s32 $0xffff, v2;
	_ =	sdelay $0x5  }
0x157: {  	v2, _, _ =	vpop (xrf0)  }
0x158: {  	(v2sf) =	vpush v2, $0xF;
	_ =	sdelay $0xd  }
0x159: {  	s10 =	simm.s32 $0x5  }
0x15a: {  	s12 =	simm.s32 $0x0;
	[sflag:s10] =	ssyncset.done $0x0;
	s11 =	spop (v2sf)  }
0x15b: {  	vm5 =	vcmask $0x308;
	[smem:s12], [sflag:$0x5] =	smem.add.s32 s11  }
0x15c: {  	v2 =	vsel vm5, $0x0, v1;
	_ =	swait.done [sflag:s10]  }
0x15d: {  	(xrf0) =	vadd.scan.msk.s32 $0xffff, v2;
	_ =	sdelay $0x5  }
0x15e: {  	v2, _, _ =	vpop (xrf0)  }
0x15f: {  	(v2sf) =	vpush v2, $0xF;
	_ =	sdelay $0xc  }
0x160: {  	[sflag:s10] =	ssyncset.s32 $0x0  }
0x161: {  	s13 =	simm.s32 $0x6;
	[sflag:s10] =	ssyncset.done $0x0  }
0x162: {  	s15 =	simm.s32 $0x10000;
	[sflag:s13] =	ssyncset.done $0x0;
	s14 =	spop (v2sf)  }
0x163: {  	vm6 =	vcmask $0x70C;
	[smem:s15], [sflag:$0x6] =	smem.add.s32 s14  }
0x164: {  	v2 =	vsel vm6, $0x0, v1;
	_ =	swait.done [sflag:s13]  }
0x165: {  	(xrf0) =	vadd.scan.msk.s32 $0xffff, v2;
	_ =	sdelay $0x5  }
0x166: {  	v2, _, _ =	vpop (xrf0)  }
0x167: {  	(v2sf) =	vpush v2, $0xF;
	_ =	sdelay $0xc  }
0x168: {  	[sflag:s13] =	ssyncset.s32 $0x0  }
0x169: {  	s16 =	simm.s32 $0x7;
	[sflag:s13] =	ssyncset.done $0x0  }
0x16a: {  	s18 =	simm.s32 $0x20000;
	[sflag:s16] =	ssyncset.done $0x0;
	s17 =	spop (v2sf)  }
0x16b: {  	vm7 =	vcmask $0xB10;
	[smem:s18], [sflag:$0x7] =	smem.add.s32 s17  }
0x16c: {  	v2 =	vsel vm7, $0x0, v1;
	_ =	swait.done [sflag:s16]  }
0x16d: {  	(xrf0) =	vadd.scan.msk.s32 $0xffff, v2;
	_ =	sdelay $0x5  }
0x16e: {  	v2, _, _ =	vpop (xrf0)  }
0x16f: {  	(v2sf) =	vpush v2, $0xF;
	_ =	sdelay $0xc  }
0x170: {  	[sflag:s16] =	ssyncset.s32 $0x0  }
0x171: {  	s19 =	simm.s32 $0x8;
	[sflag:s16] =	ssyncset.done $0x0  }
0x172: {  	s21 =	simm.s32 $0x30000;
	[sflag:s19] =	ssyncset.done $0x0;
	s20 =	spop (v2sf)  }
0x173: {  	vm4 =	vcmask $0xF14;
	[smem:s21], [sflag:$0x8] =	smem.add.s32 s20  }
0x174: {  	v2 =	vsel vm4, $0x0, v1;
	_ =	swait.done [sflag:s19]  }
0x175: {  	(xrf0) =	vadd.scan.msk.s32 $0xffff, v2;
	_ =	sdelay $0x5  }
0x176: {  	v2, _, _ =	vpop (xrf0)  }
0x177: {  	(v2sf) =	vpush v2, $0xF;
	_ =	sdelay $0xc  }
0x178: {  	[sflag:s19] =	ssyncset.s32 $0x0  }
0x179: {  	s22 =	simm.s32 $0x9;
	[sflag:s19] =	ssyncset.done $0x0  }
0x17a: {  	s24 =	simm.s32 $0x40000;
	[sflag:s22] =	ssyncset.done $0x0;
	s23 =	spop (v2sf)  }
0x17b: {  	vm5 =	vcmask $0x1318;
	[smem:s24], [sflag:$0x9] =	smem.add.s32 s23  }
0x17c: {  	v2 =	vsel vm5, $0x0, v1;
	_ =	swait.done [sflag:s22]  }
0x17d: {  	(xrf0) =	vadd.scan.msk.s32 $0xffff, v2;
	_ =	sdelay $0x5  }
0x17e: {  	v2, _, _ =	vpop (xrf0)  }
0x17f: {  	(v2sf) =	vpush v2, $0xF;
	_ =	sdelay $0xc  }
0x180: {  	[sflag:s22] =	ssyncset.s32 $0x0  }
0x181: {  	s25 =	simm.s32 $0xA;
	[sflag:s22] =	ssyncset.done $0x0  }
0x182: {  	s28 =	simm.s32 $0x50000;
	[sflag:s25] =	ssyncset.done $0x0;
	s26 =	spop (v2sf)  }
0x183: {  	vm6 =	vcmask $0x171C;
	[smem:s28], [sflag:$0xA] =	smem.add.s32 s26  }
0x184: {  	v2 =	vsel vm6, $0x0, v1;
	_ =	swait.done [sflag:s25]  }
0x185: {  	(xrf0) =	vadd.scan.msk.s32 $0xffff, v2;
	_ =	sdelay $0x5  }
0x186: {  	v2, _, _ =	vpop (xrf0)  }
0x187: {  	(v2sf) =	vpush v2, $0xF;
	_ =	sdelay $0xc  }
0x188: {  	[sflag:s25] =	ssyncset.s32 $0x0  }
0x189: {  	s29 =	simm.s32 $0xB;
	[sflag:s25] =	ssyncset.done $0x0  }
0x18a: {  	s31 =	simm.s32 $0x60000;
	[sflag:s29] =	ssyncset.done $0x0;
	s30 =	spop (v2sf)  }
0x18b: {  	vm7 =	vcmask $0x1B20;
	[smem:s31], [sflag:$0xB] =	smem.add.s32 s30  }
0x18c: {  	v2 =	vsel vm7, $0x0, v1;
	_ =	swait.done [sflag:s29]  }
0x18d: {  	(xrf0) =	vadd.scan.msk.s32 $0xffff, v2;
	_ =	sdelay $0x5  }
0x18e: {  	v2, _, _ =	vpop (xrf0)  }
0x18f: {  	(v2sf) =	vpush v2, $0xF;
	_ =	sdelay $0xc  }
0x190: {  	[sflag:s29] =	ssyncset.s32 $0x0  }
0x191: {  	s3 =	simm.s32 $0xC;
	[sflag:s29] =	ssyncset.done $0x0  }
0x192: {  	s6 =	simm.s32 $0x70000;
	[sflag:s3] =	ssyncset.done $0x0;
	s4 =	spop (v2sf)  }
0x193: {  	vm4 =	vcmask $0x1F24;
	[smem:s6], [sflag:$0xC] =	smem.add.s32 s4  }
0x194: {  	v2 =	vsel vm4, $0x0, v1;
	_ =	swait.done [sflag:s3]  }
0x195: {  	(xrf0) =	vadd.scan.msk.s32 $0xffff, v2;
	_ =	sdelay $0x5  }
0x196: {  	v2, _, _ =	vpop (xrf0)  }
0x197: {  	(v2sf) =	vpush v2, $0xF;
	_ =	sdelay $0xc  }
0x198: {  	[sflag:s3] =	ssyncset.s32 $0x0  }
0x199: {  	s7 =	simm.s32 $0xD;
	[sflag:s3] =	ssyncset.done $0x0  }
0x19a: {  	s9 =	simm.s32 $0x80000;
	[sflag:s7] =	ssyncset.done $0x0;
	s8 =	spop (v2sf)  }
0x19b: {  	vm5 =	vcmask $0x2328;
	[smem:s9], [sflag:$0xD] =	smem.add.s32 s8  }
0x19c: {  	v2 =	vsel vm5, $0x0, v1;
	_ =	swait.done [sflag:s7]  }
0x19d: {  	(xrf0) =	vadd.scan.msk.s32 $0xffff, v2;
	_ =	sdelay $0x5  }
0x19e: {  	v2, _, _ =	vpop (xrf0)  }
0x19f: {  	(v2sf) =	vpush v2, $0xF;
	_ =	sdelay $0xc  }
0x1a0: {  	[sflag:s7] =	ssyncset.s32 $0x0  }
0x1a1: {  	s10 =	simm.s32 $0xE;
	[sflag:s7] =	ssyncset.done $0x0  }
0x1a2: {  	s12 =	simm.s32 $0x90000;
	[sflag:s10] =	ssyncset.done $0x0;
	s11 =	spop (v2sf)  }
0x1a3: {  	vm6 =	vcmask $0x272C;
	[smem:s12], [sflag:$0xE] =	smem.add.s32 s11  }
0x1a4: {  	v2 =	vsel vm6, $0x0, v1;
	_ =	swait.done [sflag:s10]  }
0x1a5: {  	(xrf0) =	vadd.scan.msk.s32 $0xffff, v2;
	_ =	sdelay $0x5  }
0x1a6: {  	v2, _, _ =	vpop (xrf0)  }
0x1a7: {  	(v2sf) =	vpush v2, $0xF;
	_ =	sdelay $0xc  }
0x1a8: {  	[sflag:s10] =	ssyncset.s32 $0x0  }
0x1a9: {  	s13 =	simm.s32 $0xF;
	[sflag:s10] =	ssyncset.done $0x0  }
0x1aa: {  	s15 =	simm.s32 $0xA0000;
	[sflag:s13] =	ssyncset.done $0x0;
	s14 =	spop (v2sf)  }
0x1ab: {  	vm7 =	vcmask $0x2B30;
	[smem:s15], [sflag:$0xF] =	smem.add.s32 s14  }
0x1ac: {  	v2 =	vsel vm7, $0x0, v1;
	_ =	swait.done [sflag:s13]  }
0x1ad: {  	(xrf0) =	vadd.scan.msk.s32 $0xffff, v2;
	_ =	sdelay $0x5  }
0x1ae: {  	v2, _, _ =	vpop (xrf0)  }
0x1af: {  	(v2sf) =	vpush v2, $0xF;
	_ =	sdelay $0xc  }
0x1b0: {  	[sflag:s13] =	ssyncset.s32 $0x0  }
0x1b1: {  	s16 =	simm.s32 $0x10;
	[sflag:s13] =	ssyncset.done $0x0  }
0x1b2: {  	s18 =	simm.s32 $0xB0000;
	[sflag:s16] =	ssyncset.done $0x0;
	s17 =	spop (v2sf)  }
0x1b3: {  	vm4 =	vcmask $0x2F34;
	[smem:s18], [sflag:$0x10] =	smem.add.s32 s17  }
0x1b4: {  	v2 =	vsel vm4, $0x0, v1;
	_ =	swait.done [sflag:s16]  }
0x1b5: {  	(xrf0) =	vadd.scan.msk.s32 $0xffff, v2;
	_ =	sdelay $0x5  }
0x1b6: {  	v2, _, _ =	vpop (xrf0)  }
0x1b7: {  	(v2sf) =	vpush v2, $0xF;
	_ =	sdelay $0xc  }
0x1b8: {  	[sflag:s16] =	ssyncset.s32 $0x0  }
0x1b9: {  	s19 =	simm.s32 $0x11;
	[sflag:s16] =	ssyncset.done $0x0  }
0x1ba: {  	s21 =	simm.s32 $0xC0000;
	[sflag:s19] =	ssyncset.done $0x0;
	s20 =	spop (v2sf)  }
0x1bb: {  	vm5 =	vcmask $0x3338;
	[smem:s21], [sflag:$0x11] =	smem.add.s32 s20  }
0x1bc: {  	v2 =	vsel vm5, $0x0, v1;
	_ =	swait.done [sflag:s19]  }
0x1bd: {  	(xrf0) =	vadd.scan.msk.s32 $0xffff, v2;
	_ =	sdelay $0x5  }
0x1be: {  	v2, _, _ =	vpop (xrf0)  }
0x1bf: {  	(v2sf) =	vpush v2, $0xF;
	_ =	sdelay $0xc  }
0x1c0: {  	[sflag:s19] =	ssyncset.s32 $0x0  }
0x1c1: {  	s22 =	simm.s32 $0x12;
	[sflag:s19] =	ssyncset.done $0x0  }
0x1c2: {  	s24 =	simm.s32 $0xD0000;
	[sflag:s22] =	ssyncset.done $0x0;
	s23 =	spop (v2sf)  }
0x1c3: {  	vm6 =	vcmask $0x373C;
	[smem:s24], [sflag:$0x12] =	smem.add.s32 s23  }
0x1c4: {  	v2 =	vsel vm6, $0x0, v1;
	_ =	swait.done [sflag:s22]  }
0x1c5: {  	(xrf0) =	vadd.scan.msk.s32 $0xffff, v2;
	_ =	sdelay $0x5  }
0x1c6: {  	v2, _, _ =	vpop (xrf0)  }
0x1c7: {  	(v2sf) =	vpush v2, $0xF;
	_ =	sdelay $0xc  }
0x1c8: {  	[sflag:s22] =	ssyncset.s32 $0x0  }
0x1c9: {  	s25 =	simm.s32 $0x13;
	[sflag:s22] =	ssyncset.done $0x0  }
0x1ca: {  	s28 =	simm.s32 $0xE0000;
	[sflag:s25] =	ssyncset.done $0x0;
	s26 =	spop (v2sf)  }
0x1cb: {  	vm7 =	vmmov $0x7fff;
	[smem:s28], [sflag:$0x13] =	smem.add.s32 s26  }
0x1cc: {  	v1 =	vsel vm7, $0x0, v1;
	_ =	swait.done [sflag:s25]  }
0x1cd: {  	(xrf0) =	vadd.scan.msk.s32 $0xffff, v1;
	_ =	sdelay $0x5  }
0x1ce: {  	v1, _, _ =	vpop (xrf0)  }
0x1cf: {  	(v2sf) =	vpush v1, $0xF;
	_ =	sdelay $0xc  }
0x1d0: {  	[sflag:s25] =	ssyncset.s32 $0x0  }
0x1d1: {  	s29 =	simm.s32 $0x14;
	[sflag:s25] =	ssyncset.done $0x0  }
0x1d2: {  	s31 =	simm.s32 $0xF0000;
	[sflag:s29] =	ssyncset.done $0x0;
	s30 =	spop (v2sf)  }
0x1d3: {  	[smem:s31], [sflag:$0x14] =	smem.add.s32 s30  }
0x1d4: {  	_ =	swait.done [sflag:s29]  }
0x1d5: {  	[sflag:s29] =	ssyncset.s32 $0x0  }
0x1d6: {  	[sflag:s29] =	ssyncset.done $0x0  }
.LBB2_10:
0x1d7: {  	[bflag:$0x0] =	sbarrier.arrive $0xFFFF  }
0x1d8: {  	s0 =	sld [smem:$0x0];
	_ =	sdelay $0x2  }
0x1d9: {  	s1 =	ssub.s32 $0x0, s0  }
0x1da: {  	s1 =	sand.u32 $0x7, s1  }
0x1db: {  	s3 =	simm.s32 $0x1;
	s2 =	ssub.s32 s5, s1;
	p1 =	sne.s32 s5, s1  }
0x1dc: {  	s4 =	sshra.s32 s2, $0x1F;
	s3 =	simm.s32 @!p1 $0x0  }
0x1dd: {  	s19 =	sand.u32 $0x7, s2;
	s3 =	sor.u32 s3, s4  }
0x1de: {  	p2 =	sne.s32 s19, $0x0;
	p6 =	sne.s32 s3, $0x1  }
0x1df: {  	s20 =	sshrl.u32 s4, $0x1D;
	p1 =	por !p2, !p6  }
0x1e0: {  	v1 =	vimm.s32 $0x76543210;
	s4 =	simm.s32 $0x1;
	s3 =	sadd.s32 s20, s2;
	p1 =	por !p1, !p1  }
0x1e1: {  	v1 =	vunpack.c.l.s4.s8 v1;
	s3 =	sshra.s32 s3, $0x3;
	s4 =	simm.s32 @!p1 $0x0  }
0x1e2: {  	s4 =	ssub.s32 s3, s4  }
0x1e3: {  	v2 =	vunpack.c.0.s8.s32 v1;
	s5 =	sshll.u32 s4, $0x3  }
0x1e4: {  	s21 =	sor.u32 s1, s5  }
0x1e5: {  	v1 =	vlaneseq.u32;
	v2 =	vadd.s32 s21, v2  }
0x1e6: {  	v2 =	vsel vm11, v1, v2  }
0x1e7: {  	vm0 =	vgt.s32 v2, $0x0  }
0x1e8: {  	v0 =	vadd.s32 s0, v0;
	v2 =	vnsel vm0, $0x0, v2  }
0x1e9: {  	v3 =	vadd.s32 $0x1, v1;
	v0 =	vnsel vm15, $0x0, v0;
	v2 =	vmin.u32 v2, $0x80F  }
0x1ea: {  	s8 =	simm.s32 $0x10;
	[tilespmem:$0x5D00] =	vst v0;
	v0 =	vnsel vm15, $0x0, v3  }
0x1eb: {  	s22 =	simm.s32 $0x5C80;
	s6 =	simm.s32 $0x5D00;
	s7 =	rddreg [dreg:$0x5];
	[tilespmem:$0x5C80] =	vst v0  }
0x1ec: {  	[hbm4b:s7+s8] =	stream.indirect.scatter [tilespmem:s6], [sflag:$0x3], $0x1, s22, s8, $0xb8;
	[tilespmem:$0x5F00] =	vst v63  }
0x1ed: {  	s7 =	simm.s32 $0x2200  }
0x1ee: {  	v0 =	vld.idx.msk [tilespmem:v2+s7+$0x0], $0xffff;
	_ =	sdelay $0x4  }
0x1ef: {  	s6 =	simm.s32 $0x2A80;
	[tilespmem:$0x5D80] =	vst v0  }
0x1f0: {  	s3 =	sadd.s32 s0, s1;
	s2 =	ssub.s32 s2, s5;
	v2 =	vld.idx.msk [tilespmem:v2+s6+$0x0], $0xffff  }
0x1f1: {  	v4 =	vadd.s32 $0xFFFFFFF8, v1;
	s23 =	sadd.s32 s3, s5;
	v3 =	vmov s2  }
0x1f2: {  	vm1 =	vcmask $0x3F20;
	vm15 =	vgt.s32 v3, v4;
	v3 =	vadd.s32 s23, v4  }
0x1f3: {  	s24 =	simm.s32 $0x0;
	v4 =	vadd.s32 s0, v1;
	vm0 =	vmand vm15, vm1;
	v0 =	vmov s1  }
0x1f4: {  	v3 =	vnsel vm0, $0x8000, v3;
	vm2 =	vgt.u32 v0, v1;
	v5 =	vadd.s32 s24, v0  }
0x1f5: {  	[tilespmem:$0x5E00] =	vst v2;
	v2 =	vsel vm2, v4, v3;
	v3 =	vadd.s32 v1, v5  }
0x1f6: {  	s25 =	simm.s32 $0x5E80;
	s26 =	simm.s32 $0x5D80;
	s12 =	rddreg [dreg:$0x3];
	[tilespmem:$0x5E80] =	vst v2  }
0x1f7: {  	[hbm4b:s12+s8] =	stream.indirect.scatter [tilespmem:s26], [sflag:$0x3], $0x1, s25, s8, $0xb8;
	[tilespmem:$0x5F00] =	vst v63  }
0x1f8: {  	s28 =	simm.s32 $0x5E00;
	s29 =	simm.s32 $0x10;
	s11 =	rddreg [dreg:$0x4]  }
0x1f9: {  	v2 =	vadd.s32 s29, v0;
	[hbm4b:s11+s8] =	stream.indirect.scatter [tilespmem:s28], [sflag:$0x3], $0x1, s25, s8, $0xb8;
	[tilespmem:$0x5F00] =	vst v63  }
0x1fa: {  	v6 =	vadd.s32 v1, v2;
	v4 =	vld.idx.msk [tilespmem:v3+s7+$0x0], $0xffff;
	_ =	sdelay $0x2  }
0x1fb: {  	s30 =	simm.s32 $0x20  }
0x1fc: {  	s31 =	simm.s32 $0x3B00;
	v2 =	vadd.s32 s30, v0  }
0x1fd: {  	v2 =	vadd.s32 v1, v2;
	v7 =	vld.idx.msk [tilespmem:v6+s7+$0x0], $0xffff;
	[tilespmem:s31+$0x0] =	vst v4  }
0x1fe: {  	v8 =	vld.idx.msk [tilespmem:v3+s6+$0x0], $0xffff;
	_ =	sdelay $0x2  }
0x1ff: {  	s10 =	simm.s32 $0x30;
	s9 =	simm.s32 $0x3B10  }
0x200: {  	s8 =	simm.s32 $0x4380;
	v5 =	vld.idx.msk [tilespmem:v2+s7+$0x0], $0xffff;
	v3 =	vadd.s32 s10, v0;
	[tilespmem:s9+$0x0] =	vst v7  }
0x201: {  	v4 =	vadd.s32 v1, v3;
	v3 =	vld.idx.msk [tilespmem:v6+s6+$0x0], $0xffff;
	[tilespmem:s8+$0x0] =	vst v8  }
.LBB2_11:
0x202: {  	s10 =	sadd.s32 $0x10, s10  }
0x203: {  	p1 =	slt.u32 s10, $0x7F0  }
.Ltmp5:
0x204: {  	_ = 	snop;
	(pc) =	sbr.rel @p1 .LBB2_11-.Ltmp5, $4  }
0x205: {  	_ = 	snop  }
0x206: {  	s9 =	sadd.s32 $0x10, s9;
	s8 =	sadd.s32 $0x10, s8  }
0x207: {  	v6 =	vadd.s32 s10, v0;
	[tilespmem:s9+$0x0] =	vst v5;
	v5 =	vld.idx.msk [tilespmem:v4+s7+$0x0], $0xffff  }
0x208: {  	[tilespmem:s8+$0x0] =	vst v3;
	v3 =	vld.idx.msk [tilespmem:v2+s6+$0x0], $0xffff;
	v2 =	vmov v4;
	v4 =	vadd.s32 v1, v6  }
0x209: {  	_ =	sdelay $0x3  }
0x20a: {  	v0 =	vld.idx.msk [tilespmem:v4+s7+$0x0], $0xffff  }
0x20b: {  	s0 =	sadd.s32 $0x10, s9  }
0x20c: {  	s16 =	sadd.s32 $0x10, s8;
	s1 =	sand.u32 $0x800, s5;
	s2 =	sshrl.u32 s3, $0x3  }
0x20d: {  	s18 =	simm.s32 $0x3B00;
	s20 =	simm.s32 $0x4380;
	s21 =	sand.u32 $0x80, s4  }
0x20e: {  	s23 =	sshll.u32 s4, $0x4;
	s25 =	sand.u32 $0xC00, s5;
	[tilespmem:s0+$0x0] =	vst v5;
	s0 =	sadd.s32 $0x10, s0  }
0x20f: {  	s26 =	sshll.u32 s4, $0x19;
	s28 =	sand.u32 $0x40, s4;
	s9 =	sand.u32 $0xE00, s5;
	v1 =	vld.idx.msk [tilespmem:v2+s6+$0x0], $0xffff;
	[tilespmem:s0+$0x0] =	vst v0  }
0x210: {  	s10 =	sshll.u32 s4, $0x1A;
	s13 =	sand.u32 $0x20, s4;
	p1 =	seq.s32 s1, $0x0;
	v0 =	vld.idx.msk [tilespmem:v4+s6+$0x0], $0xffff  }
0x211: {  	s22 =	sadd.s32 s3, s1;
	s1 =	sand.u32 s1, s23;
	s29 =	sadd.s32 s3, s25  }
0x212: {  	s14 =	sadd.s32 s3, s9;
	s2 =	simm.s32 @p1 $0x1002;
	p1 =	seq.s32 s21, $0x0  }
0x213: {  	s7 =	sadd.s32 $0x3B00, s1;
	s1 =	sor.u32 $0x4380, s1;
	[tilespmem:s16+$0x0] =	vst v3;
	s0 =	sadd.s32 $0x10, s16  }
0x214: {  	s17 =	sadd.s32 s12, s2;
	s19 =	sadd.s32 s11, s2;
	[tilespmem:s0+$0x0] =	vst v1;
	s0 =	sadd.s32 $0x10, s0  }
0x215: {  	s2 =	sshrl.u32 s29, $0x3;
	s6 =	simm.s32 $0x0;
	[tilespmem:s0+$0x0] =	vst v0;
	s0 =	sshrl.u32 s22, $0x3  }
0x216: {  	[hbm4b:s17+s6] =	stream.linear.scatter [tilespmem:s18], [sflag:$0x3], $0x800, $0x38;
	[tilespmem:$0x5F00] =	vst v63  }
0x217: {  	s0 =	simm.s32 @p1 $0x1002;
	p1 =	seq.s32 s28, $0x0;
	s18 =	sand.u32 $0xF00, s5  }
0x218: {  	s28 =	sand.u32 $0x8, s4;
	s24 =	sadd.s32 s12, s0;
	s0 =	sadd.s32 s11, s0  }
0x219: {  	s2 =	simm.s32 @p1 $0x1002;
	p1 =	seq.s32 s13, $0x0;
	s21 =	sadd.s32 s3, s18  }
0x21a: {  	[hbm4b:s19+s6] =	stream.linear.scatter [tilespmem:s20], [sflag:$0x3], $0x800, $0x38;
	[tilespmem:$0x5F00] =	vst v63  }
0x21b: {  	s13 =	sand.u32 $0x4, s4;
	s30 =	sadd.s32 s12, s2;
	s8 =	sadd.s32 s11, s2  }
0x21c: {  	s2 =	sshrl.u32 s14, $0x3;
	s19 =	sshll.u32 s4, $0x1B;
	s20 =	sand.u32 $0x10, s4  }
0x21d: {  	s2 =	simm.s32 @p1 $0x1002;
	p1 =	seq.s32 s20, $0x0;
	s20 =	sand.u32 $0x2, s4  }
0x21e: {  	[hbm4b:s24+s6] =	stream.linear.scatter [tilespmem:s7], [sflag:$0x3], $0x400, $0x38;
	[tilespmem:$0x5F00] =	vst v63  }
0x21f: {  	s15 =	sadd.s32 s12, s2;
	s17 =	sadd.s32 s11, s2;
	s2 =	sshrl.u32 s21, $0x3  }
0x220: {  	[hbm4b:s0+s6] =	stream.linear.scatter [tilespmem:s1], [sflag:$0x3], $0x400, $0x38;
	[tilespmem:$0x5F00] =	vst v63  }
0x221: {  	s2 =	simm.s32 @p1 $0x1002;
	p1 =	seq.s32 s28, $0x0;
	s1 =	sshra.s32 s26, $0x1F  }
0x222: {  	s22 =	sadd.s32 s12, s2;
	s24 =	sadd.s32 s11, s2;
	s0 =	sand.u32 s25, s1  }
0x223: {  	s26 =	sshll.u32 s4, $0x1C;
	s25 =	sand.u32 $0xF80, s5;
	s31 =	sadd.s32 $0x3B00, s0  }
0x224: {  	[hbm4b:s30+s6] =	stream.linear.scatter [tilespmem:s31], [sflag:$0x3], $0x200, $0x38;
	[tilespmem:$0x5F00] =	vst v63  }
0x225: {  	s1 =	sshra.s32 s10, $0x1F;
	s0 =	sor.u32 $0x4380, s0;
	s29 =	sadd.s32 s3, s25  }
0x226: {  	[hbm4b:s8+s6] =	stream.linear.scatter [tilespmem:s0], [sflag:$0x3], $0x200, $0x38;
	[tilespmem:$0x5F00] =	vst v63  }
0x227: {  	s10 =	sshll.u32 s4, $0x1D;
	s2 =	sshrl.u32 s29, $0x3;
	s0 =	sand.u32 s9, s1  }
0x228: {  	s2 =	simm.s32 @p1 $0x1002;
	p1 =	seq.s32 s13, $0x0;
	s16 =	sadd.s32 $0x3B00, s0  }
0x229: {  	[hbm4b:s15+s6] =	stream.linear.scatter [tilespmem:s16], [sflag:$0x3], $0x100, $0x38;
	[tilespmem:$0x5F00] =	vst v63  }
0x22a: {  	s1 =	sshra.s32 s19, $0x1F;
	s30 =	sadd.s32 s12, s2;
	s0 =	sadd.s32 $0x4380, s0  }
0x22b: {  	[hbm4b:s17+s6] =	stream.linear.scatter [tilespmem:s0], [sflag:$0x3], $0x100, $0x38;
	[tilespmem:$0x5F00] =	vst v63  }
0x22c: {  	s8 =	sadd.s32 s11, s2;
	s9 =	sand.u32 $0xFC0, s5;
	s0 =	sand.u32 s18, s1  }
0x22d: {  	s19 =	sshll.u32 s4, $0x1E;
	s14 =	sadd.s32 s3, s9;
	s23 =	sadd.s32 $0x3B00, s0  }
0x22e: {  	[hbm4b:s22+s6] =	stream.linear.scatter [tilespmem:s23], [sflag:$0x3], $0x80, $0x38;
	[tilespmem:$0x5F00] =	vst v63  }
0x22f: {  	s2 =	sshrl.u32 s14, $0x3;
	s1 =	sshra.s32 s26, $0x1F;
	s0 =	sadd.s32 $0x4380, s0  }
0x230: {  	[hbm4b:s24+s6] =	stream.linear.scatter [tilespmem:s0], [sflag:$0x3], $0x80, $0x38;
	[tilespmem:$0x5F00] =	vst v63  }
0x231: {  	s2 =	simm.s32 @p1 $0x1002;
	p1 =	seq.s32 s20, $0x0;
	s0 =	sand.u32 s25, s1  }
0x232: {  	s15 =	sadd.s32 s12, s2;
	s17 =	sadd.s32 s11, s2;
	s31 =	sadd.s32 $0x3B00, s0  }
0x233: {  	[hbm4b:s30+s6] =	stream.linear.scatter [tilespmem:s31], [sflag:$0x3], $0x40, $0x38;
	[tilespmem:$0x5F00] =	vst v63  }
0x234: {  	s18 =	sand.u32 $0xFE0, s5;
	s1 =	sshra.s32 s10, $0x1F;
	s0 =	sadd.s32 $0x4380, s0  }
0x235: {  	[hbm4b:s8+s6] =	stream.linear.scatter [tilespmem:s0], [sflag:$0x3], $0x40, $0x38;
	[tilespmem:$0x5F00] =	vst v63  }
0x236: {  	s26 =	sand.u32 $0x1, s4;
	s21 =	sadd.s32 s3, s18;
	s0 =	sand.u32 s9, s1  }
0x237: {  	s29 =	ssub.s32 $0x0, s26;
	s2 =	sshrl.u32 s21, $0x3;
	s16 =	sadd.s32 $0x3B00, s0  }
0x238: {  	[hbm4b:s15+s6] =	stream.linear.scatter [tilespmem:s16], [sflag:$0x3], $0x20, $0x38;
	[tilespmem:$0x5F00] =	vst v63  }
0x239: {  	s2 =	simm.s32 @p1 $0x1002;
	s1 =	sshra.s32 s19, $0x1F;
	s0 =	sadd.s32 $0x4380, s0  }
0x23a: {  	[hbm4b:s17+s6] =	stream.linear.scatter [tilespmem:s0], [sflag:$0x3], $0x20, $0x38;
	[tilespmem:$0x5F00] =	vst v63  }
0x23b: {  	p1 =	seq.s32 s26, $0x1;
	s25 =	sand.u32 $0xFF0, s5;
	s0 =	sand.u32 s18, s1  }
0x23c: {  	s22 =	sadd.s32 s12, s2;
	s28 =	sadd.s32 s3, s25;
	s23 =	sadd.s32 $0x3B00, s0  }
0x23d: {  	[hbm4b:s22+s6] =	stream.linear.scatter [tilespmem:s23], [sflag:$0x3], $0x10, $0x38;
	[tilespmem:$0x5F00] =	vst v63  }
0x23e: {  	s24 =	sadd.s32 s11, s2;
	s1 =	sshrl.u32 s28, $0x3;
	s0 =	sadd.s32 $0x4380, s0  }
0x23f: {  	[hbm4b:s24+s6] =	stream.linear.scatter [tilespmem:s0], [sflag:$0x3], $0x10, $0x38;
	[tilespmem:$0x5F00] =	vst v63  }
0x240: {  	s1 =	simm.s32 @!p1 $0x1002;
	s0 =	sand.u32 s25, s29  }
0x241: {  	s30 =	sadd.s32 s12, s1;
	s3 =	sadd.s32 $0x3B00, s0  }
0x242: {  	[hbm4b:s30+s6] =	stream.linear.scatter [tilespmem:s3], [sflag:$0x3], $0x8, $0x38;
	[tilespmem:$0x5F00] =	vst v63  }
0x243: {  	s31 =	simm.s32 $0x3;
	s1 =	sadd.s32 s11, s1;
	s0 =	sadd.s32 $0x4380, s0  }
0x244: {  	[hbm4b:s1+s6] =	stream.linear.scatter [tilespmem:s0], [sflag:$0x3], $0x8, $0x38;
	[tilespmem:$0x5F00] =	vst v63  }
0x245: {  	_ =	swait.ge [sflag:s31], $0x10  }
0x246: {  	[sflag:s31] =	ssyncset.done $0x0  }
0x247: {  	[sflag:s31] =	ssyncadd.s32 $0xFFFFFFF0  }
0x248: {  	_ =	swait.ge [sflag:s31], $0x10  }
0x249: {  	[sflag:s31] =	ssyncset.done $0x0  }
0x24a: {  	[sflag:s31] =	ssyncadd.s32 $0xFFFFFFF0  }
0x24b: {  	_ =	swait.ge [sflag:s31], $0x10  }
0x24c: {  	[sflag:s31] =	ssyncset.done $0x0  }
0x24d: {  	[sflag:s31] =	ssyncadd.s32 $0xFFFFFFF0  }
0x24e: {  	_ =	swait.ge [sflag:s31], $0x800  }
0x24f: {  	[sflag:s31] =	ssyncset.done $0x0  }
0x250: {  	[sflag:s31] =	ssyncadd.s32 $0xFFFFF800  }
0x251: {  	_ =	swait.ge [sflag:s31], $0x800  }
0x252: {  	[sflag:s31] =	ssyncset.done $0x0  }
0x253: {  	[sflag:s31] =	ssyncadd.s32 $0xFFFFF800  }
0x254: {  	_ =	swait.ge [sflag:s31], $0x400  }
0x255: {  	[sflag:s31] =	ssyncset.done $0x0  }
0x256: {  	[sflag:s31] =	ssyncadd.s32 $0xFFFFFC00  }
0x257: {  	_ =	swait.ge [sflag:s31], $0x400  }
0x258: {  	[sflag:s31] =	ssyncset.done $0x0  }
0x259: {  	[sflag:s31] =	ssyncadd.s32 $0xFFFFFC00  }
0x25a: {  	_ =	swait.ge [sflag:s31], $0x200  }
0x25b: {  	[sflag:s31] =	ssyncset.done $0x0  }
0x25c: {  	[sflag:s31] =	ssyncadd.s32 $0xFFFFFE00  }
0x25d: {  	_ =	swait.ge [sflag:s31], $0x200  }
0x25e: {  	[sflag:s31] =	ssyncset.done $0x0  }
0x25f: {  	[sflag:s31] =	ssyncadd.s32 $0xFFFFFE00  }
0x260: {  	_ =	swait.ge [sflag:s31], $0x100  }
0x261: {  	[sflag:s31] =	ssyncset.done $0x0  }
0x262: {  	[sflag:s31] =	ssyncadd.s32 $0xFFFFFF00  }
0x263: {  	_ =	swait.ge [sflag:s31], $0x100  }
0x264: {  	[sflag:s31] =	ssyncset.done $0x0  }
0x265: {  	[sflag:s31] =	ssyncadd.s32 $0xFFFFFF00  }
0x266: {  	_ =	swait.ge [sflag:s31], $0x80  }
0x267: {  	[sflag:s31] =	ssyncset.done $0x0  }
0x268: {  	[sflag:s31] =	ssyncadd.s32 $0xFFFFFF80  }
0x269: {  	_ =	swait.ge [sflag:s31], $0x80  }
0x26a: {  	[sflag:s31] =	ssyncset.done $0x0  }
0x26b: {  	[sflag:s31] =	ssyncadd.s32 $0xFFFFFF80  }
0x26c: {  	_ =	swait.ge [sflag:s31], $0x40  }
0x26d: {  	[sflag:s31] =	ssyncset.done $0x0  }
0x26e: {  	[sflag:s31] =	ssyncadd.s32 $0xFFFFFFC0  }
0x26f: {  	_ =	swait.ge [sflag:s31], $0x40  }
0x270: {  	[sflag:s31] =	ssyncset.done $0x0  }
0x271: {  	[sflag:s31] =	ssyncadd.s32 $0xFFFFFFC0  }
0x272: {  	_ =	swait.ge [sflag:s31], $0x20  }
0x273: {  	[sflag:s31] =	ssyncset.done $0x0  }
0x274: {  	[sflag:s31] =	ssyncadd.s32 $0xFFFFFFE0  }
0x275: {  	_ =	swait.ge [sflag:s31], $0x20  }
0x276: {  	[sflag:s31] =	ssyncset.done $0x0  }
0x277: {  	[sflag:s31] =	ssyncadd.s32 $0xFFFFFFE0  }
0x278: {  	_ =	swait.ge [sflag:s31], $0x10  }
0x279: {  	[sflag:s31] =	ssyncset.done $0x0  }
0x27a: {  	[sflag:s31] =	ssyncadd.s32 $0xFFFFFFF0  }
0x27b: {  	_ =	swait.ge [sflag:s31], $0x10  }
0x27c: {  	[sflag:s31] =	ssyncset.done $0x0  }
0x27d: {  	[sflag:s31] =	ssyncadd.s32 $0xFFFFFFF0  }
0x27e: {  	_ =	swait.ge [sflag:s31], $0x8  }
0x27f: {  	[sflag:s31] =	ssyncset.done $0x0  }
0x280: {  	[sflag:s31] =	ssyncadd.s32 $0xFFFFFFF8  }
0x281: {  	_ =	swait.ge [sflag:s31], $0x8  }
0x282: {  	[sflag:s31] =	ssyncset.done $0x0  }
0x283: {  	[sflag:s31] =	ssyncadd.s32 $0xFFFFFFF8  }
0x284: {  	_ =	sfence.sel $0x180000  }
0x285: {  	[bflag:$0x0] =	sbarrier.arrive $0xFFFF  }
0x286: {  	_ =	strace $0x90000047  }
0x287: {  	[bflag:$0x2] =	sbarrier.arrive $0xFFFF  }
0x288: {  	s0 =	rddreg [dreg:$0x6]  }
0x289: {  	s0 =	sadd.s32 @!p0 $0x100000, s0  }
0x28a: {  	[sflag:s0] =	ssyncadd.tile.s32 @!p0 $0x1;
	_ =	shalt  }
.Lfunc_end2:
_tile_overlayer_lowered:
.L_overlay_start_2:
0x28b: {  	(tag) =	ssettag $0x2  }
0x28c: {  	s0 =	rddreg [dreg:$0x0];
	s2 =	stileid.u32  }
0x28d: {  	s1 =	rddreg [dreg:$0x1];
	p0 =	sne.s32 s2, $0x0  }
0x28e: {  	s3 =	rddreg [dreg:$0x2];
	[bflag:$0x3] =	sbarrier.arrive $0xFFFF;
	s2 =	simm.s32 @!p0 $0x1C04  }
0x28f: {  	[timem:s3], [sflag:s2] =	dma.local @!p0 [hbm:s0], s1  }
0x290: {  	s0 =	simm.s32 @!p0 $0x4  }
0x291: {  	_ =	swait.ge @!p0 [sflag:s0], s1  }
0x292: {  	s1 =	ssub.s32 @!p0 $0x0, s1;
	[sflag:s0] =	ssyncset.done @!p0 $0x0  }
0x293: {  	[sflag:s0] =	ssyncadd.s32 @!p0 s1  }
0x294: {  	[bflag:$0x3] =	sbarrier.arrive $0xFFFF  }
0x295: {  	_ =	shalt  }

</sc_bundles>
